<compile_context>
chip_gen: v7x
topology: tpu7x:2x2x1
jax: 0.10.2.dev20260603
libtpu: 0.0.44.dev20260713+nightly
codegen_flags: <defaults>
</compile_context>

<pallas_src>
import jax
import jax.numpy as jnp
from jax import lax
from jax.experimental import pallas as pl
from jax.experimental.pallas import tpu as pltpu
from jax.experimental.pallas import tpu_sc as plsc

NC, NS = 2, 16
NW = NC * NS
K_TC = 28


def sc_add(hidden_states, idx_rep, control_vectors, M, K, CH=8):
    B, S, E = hidden_states.shape
    wpb = NW // M
    rpw = S // wpb
    nch = rpw // CH
    EV = E // 16

    def body(h_hbm, idx_hbm, cv_hbm, out_hbm,
             priv_idx, myrow_v, in0, in1, out0, out1,
             gsem, isem0, isem1, osem0, osem1):
        wid = lax.axis_index("s") * NC + lax.axis_index("c")
        boff = wid // wpb
        row0 = (wid % wpb) * rpw
        batch = K + boff

        pltpu.sync_copy(idx_hbm.at[batch], priv_idx)
        pltpu.async_copy(
            cv_hbm.at[priv_idx.at[pl.ds(0, 1)]], myrow_v, gsem
        ).wait()

        ins = (in0, in1)
        outs = (out0, out1)
        isems = (isem0, isem1)
        osems = (osem0, osem1)

        def start_in(j, chunk):
            pltpu.make_async_copy(
                h_hbm.at[batch, pl.ds(row0 + chunk * CH, CH)], ins[j], isems[j]
            ).start()

        def wait_in(j):
            pltpu.make_async_copy(
                h_hbm.at[batch, pl.ds(row0, CH)], ins[j], isems[j]
            ).wait()

        def start_out(j, chunk):
            pltpu.make_async_copy(
                outs[j], out_hbm.at[boff, pl.ds(row0 + chunk * CH, CH)], osems[j]
            ).start()

        def wait_out(j):
            pltpu.make_async_copy(
                outs[j], out_hbm.at[boff, pl.ds(row0, CH)], osems[j]
            ).wait()

        def compute(j):
            @pl.loop(0, EV, unroll=8)
            def _(e):
                cv = myrow_v[0, pl.ds(e * 16, 16)]
                for s in range(CH):
                    outs[j][s, pl.ds(e * 16, 16)] = (
                        ins[j][s, pl.ds(e * 16, 16)] + cv
                    )

        start_in(0, 0)
        start_in(1, 1)

        @pl.loop(0, nch, step=2)
        def _(i):
            for j in range(2):
                ii = i + j
                wait_in(j)

                @pl.when(ii >= 2)
                def _():
                    wait_out(j)

                compute(j)
                start_out(j, ii)

                @pl.when(ii + 2 < nch)
                def _():
                    start_in(j, ii + 2)

        wait_out(0)
        wait_out(1)

    mesh = plsc.VectorSubcoreMesh(core_axis_name="c", subcore_axis_name="s")
    return pl.kernel(
        body,
        out_type=jax.ShapeDtypeStruct((M, S, E), jnp.float32),
        mesh=mesh,
        scratch_types=[
            pltpu.VMEM((16,), jnp.int32),
            pltpu.VMEM((1, E), jnp.float32),
            pltpu.VMEM((CH, E), jnp.float32),
            pltpu.VMEM((CH, E), jnp.float32),
            pltpu.VMEM((CH, E), jnp.float32),
            pltpu.VMEM((CH, E), jnp.float32),
            pltpu.SemaphoreType.DMA,
            pltpu.SemaphoreType.DMA,
            pltpu.SemaphoreType.DMA,
            pltpu.SemaphoreType.DMA,
            pltpu.SemaphoreType.DMA,
        ],
    )(hidden_states, idx_rep, control_vectors)


def _tc_body(idx_ref, h_ref, cv_ref, o_ref):
    o_ref[...] = h_ref[...] + cv_ref[0]


def tc_add(hidden_states, idx, control_vectors, K):
    B, S, E = hidden_states.shape
    n = control_vectors.shape[0]
    cv3 = control_vectors.reshape(n, 1, E)

    def h_map(b, s, idx_ref):
        return (b, s, 0)

    def cv_map(b, s, idx_ref):
        return (jnp.clip(idx_ref[b], 0, n - 1), 0, 0)

    return pl.pallas_call(
        _tc_body,
        grid_spec=pltpu.PrefetchScalarGridSpec(
            num_scalar_prefetch=1,
            grid=(K, 1),
            in_specs=[
                pl.BlockSpec((1, S, E), h_map),
                pl.BlockSpec((1, 1, E), cv_map),
            ],
            out_specs=pl.BlockSpec((1, S, E), h_map),
        ),
        out_shape=jax.ShapeDtypeStruct((K, S, E), hidden_states.dtype),
    )(idx, hidden_states, cv3)


def kernel(hidden_states, affective_state_indices, control_vectors):
    B, S, E = hidden_states.shape
    n = control_vectors.shape[0]
    idx = jnp.clip(affective_state_indices.astype(jnp.int32), 0, n - 1)
    idx_rep = jnp.broadcast_to(idx[:, None], (B, 16))
    M = B - K_TC
    sc_out = sc_add(hidden_states, idx_rep, control_vectors, M=M, K=K_TC)
    tc_out = tc_add(hidden_states, idx, control_vectors, K=K_TC)
    return jnp.concatenate([tc_out, sc_out], axis=0)

# --- scband reference (transcript-rebuilt; emitter-appended) ---
"""Pipeline reference for scband-representation-controller-57114475102706 (READ-ONLY COPY).

The authoritative reference and input builder live on the scoring server;
editing this copy changes nothing except your own understanding.
"""

import jax, jax.numpy as jnp
import numpy as np

EMBEDDING_DIM = 1024
NUM_AFFECTIVE_STATES = 64
BATCH = 32
SEQ = 2048

def setup_inputs(seed: int = 0) -> dict:
    key = jax.random.key(seed)
    k1, k2, k3 = jax.random.split(key, 3)
    hidden_states = jax.random.normal(k1, (BATCH, SEQ, EMBEDDING_DIM), dtype=jnp.float32)
    affective_state_indices = jax.random.randint(k2, (BATCH,), 0, NUM_AFFECTIVE_STATES, dtype=jnp.int64 if jax.config.jax_enable_x64 else jnp.int32)
    control_vectors = jax.random.normal(k3, (NUM_AFFECTIVE_STATES, EMBEDDING_DIM), dtype=jnp.float32)
    return {"hidden_states": hidden_states, "affective_state_indices": affective_state_indices, "control_vectors": control_vectors}

def reference(hidden_states, affective_state_indices, control_vectors):
    alpha = 1.0
    batch_size = hidden_states.shape[0]
    idx = jnp.clip(affective_state_indices, 0, control_vectors.shape[0] - 1)
    adjustment = jnp.take(control_vectors, idx, axis=0).reshape(batch_size, 1, -1)
    adjusted_rep = hidden_states + alpha * adjustment
    return adjusted_rep

if __name__ == "__main__":
    import jax
    _d = setup_inputs()
    print(jax.jit(kernel)(*tuple(_d.values())))

</pallas_src>

<mosaic_0001>
#map = affine_map<(d0, d1) -> (0, 0, 0)>
#map1 = affine_map<(d0, d1) -> (0, 0)>
module attributes {stable_mosaic.version = 14 : i64} {
  func.func @body(%arg0: i32, %arg1: i32, %arg2: memref<32x2048x1024xf32, #tpu.memory_space<hbm>>, %arg3: memref<32x16xi32, #tpu.memory_space<hbm>>, %arg4: memref<64x1024xf32, #tpu.memory_space<hbm>>, %arg5: memref<4x2048x1024xf32, #tpu.memory_space<hbm>>, %arg6: memref<16xi32, #tpu.memory_space<vmem>>, %arg7: memref<1x1024xf32, #tpu.memory_space<vmem>>, %arg8: memref<8x1024xf32, #tpu.memory_space<vmem>>, %arg9: memref<8x1024xf32, #tpu.memory_space<vmem>>, %arg10: memref<8x1024xf32, #tpu.memory_space<vmem>>, %arg11: memref<8x1024xf32, #tpu.memory_space<vmem>>, %arg12: memref<!tpu.dma_semaphore, #tpu.memory_space<semaphore_mem>>, %arg13: memref<!tpu.dma_semaphore, #tpu.memory_space<semaphore_mem>>, %arg14: memref<!tpu.dma_semaphore, #tpu.memory_space<semaphore_mem>>, %arg15: memref<!tpu.dma_semaphore, #tpu.memory_space<semaphore_mem>>, %arg16: memref<!tpu.dma_semaphore, #tpu.memory_space<semaphore_mem>>) attributes {dimension_semantics = [#tpu.dimension_semantics<core_parallel>, #tpu.dimension_semantics<subcore_parallel>], iteration_bounds = array<i64: 2, 16>, scalar_prefetch = 0 : i64, scratch_operands = 11 : i64, tpu.core_type = #tpu.core_type<sc_vector_subcore>, window_params = [{transform_indices = #map}, {transform_indices = #map1}, {transform_indices = #map1}, {transform_indices = #map}]} {
    %mul3A = arith.constant 2 : i32
    %mul3A_0 = arith.muli %arg1, %mul3A : i32
    %add3A = arith.addi %mul3A_0, %arg0 : i32
    %jit3A = arith.constant 8 : i32
    %div3A = arith.divsi %add3A, %jit3A : i32
    %sign3A = arith.constant 0 : i32
    %sign3A_1 = arith.cmpi sgt, %add3A, %sign3A : i32
    %sign3A_2 = arith.extui %sign3A_1 : i1 to i32
    %sign3A_3 = arith.constant 0 : i32
    %sign3A_4 = arith.cmpi slt, %add3A, %sign3A_3 : i32
    %sign3A_5 = arith.extui %sign3A_4 : i1 to i32
    %sign3A_6 = arith.subi %sign3A_2, %sign3A_5 : i32
    %sign3A_7 = arith.constant 0 : i32
    %sign3A_8 = arith.cmpi sgt, %jit3A, %sign3A_7 : i32
    %sign3A_9 = arith.extui %sign3A_8 : i1 to i32
    %sign3A_10 = arith.constant 0 : i32
    %sign3A_11 = arith.cmpi slt, %jit3A, %sign3A_10 : i32
    %sign3A_12 = arith.extui %sign3A_11 : i1 to i32
    %sign3A_13 = arith.subi %sign3A_9, %sign3A_12 : i32
    %ne3A = arith.cmpi ne, %sign3A_6, %sign3A_13 : i32
    %rem3A = arith.remsi %add3A, %jit3A : i32
    %ne3A_14 = arith.constant 0 : i32
    %ne3A_15 = arith.cmpi ne, %rem3A, %ne3A_14 : i32
    %and3A = arith.andi %ne3A, %ne3A_15 : i1
    %sub3A = arith.constant 1 : i32
    %sub3A_16 = arith.subi %div3A, %sub3A : i32
    %select_n3A = arith.select %and3A, %sub3A_16, %div3A : i32
    %jit3A_17 = arith.constant 8 : i32
    %eq3A = arith.constant 0 : i32
    %eq3A_18 = arith.cmpi eq, %jit3A_17, %eq3A : i32
    %jit3A_19 = arith.constant 1 : i32
    %select_n3A_20 = arith.select %eq3A_18, %jit3A_19, %jit3A_17 : i32
    %rem3A_21 = arith.remsi %add3A, %select_n3A_20 : i32
    %ne3A_22 = arith.constant 0 : i32
    %ne3A_23 = arith.cmpi ne, %rem3A_21, %ne3A_22 : i32
    %lt3A = arith.constant 0 : i32
    %lt3A_24 = arith.cmpi slt, %rem3A_21, %lt3A : i32
    %lt3A_25 = arith.constant 0 : i32
    %lt3A_26 = arith.cmpi slt, %select_n3A_20, %lt3A_25 : i32
    %ne3A_27 = arith.xori %lt3A_24, %lt3A_26 : i1
    %and3A_28 = arith.andi %ne3A_27, %ne3A_23 : i1
    %add3A_29 = arith.addi %rem3A_21, %select_n3A_20 : i32
    %select_n3A_30 = arith.select %and3A_28, %add3A_29, %rem3A_21 : i32
    %mul3A_31 = arith.constant 256 : i32
    %mul3A_32 = arith.muli %select_n3A_30, %mul3A_31 : i32
    %add3A_33 = arith.constant 28 : i32
    %add3A_34 = arith.addi %add3A_33, %select_n3A : i32
    "tpu.region"() ({
      %run_scoped3A = tpu.sem_alloc : memref<!tpu.dma_semaphore, #tpu.memory_space<semaphore_mem>>
      %dma_start3A_75 = arith.constant 0 : i32
      %dma_start3A_76 = tpu.memref_slice %arg3[%add3A_34, %dma_start3A_75] : memref<32x16xi32, #tpu.memory_space<hbm>> -> memref<1x16xi32, #tpu.memory_space<hbm>>
      %dma_start3A_77 = tpu.memref_squeeze %dma_start3A_76 : memref<1x16xi32, #tpu.memory_space<hbm>> -> memref<16xi32, #tpu.memory_space<hbm>>
      %dma_start3A_78 = arith.constant 0 : i32
      %dma_start3A_79 = tpu.memref_slice %arg3[%add3A_34, %dma_start3A_78] : memref<32x16xi32, #tpu.memory_space<hbm>> -> memref<1x16xi32, #tpu.memory_space<hbm>>
      %dma_start3A_80 = tpu.memref_squeeze %dma_start3A_79 : memref<1x16xi32, #tpu.memory_space<hbm>> -> memref<16xi32, #tpu.memory_space<hbm>>
      tpu.enqueue_dma source(%dma_start3A_80 : memref<16xi32, #tpu.memory_space<hbm>>) target(%arg6 : memref<16xi32, #tpu.memory_space<vmem>>) target_semaphore(%run_scoped3A : memref<!tpu.dma_semaphore, #tpu.memory_space<semaphore_mem>>)
      %dma_wait3A_81 = arith.constant 0 : i32
      %dma_wait3A_82 = tpu.memref_slice %arg3[%add3A_34, %dma_wait3A_81] : memref<32x16xi32, #tpu.memory_space<hbm>> -> memref<1x16xi32, #tpu.memory_space<hbm>>
      %dma_wait3A_83 = tpu.memref_squeeze %dma_wait3A_82 : memref<1x16xi32, #tpu.memory_space<hbm>> -> memref<16xi32, #tpu.memory_space<hbm>>
      %dma_wait3A_84 = arith.constant 0 : i32
      %dma_wait3A_85 = tpu.memref_slice %arg3[%add3A_34, %dma_wait3A_84] : memref<32x16xi32, #tpu.memory_space<hbm>> -> memref<1x16xi32, #tpu.memory_space<hbm>>
      %dma_wait3A_86 = tpu.memref_squeeze %dma_wait3A_85 : memref<1x16xi32, #tpu.memory_space<hbm>> -> memref<16xi32, #tpu.memory_space<hbm>>
      tpu.wait_dma2 semaphore(%run_scoped3A : memref<!tpu.dma_semaphore, #tpu.memory_space<semaphore_mem>>) src(%dma_wait3A_86 : memref<16xi32, #tpu.memory_space<hbm>>) dst(%arg6 : memref<16xi32, #tpu.memory_space<vmem>>)
      tpu.yield
    }) : () -> ()
    %dma_start3A = arith.constant 0 : i32
    %dma_start3A_35 = tpu.memref_slice %arg6[%dma_start3A] : memref<16xi32, #tpu.memory_space<vmem>> -> memref<1xi32, #tpu.memory_space<vmem>>
    %dma_start3A_36 = arith.constant 0 : i32
    %dma_start3A_37 = arith.constant 0 : i32
    %dma_start3A_38 = tpu.memref_slice %arg4[%dma_start3A_36, %dma_start3A_37] : memref<64x1024xf32, #tpu.memory_space<hbm>> -> memref<64x1024xf32, #tpu.memory_space<hbm>>
    tpu.enqueue_indirect_dma source(%dma_start3A_38 : memref<64x1024xf32, #tpu.memory_space<hbm>>) target(%arg7 : memref<1x1024xf32, #tpu.memory_space<vmem>>) offsets(%dma_start3A_35 : memref<1xi32, #tpu.memory_space<vmem>>) semaphore(%arg12 : memref<!tpu.dma_semaphore, #tpu.memory_space<semaphore_mem>>)
    %dma_wait3A = arith.constant 0 : i32
    %dma_wait3A_39 = tpu.memref_slice %arg6[%dma_wait3A] : memref<16xi32, #tpu.memory_space<vmem>> -> memref<1xi32, #tpu.memory_space<vmem>>
    %dma_wait3A_40 = arith.constant 0 : i32
    %dma_wait3A_41 = arith.constant 0 : i32
    %dma_wait3A_42 = tpu.memref_slice %arg4[%dma_wait3A_40, %dma_wait3A_41] : memref<64x1024xf32, #tpu.memory_space<hbm>> -> memref<64x1024xf32, #tpu.memory_space<hbm>>
    tpu.wait_indirect_dma semaphore(%arg12 : memref<!tpu.dma_semaphore, #tpu.memory_space<semaphore_mem>>) src(%dma_wait3A_42 : memref<64x1024xf32, #tpu.memory_space<hbm>>) dst(%arg7 : memref<1x1024xf32, #tpu.memory_space<vmem>>)
    %add3A_43 = arith.constant 0 : i32
    %add3A_44 = arith.addi %mul3A_32, %add3A_43 : i32
    %dma_start3A_45 = arith.constant 0 : i32
    %dma_start3A_46 = tpu.memref_slice %arg2[%add3A_34, %add3A_44, %dma_start3A_45] : memref<32x2048x1024xf32, #tpu.memory_space<hbm>> -> memref<1x8x1024xf32, #tpu.memory_space<hbm>>
    %dma_start3A_47 = tpu.memref_squeeze %dma_start3A_46 : memref<1x8x1024xf32, #tpu.memory_space<hbm>> -> memref<8x1024xf32, #tpu.memory_space<hbm>>
    %dma_start3A_48 = arith.constant 0 : i32
    %dma_start3A_49 = tpu.memref_slice %arg2[%add3A_34, %add3A_44, %dma_start3A_48] : memref<32x2048x1024xf32, #tpu.memory_space<hbm>> -> memref<1x8x1024xf32, #tpu.memory_space<hbm>>
    %dma_start3A_50 = tpu.memref_squeeze %dma_start3A_49 : memref<1x8x1024xf32, #tpu.memory_space<hbm>> -> memref<8x1024xf32, #tpu.memory_space<hbm>>
    tpu.enqueue_dma source(%dma_start3A_50 : memref<8x1024xf32, #tpu.memory_space<hbm>>) target(%arg8 : memref<8x1024xf32, #tpu.memory_space<vmem>>) target_semaphore(%arg13 : memref<!tpu.dma_semaphore, #tpu.memory_space<semaphore_mem>>)
    %add3A_51 = arith.constant 8 : i32
    %add3A_52 = arith.addi %mul3A_32, %add3A_51 : i32
    %dma_start3A_53 = arith.constant 0 : i32
    %dma_start3A_54 = tpu.memref_slice %arg2[%add3A_34, %add3A_52, %dma_start3A_53] : memref<32x2048x1024xf32, #tpu.memory_space<hbm>> -> memref<1x8x1024xf32, #tpu.memory_space<hbm>>
    %dma_start3A_55 = tpu.memref_squeeze %dma_start3A_54 : memref<1x8x1024xf32, #tpu.memory_space<hbm>> -> memref<8x1024xf32, #tpu.memory_space<hbm>>
    %dma_start3A_56 = arith.constant 0 : i32
    %dma_start3A_57 = tpu.memref_slice %arg2[%add3A_34, %add3A_52, %dma_start3A_56] : memref<32x2048x1024xf32, #tpu.memory_space<hbm>> -> memref<1x8x1024xf32, #tpu.memory_space<hbm>>
    %dma_start3A_58 = tpu.memref_squeeze %dma_start3A_57 : memref<1x8x1024xf32, #tpu.memory_space<hbm>> -> memref<8x1024xf32, #tpu.memory_space<hbm>>
    tpu.enqueue_dma source(%dma_start3A_58 : memref<8x1024xf32, #tpu.memory_space<hbm>>) target(%arg9 : memref<8x1024xf32, #tpu.memory_space<vmem>>) target_semaphore(%arg14 : memref<!tpu.dma_semaphore, #tpu.memory_space<semaphore_mem>>)
    %scan3A = arith.constant 0 : i32
    %scan3A_59 = arith.constant 16 : i32
    %scan3A_60 = arith.addi %scan3A, %scan3A_59 : i32
    %scan3A_61 = arith.constant 1 : i32
    scf.for %scan3A_75 = %scan3A to %scan3A_60 step %scan3A_61  : i32 {
      %mul3A_76 = arith.constant 2 : i32
      %mul3A_77 = arith.muli %scan3A_75, %mul3A_76 : i32
      %add3A_78 = arith.constant 0 : i32
      %add3A_79 = arith.addi %add3A_78, %mul3A_77 : i32
      %add3A_80 = arith.constant 0 : i32
      %add3A_81 = arith.addi %add3A_79, %add3A_80 : i32
      %dma_wait3A_82 = arith.constant 0 : i32
      %dma_wait3A_83 = tpu.memref_slice %arg2[%add3A_34, %mul3A_32, %dma_wait3A_82] : memref<32x2048x1024xf32, #tpu.memory_space<hbm>> -> memref<1x8x1024xf32, #tpu.memory_space<hbm>>
      %dma_wait3A_84 = tpu.memref_squeeze %dma_wait3A_83 : memref<1x8x1024xf32, #tpu.memory_space<hbm>> -> memref<8x1024xf32, #tpu.memory_space<hbm>>
      %dma_wait3A_85 = arith.constant 0 : i32
      %dma_wait3A_86 = tpu.memref_slice %arg2[%add3A_34, %mul3A_32, %dma_wait3A_85] : memref<32x2048x1024xf32, #tpu.memory_space<hbm>> -> memref<1x8x1024xf32, #tpu.memory_space<hbm>>
      %dma_wait3A_87 = tpu.memref_squeeze %dma_wait3A_86 : memref<1x8x1024xf32, #tpu.memory_space<hbm>> -> memref<8x1024xf32, #tpu.memory_space<hbm>>
      tpu.wait_dma2 semaphore(%arg13 : memref<!tpu.dma_semaphore, #tpu.memory_space<semaphore_mem>>) src(%dma_wait3A_87 : memref<8x1024xf32, #tpu.memory_space<hbm>>) dst(%arg8 : memref<8x1024xf32, #tpu.memory_space<vmem>>)
      %ge3A = arith.constant 2 : i32
      %ge3A_88 = arith.cmpi sge, %add3A_81, %ge3A : i32
      %convert_element_type3A = arith.extui %ge3A_88 : i1 to i32
      %cond3A = arith.constant 0 : i32
      %cond3A_89 = arith.cmpi ne, %convert_element_type3A, %cond3A : i32
      scf.if %cond3A_89 {
        %dma_wait3A_145 = arith.constant 0 : i32
        %dma_wait3A_146 = tpu.memref_slice %arg5[%select_n3A, %mul3A_32, %dma_wait3A_145] : memref<4x2048x1024xf32, #tpu.memory_space<hbm>> -> memref<1x8x1024xf32, #tpu.memory_space<hbm>>
        %dma_wait3A_147 = tpu.memref_squeeze %dma_wait3A_146 : memref<1x8x1024xf32, #tpu.memory_space<hbm>> -> memref<8x1024xf32, #tpu.memory_space<hbm>>
        %dma_wait3A_148 = arith.constant 0 : i32
        %dma_wait3A_149 = tpu.memref_slice %arg5[%select_n3A, %mul3A_32, %dma_wait3A_148] : memref<4x2048x1024xf32, #tpu.memory_space<hbm>> -> memref<1x8x1024xf32, #tpu.memory_space<hbm>>
        %dma_wait3A_150 = tpu.memref_squeeze %dma_wait3A_149 : memref<1x8x1024xf32, #tpu.memory_space<hbm>> -> memref<8x1024xf32, #tpu.memory_space<hbm>>
        tpu.wait_dma2 semaphore(%arg15 : memref<!tpu.dma_semaphore, #tpu.memory_space<semaphore_mem>>) src(%arg10 : memref<8x1024xf32, #tpu.memory_space<vmem>>) dst(%dma_wait3A_150 : memref<8x1024xf32, #tpu.memory_space<hbm>>)
      } else {
      }
      %scan3A_90 = arith.constant 0 : i32
      %scan3A_91 = arith.constant 64 : i32
      %scan3A_92 = arith.addi %scan3A_90, %scan3A_91 : i32
      %scan3A_93 = arith.constant 8 : i32
      scf.for %scan3A_145 = %scan3A_90 to %scan3A_92 step %scan3A_93  : i32 {
        %mul3A_146 = arith.constant 1 : i32
        %mul3A_147 = arith.muli %scan3A_145, %mul3A_146 : i32
        %add3A_148 = arith.constant 0 : i32
        %add3A_149 = arith.addi %add3A_148, %mul3A_147 : i32
        %mul3A_150 = arith.constant 16 : i32
        %mul3A_151 = arith.muli %add3A_149, %mul3A_150 : i32
        %get3A = arith.constant 0 : i32
        %get3A_152 = arith.index_cast %get3A : i32 to index
        %get3A_153 = arith.index_cast %mul3A_151 : i32 to index
        %get3A_154 = tpu.vector_load %arg7[%get3A_152, %get3A_153] {strides = array<i32>} : memref<1x1024xf32, #tpu.memory_space<vmem>>, vector<1x16xf32>,
        %get3A_155 = vector.shape_cast %get3A_154 : vector<1x16xf32> to vector<16xf32>
        %mul3A_156 = arith.constant 16 : i32
        %mul3A_157 = arith.muli %add3A_149, %mul3A_156 : i32
        %get3A_158 = arith.constant 0 : i32
        %get3A_159 = arith.index_cast %get3A_158 : i32 to index
        %get3A_160 = arith.index_cast %mul3A_157 : i32 to index
        %get3A_161 = tpu.vector_load %arg8[%get3A_159, %get3A_160] {strides = array<i32>} : memref<8x1024xf32, #tpu.memory_space<vmem>>, vector<1x16xf32>,
        %get3A_162 = vector.shape_cast %get3A_161 : vector<1x16xf32> to vector<16xf32>
        %add3A_163 = arith.addf %get3A_162, %get3A_155 : vector<16xf32>
        %mul3A_164 = arith.constant 16 : i32
        %mul3A_165 = arith.muli %add3A_149, %mul3A_164 : i32
        %swap3A = arith.constant 0 : i32
        %swap3A_166 = arith.index_cast %swap3A : i32 to index
        %swap3A_167 = arith.index_cast %mul3A_165 : i32 to index
        %swap3A_168 = tpu.vector_load %arg10[%swap3A_166, %swap3A_167] {strides = array<i32>} : memref<8x1024xf32, #tpu.memory_space<vmem>>, vector<1x16xf32>,
        %swap3A_169 = vector.shape_cast %swap3A_168 : vector<1x16xf32> to vector<16xf32>
        %swap3A_170 = vector.shape_cast %add3A_163 : vector<16xf32> to vector<1x16xf32>
        tpu.vector_store %arg10[%swap3A_166, %swap3A_167], %swap3A_170 {strides = array<i32>} : memref<8x1024xf32, #tpu.memory_space<vmem>>, vector<1x16xf32>,
        %mul3A_171 = arith.constant 16 : i32
        %mul3A_172 = arith.muli %add3A_149, %mul3A_171 : i32
        %get3A_173 = arith.constant 1 : i32
        %get3A_174 = arith.index_cast %get3A_173 : i32 to index
        %get3A_175 = arith.index_cast %mul3A_172 : i32 to index
        %get3A_176 = tpu.vector_load %arg8[%get3A_174, %get3A_175] {strides = array<i32>} : memref<8x1024xf32, #tpu.memory_space<vmem>>, vector<1x16xf32>,
        %get3A_177 = vector.shape_cast %get3A_176 : vector<1x16xf32> to vector<16xf32>
        %add3A_178 = arith.addf %get3A_177, %get3A_155 : vector<16xf32>
        %mul3A_179 = arith.constant 16 : i32
        %mul3A_180 = arith.muli %add3A_149, %mul3A_179 : i32
        %swap3A_181 = arith.constant 1 : i32
        %swap3A_182 = arith.index_cast %swap3A_181 : i32 to index
        %swap3A_183 = arith.index_cast %mul3A_180 : i32 to index
        %swap3A_184 = tpu.vector_load %arg10[%swap3A_182, %swap3A_183] {strides = array<i32>} : memref<8x1024xf32, #tpu.memory_space<vmem>>, vector<1x16xf32>,
        %swap3A_185 = vector.shape_cast %swap3A_184 : vector<1x16xf32> to vector<16xf32>
        %swap3A_186 = vector.shape_cast %add3A_178 : vector<16xf32> to vector<1x16xf32>
        tpu.vector_store %arg10[%swap3A_182, %swap3A_183], %swap3A_186 {strides = array<i32>} : memref<8x1024xf32, #tpu.memory_space<vmem>>, vector<1x16xf32>,
        %mul3A_187 = arith.constant 16 : i32
        %mul3A_188 = arith.muli %add3A_149, %mul3A_187 : i32
        %get3A_189 = arith.constant 2 : i32
        %get3A_190 = arith.index_cast %get3A_189 : i32 to index
        %get3A_191 = arith.index_cast %mul3A_188 : i32 to index
        %get3A_192 = tpu.vector_load %arg8[%get3A_190, %get3A_191] {strides = array<i32>} : memref<8x1024xf32, #tpu.memory_space<vmem>>, vector<1x16xf32>,
        %get3A_193 = vector.shape_cast %get3A_192 : vector<1x16xf32> to vector<16xf32>
        %add3A_194 = arith.addf %get3A_193, %get3A_155 : vector<16xf32>
        %mul3A_195 = arith.constant 16 : i32
        %mul3A_196 = arith.muli %add3A_149, %mul3A_195 : i32
        %swap3A_197 = arith.constant 2 : i32
        %swap3A_198 = arith.index_cast %swap3A_197 : i32 to index
        %swap3A_199 = arith.index_cast %mul3A_196 : i32 to index
        %swap3A_200 = tpu.vector_load %arg10[%swap3A_198, %swap3A_199] {strides = array<i32>} : memref<8x1024xf32, #tpu.memory_space<vmem>>, vector<1x16xf32>,
        %swap3A_201 = vector.shape_cast %swap3A_200 : vector<1x16xf32> to vector<16xf32>
        %swap3A_202 = vector.shape_cast %add3A_194 : vector<16xf32> to vector<1x16xf32>
        tpu.vector_store %arg10[%swap3A_198, %swap3A_199], %swap3A_202 {strides = array<i32>} : memref<8x1024xf32, #tpu.memory_space<vmem>>, vector<1x16xf32>,
        %mul3A_203 = arith.constant 16 : i32
        %mul3A_204 = arith.muli %add3A_149, %mul3A_203 : i32
        %get3A_205 = arith.constant 3 : i32
        %get3A_206 = arith.index_cast %get3A_205 : i32 to index
        %get3A_207 = arith.index_cast %mul3A_204 : i32 to index
        %get3A_208 = tpu.vector_load %arg8[%get3A_206, %get3A_207] {strides = array<i32>} : memref<8x1024xf32, #tpu.memory_space<vmem>>, vector<1x16xf32>,
        %get3A_209 = vector.shape_cast %get3A_208 : vector<1x16xf32> to vector<16xf32>
        %add3A_210 = arith.addf %get3A_209, %get3A_155 : vector<16xf32>
        %mul3A_211 = arith.constant 16 : i32
        %mul3A_212 = arith.muli %add3A_149, %mul3A_211 : i32
        %swap3A_213 = arith.constant 3 : i32
        %swap3A_214 = arith.index_cast %swap3A_213 : i32 to index
        %swap3A_215 = arith.index_cast %mul3A_212 : i32 to index
        %swap3A_216 = tpu.vector_load %arg10[%swap3A_214, %swap3A_215] {strides = array<i32>} : memref<8x1024xf32, #tpu.memory_space<vmem>>, vector<1x16xf32>,
        %swap3A_217 = vector.shape_cast %swap3A_216 : vector<1x16xf32> to vector<16xf32>
        %swap3A_218 = vector.shape_cast %add3A_210 : vector<16xf32> to vector<1x16xf32>
        tpu.vector_store %arg10[%swap3A_214, %swap3A_215], %swap3A_218 {strides = array<i32>} : memref<8x1024xf32, #tpu.memory_space<vmem>>, vector<1x16xf32>,
        %mul3A_219 = arith.constant 16 : i32
        %mul3A_220 = arith.muli %add3A_149, %mul3A_219 : i32
        %get3A_221 = arith.constant 4 : i32
        %get3A_222 = arith.index_cast %get3A_221 : i32 to index
        %get3A_223 = arith.index_cast %mul3A_220 : i32 to index
        %get3A_224 = tpu.vector_load %arg8[%get3A_222, %get3A_223] {strides = array<i32>} : memref<8x1024xf32, #tpu.memory_space<vmem>>, vector<1x16xf32>,
        %get3A_225 = vector.shape_cast %get3A_224 : vector<1x16xf32> to vector<16xf32>
        %add3A_226 = arith.addf %get3A_225, %get3A_155 : vector<16xf32>
        %mul3A_227 = arith.constant 16 : i32
        %mul3A_228 = arith.muli %add3A_149, %mul3A_227 : i32
        %swap3A_229 = arith.constant 4 : i32
        %swap3A_230 = arith.index_cast %swap3A_229 : i32 to index
        %swap3A_231 = arith.index_cast %mul3A_228 : i32 to index
        %swap3A_232 = tpu.vector_load %arg10[%swap3A_230, %swap3A_231] {strides = array<i32>} : memref<8x1024xf32, #tpu.memory_space<vmem>>, vector<1x16xf32>,
        %swap3A_233 = vector.shape_cast %swap3A_232 : vector<1x16xf32> to vector<16xf32>
        %swap3A_234 = vector.shape_cast %add3A_226 : vector<16xf32> to vector<1x16xf32>
        tpu.vector_store %arg10[%swap3A_230, %swap3A_231], %swap3A_234 {strides = array<i32>} : memref<8x1024xf32, #tpu.memory_space<vmem>>, vector<1x16xf32>,
        %mul3A_235 = arith.constant 16 : i32
        %mul3A_236 = arith.muli %add3A_149, %mul3A_235 : i32
        %get3A_237 = arith.constant 5 : i32
        %get3A_238 = arith.index_cast %get3A_237 : i32 to index
        %get3A_239 = arith.index_cast %mul3A_236 : i32 to index
        %get3A_240 = tpu.vector_load %arg8[%get3A_238, %get3A_239] {strides = array<i32>} : memref<8x1024xf32, #tpu.memory_space<vmem>>, vector<1x16xf32>,
        %get3A_241 = vector.shape_cast %get3A_240 : vector<1x16xf32> to vector<16xf32>
        %add3A_242 = arith.addf %get3A_241, %get3A_155 : vector<16xf32>
        %mul3A_243 = arith.constant 16 : i32
        %mul3A_244 = arith.muli %add3A_149, %mul3A_243 : i32
        %swap3A_245 = arith.constant 5 : i32
        %swap3A_246 = arith.index_cast %swap3A_245 : i32 to index
        %swap3A_247 = arith.index_cast %mul3A_244 : i32 to index
        %swap3A_248 = tpu.vector_load %arg10[%swap3A_246, %swap3A_247] {strides = array<i32>} : memref<8x1024xf32, #tpu.memory_space<vmem>>, vector<1x16xf32>,
        %swap3A_249 = vector.shape_cast %swap3A_248 : vector<1x16xf32> to vector<16xf32>
        %swap3A_250 = vector.shape_cast %add3A_242 : vector<16xf32> to vector<1x16xf32>
        tpu.vector_store %arg10[%swap3A_246, %swap3A_247], %swap3A_250 {strides = array<i32>} : memref<8x1024xf32, #tpu.memory_space<vmem>>, vector<1x16xf32>,
        %mul3A_251 = arith.constant 16 : i32
        %mul3A_252 = arith.muli %add3A_149, %mul3A_251 : i32
        %get3A_253 = arith.constant 6 : i32
        %get3A_254 = arith.index_cast %get3A_253 : i32 to index
        %get3A_255 = arith.index_cast %mul3A_252 : i32 to index
        %get3A_256 = tpu.vector_load %arg8[%get3A_254, %get3A_255] {strides = array<i32>} : memref<8x1024xf32, #tpu.memory_space<vmem>>, vector<1x16xf32>,
        %get3A_257 = vector.shape_cast %get3A_256 : vector<1x16xf32> to vector<16xf32>
        %add3A_258 = arith.addf %get3A_257, %get3A_155 : vector<16xf32>
        %mul3A_259 = arith.constant 16 : i32
        %mul3A_260 = arith.muli %add3A_149, %mul3A_259 : i32
        %swap3A_261 = arith.constant 6 : i32
        %swap3A_262 = arith.index_cast %swap3A_261 : i32 to index
        %swap3A_263 = arith.index_cast %mul3A_260 : i32 to index
        %swap3A_264 = tpu.vector_load %arg10[%swap3A_262, %swap3A_263] {strides = array<i32>} : memref<8x1024xf32, #tpu.memory_space<vmem>>, vector<1x16xf32>,
        %swap3A_265 = vector.shape_cast %swap3A_264 : vector<1x16xf32> to vector<16xf32>
        %swap3A_266 = vector.shape_cast %add3A_258 : vector<16xf32> to vector<1x16xf32>
        tpu.vector_store %arg10[%swap3A_262, %swap3A_263], %swap3A_266 {strides = array<i32>} : memref<8x1024xf32, #tpu.memory_space<vmem>>, vector<1x16xf32>,
        %mul3A_267 = arith.constant 16 : i32
        %mul3A_268 = arith.muli %add3A_149, %mul3A_267 : i32
        %get3A_269 = arith.constant 7 : i32
        %get3A_270 = arith.index_cast %get3A_269 : i32 to index
        %get3A_271 = arith.index_cast %mul3A_268 : i32 to index
        %get3A_272 = tpu.vector_load %arg8[%get3A_270, %get3A_271] {strides = array<i32>} : memref<8x1024xf32, #tpu.memory_space<vmem>>, vector<1x16xf32>,
        %get3A_273 = vector.shape_cast %get3A_272 : vector<1x16xf32> to vector<16xf32>
        %add3A_274 = arith.addf %get3A_273, %get3A_155 : vector<16xf32>
        %mul3A_275 = arith.constant 16 : i32
        %mul3A_276 = arith.muli %add3A_149, %mul3A_275 : i32
        %swap3A_277 = arith.constant 7 : i32
        %swap3A_278 = arith.index_cast %swap3A_277 : i32 to index
        %swap3A_279 = arith.index_cast %mul3A_276 : i32 to index
        %swap3A_280 = tpu.vector_load %arg10[%swap3A_278, %swap3A_279] {strides = array<i32>} : memref<8x1024xf32, #tpu.memory_space<vmem>>, vector<1x16xf32>,
        %swap3A_281 = vector.shape_cast %swap3A_280 : vector<1x16xf32> to vector<16xf32>
        %swap3A_282 = vector.shape_cast %add3A_274 : vector<16xf32> to vector<1x16xf32>
        tpu.vector_store %arg10[%swap3A_278, %swap3A_279], %swap3A_282 {strides = array<i32>} : memref<8x1024xf32, #tpu.memory_space<vmem>>, vector<1x16xf32>,
        %scan3A_283 = arith.constant 1 : i32
        %scan3A_284 = arith.addi %scan3A_145, %scan3A_283 : i32
        %mul3A_285 = arith.constant 1 : i32
        %mul3A_286 = arith.muli %scan3A_284, %mul3A_285 : i32
        %add3A_287 = arith.constant 0 : i32
        %add3A_288 = arith.addi %add3A_287, %mul3A_286 : i32
        %mul3A_289 = arith.constant 16 : i32
        %mul3A_290 = arith.muli %add3A_288, %mul3A_289 : i32
        %get3A_291 = arith.constant 0 : i32
        %get3A_292 = arith.index_cast %get3A_291 : i32 to index
        %get3A_293 = arith.index_cast %mul3A_290 : i32 to index
        %get3A_294 = tpu.vector_load %arg7[%get3A_292, %get3A_293] {strides = array<i32>} : memref<1x1024xf32, #tpu.memory_space<vmem>>, vector<1x16xf32>,
        %get3A_295 = vector.shape_cast %get3A_294 : vector<1x16xf32> to vector<16xf32>
        %mul3A_296 = arith.constant 16 : i32
        %mul3A_297 = arith.muli %add3A_288, %mul3A_296 : i32
        %get3A_298 = arith.constant 0 : i32
        %get3A_299 = arith.index_cast %get3A_298 : i32 to index
        %get3A_300 = arith.index_cast %mul3A_297 : i32 to index
        %get3A_301 = tpu.vector_load %arg8[%get3A_299, %get3A_300] {strides = array<i32>} : memref<8x1024xf32, #tpu.memory_space<vmem>>, vector<1x16xf32>,
        %get3A_302 = vector.shape_cast %get3A_301 : vector<1x16xf32> to vector<16xf32>
        %add3A_303 = arith.addf %get3A_302, %get3A_295 : vector<16xf32>
        %mul3A_304 = arith.constant 16 : i32
        %mul3A_305 = arith.muli %add3A_288, %mul3A_304 : i32
        %swap3A_306 = arith.constant 0 : i32
        %swap3A_307 = arith.index_cast %swap3A_306 : i32 to index
        %swap3A_308 = arith.index_cast %mul3A_305 : i32 to index
        %swap3A_309 = tpu.vector_load %arg10[%swap3A_307, %swap3A_308] {strides = array<i32>} : memref<8x1024xf32, #tpu.memory_space<vmem>>, vector<1x16xf32>,
        %swap3A_310 = vector.shape_cast %swap3A_309 : vector<1x16xf32> to vector<16xf32>
        %swap3A_311 = vector.shape_cast %add3A_303 : vector<16xf32> to vector<1x16xf32>
        tpu.vector_store %arg10[%swap3A_307, %swap3A_308], %swap3A_311 {strides = array<i32>} : memref<8x1024xf32, #tpu.memory_space<vmem>>, vector<1x16xf32>,
        %mul3A_312 = arith.constant 16 : i32
        %mul3A_313 = arith.muli %add3A_288, %mul3A_312 : i32
        %get3A_314 = arith.constant 1 : i32
        %get3A_315 = arith.index_cast %get3A_314 : i32 to index
        %get3A_316 = arith.index_cast %mul3A_313 : i32 to index
        %get3A_317 = tpu.vector_load %arg8[%get3A_315, %get3A_316] {strides = array<i32>} : memref<8x1024xf32, #tpu.memory_space<vmem>>, vector<1x16xf32>,
        %get3A_318 = vector.shape_cast %get3A_317 : vector<1x16xf32> to vector<16xf32>
        %add3A_319 = arith.addf %get3A_318, %get3A_295 : vector<16xf32>
        %mul3A_320 = arith.constant 16 : i32
        %mul3A_321 = arith.muli %add3A_288, %mul3A_320 : i32
        %swap3A_322 = arith.constant 1 : i32
        %swap3A_323 = arith.index_cast %swap3A_322 : i32 to index
        %swap3A_324 = arith.index_cast %mul3A_321 : i32 to index
        %swap3A_325 = tpu.vector_load %arg10[%swap3A_323, %swap3A_324] {strides = array<i32>} : memref<8x1024xf32, #tpu.memory_space<vmem>>, vector<1x16xf32>,
        %swap3A_326 = vector.shape_cast %swap3A_325 : vector<1x16xf32> to vector<16xf32>
        %swap3A_327 = vector.shape_cast %add3A_319 : vector<16xf32> to vector<1x16xf32>
        tpu.vector_store %arg10[%swap3A_323, %swap3A_324], %swap3A_327 {strides = array<i32>} : memref<8x1024xf32, #tpu.memory_space<vmem>>, vector<1x16xf32>,
        %mul3A_328 = arith.constant 16 : i32
        %mul3A_329 = arith.muli %add3A_288, %mul3A_328 : i32
        %get3A_330 = arith.constant 2 : i32
        %get3A_331 = arith.index_cast %get3A_330 : i32 to index
        %get3A_332 = arith.index_cast %mul3A_329 : i32 to index
        %get3A_333 = tpu.vector_load %arg8[%get3A_331, %get3A_332] {strides = array<i32>} : memref<8x1024xf32, #tpu.memory_space<vmem>>, vector<1x16xf32>,
        %get3A_334 = vector.shape_cast %get3A_333 : vector<1x16xf32> to vector<16xf32>
        %add3A_335 = arith.addf %get3A_334, %get3A_295 : vector<16xf32>
        %mul3A_336 = arith.constant 16 : i32
        %mul3A_337 = arith.muli %add3A_288, %mul3A_336 : i32
        %swap3A_338 = arith.constant 2 : i32
        %swap3A_339 = arith.index_cast %swap3A_338 : i32 to index
        %swap3A_340 = arith.index_cast %mul3A_337 : i32 to index
        %swap3A_341 = tpu.vector_load %arg10[%swap3A_339, %swap3A_340] {strides = array<i32>} : memref<8x1024xf32, #tpu.memory_space<vmem>>, vector<1x16xf32>,
        %swap3A_342 = vector.shape_cast %swap3A_341 : vector<1x16xf32> to vector<16xf32>
        %swap3A_343 = vector.shape_cast %add3A_335 : vector<16xf32> to vector<1x16xf32>
        tpu.vector_store %arg10[%swap3A_339, %swap3A_340], %swap3A_343 {strides = array<i32>} : memref<8x1024xf32, #tpu.memory_space<vmem>>, vector<1x16xf32>,
        %mul3A_344 = arith.constant 16 : i32
        %mul3A_345 = arith.muli %add3A_288, %mul3A_344 : i32
        %get3A_346 = arith.constant 3 : i32
        %get3A_347 = arith.index_cast %get3A_346 : i32 to index
        %get3A_348 = arith.index_cast %mul3A_345 : i32 to index
        %get3A_349 = tpu.vector_load %arg8[%get3A_347, %get3A_348] {strides = array<i32>} : memref<8x1024xf32, #tpu.memory_space<vmem>>, vector<1x16xf32>,
        %get3A_350 = vector.shape_cast %get3A_349 : vector<1x16xf32> to vector<16xf32>
        %add3A_351 = arith.addf %get3A_350, %get3A_295 : vector<16xf32>
        %mul3A_352 = arith.constant 16 : i32
        %mul3A_353 = arith.muli %add3A_288, %mul3A_352 : i32
        %swap3A_354 = arith.constant 3 : i32
        %swap3A_355 = arith.index_cast %swap3A_354 : i32 to index
        %swap3A_356 = arith.index_cast %mul3A_353 : i32 to index
        %swap3A_357 = tpu.vector_load %arg10[%swap3A_355, %swap3A_356] {strides = array<i32>} : memref<8x1024xf32, #tpu.memory_space<vmem>>, vector<1x16xf32>,
        %swap3A_358 = vector.shape_cast %swap3A_357 : vector<1x16xf32> to vector<16xf32>
        %swap3A_359 = vector.shape_cast %add3A_351 : vector<16xf32> to vector<1x16xf32>
        tpu.vector_store %arg10[%swap3A_355, %swap3A_356], %swap3A_359 {strides = array<i32>} : memref<8x1024xf32, #tpu.memory_space<vmem>>, vector<1x16xf32>,
        %mul3A_360 = arith.constant 16 : i32
        %mul3A_361 = arith.muli %add3A_288, %mul3A_360 : i32
        %get3A_362 = arith.constant 4 : i32
        %get3A_363 = arith.index_cast %get3A_362 : i32 to index
        %get3A_364 = arith.index_cast %mul3A_361 : i32 to index
        %get3A_365 = tpu.vector_load %arg8[%get3A_363, %get3A_364] {strides = array<i32>} : memref<8x1024xf32, #tpu.memory_space<vmem>>, vector<1x16xf32>,
        %get3A_366 = vector.shape_cast %get3A_365 : vector<1x16xf32> to vector<16xf32>
        %add3A_367 = arith.addf %get3A_366, %get3A_295 : vector<16xf32>
        %mul3A_368 = arith.constant 16 : i32
        %mul3A_369 = arith.muli %add3A_288, %mul3A_368 : i32
        %swap3A_370 = arith.constant 4 : i32
        %swap3A_371 = arith.index_cast %swap3A_370 : i32 to index
        %swap3A_372 = arith.index_cast %mul3A_369 : i32 to index
        %swap3A_373 = tpu.vector_load %arg10[%swap3A_371, %swap3A_372] {strides = array<i32>} : memref<8x1024xf32, #tpu.memory_space<vmem>>, vector<1x16xf32>,
        %swap3A_374 = vector.shape_cast %swap3A_373 : vector<1x16xf32> to vector<16xf32>
        %swap3A_375 = vector.shape_cast %add3A_367 : vector<16xf32> to vector<1x16xf32>
        tpu.vector_store %arg10[%swap3A_371, %swap3A_372], %swap3A_375 {strides = array<i32>} : memref<8x1024xf32, #tpu.memory_space<vmem>>, vector<1x16xf32>,
        %mul3A_376 = arith.constant 16 : i32
        %mul3A_377 = arith.muli %add3A_288, %mul3A_376 : i32
        %get3A_378 = arith.constant 5 : i32
        %get3A_379 = arith.index_cast %get3A_378 : i32 to index
        %get3A_380 = arith.index_cast %mul3A_377 : i32 to index
        %get3A_381 = tpu.vector_load %arg8[%get3A_379, %get3A_380] {strides = array<i32>} : memref<8x1024xf32, #tpu.memory_space<vmem>>, vector<1x16xf32>,
        %get3A_382 = vector.shape_cast %get3A_381 : vector<1x16xf32> to vector<16xf32>
        %add3A_383 = arith.addf %get3A_382, %get3A_295 : vector<16xf32>
        %mul3A_384 = arith.constant 16 : i32
        %mul3A_385 = arith.muli %add3A_288, %mul3A_384 : i32
        %swap3A_386 = arith.constant 5 : i32
        %swap3A_387 = arith.index_cast %swap3A_386 : i32 to index
        %swap3A_388 = arith.index_cast %mul3A_385 : i32 to index
        %swap3A_389 = tpu.vector_load %arg10[%swap3A_387, %swap3A_388] {strides = array<i32>} : memref<8x1024xf32, #tpu.memory_space<vmem>>, vector<1x16xf32>,
        %swap3A_390 = vector.shape_cast %swap3A_389 : vector<1x16xf32> to vector<16xf32>
        %swap3A_391 = vector.shape_cast %add3A_383 : vector<16xf32> to vector<1x16xf32>
        tpu.vector_store %arg10[%swap3A_387, %swap3A_388], %swap3A_391 {strides = array<i32>} : memref<8x1024xf32, #tpu.memory_space<vmem>>, vector<1x16xf32>,
        %mul3A_392 = arith.constant 16 : i32
        %mul3A_393 = arith.muli %add3A_288, %mul3A_392 : i32
        %get3A_394 = arith.constant 6 : i32
        %get3A_395 = arith.index_cast %get3A_394 : i32 to index
        %get3A_396 = arith.index_cast %mul3A_393 : i32 to index
        %get3A_397 = tpu.vector_load %arg8[%get3A_395, %get3A_396] {strides = array<i32>} : memref<8x1024xf32, #tpu.memory_space<vmem>>, vector<1x16xf32>,
        %get3A_398 = vector.shape_cast %get3A_397 : vector<1x16xf32> to vector<16xf32>
        %add3A_399 = arith.addf %get3A_398, %get3A_295 : vector<16xf32>
        %mul3A_400 = arith.constant 16 : i32
        %mul3A_401 = arith.muli %add3A_288, %mul3A_400 : i32
        %swap3A_402 = arith.constant 6 : i32
        %swap3A_403 = arith.index_cast %swap3A_402 : i32 to index
        %swap3A_404 = arith.index_cast %mul3A_401 : i32 to index
        %swap3A_405 = tpu.vector_load %arg10[%swap3A_403, %swap3A_404] {strides = array<i32>} : memref<8x1024xf32, #tpu.memory_space<vmem>>, vector<1x16xf32>,
        %swap3A_406 = vector.shape_cast %swap3A_405 : vector<1x16xf32> to vector<16xf32>
        %swap3A_407 = vector.shape_cast %add3A_399 : vector<16xf32> to vector<1x16xf32>
        tpu.vector_store %arg10[%swap3A_403, %swap3A_404], %swap3A_407 {strides = array<i32>} : memref<8x1024xf32, #tpu.memory_space<vmem>>, vector<1x16xf32>,
        %mul3A_408 = arith.constant 16 : i32
        %mul3A_409 = arith.muli %add3A_288, %mul3A_408 : i32
        %get3A_410 = arith.constant 7 : i32
        %get3A_411 = arith.index_cast %get3A_410 : i32 to index
        %get3A_412 = arith.index_cast %mul3A_409 : i32 to index
        %get3A_413 = tpu.vector_load %arg8[%get3A_411, %get3A_412] {strides = array<i32>} : memref<8x1024xf32, #tpu.memory_space<vmem>>, vector<1x16xf32>,
        %get3A_414 = vector.shape_cast %get3A_413 : vector<1x16xf32> to vector<16xf32>
        %add3A_415 = arith.addf %get3A_414, %get3A_295 : vector<16xf32>
        %mul3A_416 = arith.constant 16 : i32
        %mul3A_417 = arith.muli %add3A_288, %mul3A_416 : i32
        %swap3A_418 = arith.constant 7 : i32
        %swap3A_419 = arith.index_cast %swap3A_418 : i32 to index
        %swap3A_420 = arith.index_cast %mul3A_417 : i32 to index
        %swap3A_421 = tpu.vector_load %arg10[%swap3A_419, %swap3A_420] {strides = array<i32>} : memref<8x1024xf32, #tpu.memory_space<vmem>>, vector<1x16xf32>,
        %swap3A_422 = vector.shape_cast %swap3A_421 : vector<1x16xf32> to vector<16xf32>
        %swap3A_423 = vector.shape_cast %add3A_415 : vector<16xf32> to vector<1x16xf32>
        tpu.vector_store %arg10[%swap3A_419, %swap3A_420], %swap3A_423 {strides = array<i32>} : memref<8x1024xf32, #tpu.memory_space<vmem>>, vector<1x16xf32>,
        %scan3A_424 = arith.constant 2 : i32
        %scan3A_425 = arith.addi %scan3A_145, %scan3A_424 : i32
        %mul3A_426 = arith.constant 1 : i32
        %mul3A_427 = arith.muli %scan3A_425, %mul3A_426 : i32
        %add3A_428 = arith.constant 0 : i32
        %add3A_429 = arith.addi %add3A_428, %mul3A_427 : i32
        %mul3A_430 = arith.constant 16 : i32
        %mul3A_431 = arith.muli %add3A_429, %mul3A_430 : i32
        %get3A_432 = arith.constant 0 : i32
        %get3A_433 = arith.index_cast %get3A_432 : i32 to index
        %get3A_434 = arith.index_cast %mul3A_431 : i32 to index
        %get3A_435 = tpu.vector_load %arg7[%get3A_433, %get3A_434] {strides = array<i32>} : memref<1x1024xf32, #tpu.memory_space<vmem>>, vector<1x16xf32>,
        %get3A_436 = vector.shape_cast %get3A_435 : vector<1x16xf32> to vector<16xf32>
        %mul3A_437 = arith.constant 16 : i32
        %mul3A_438 = arith.muli %add3A_429, %mul3A_437 : i32
        %get3A_439 = arith.constant 0 : i32
        %get3A_440 = arith.index_cast %get3A_439 : i32 to index
        %get3A_441 = arith.index_cast %mul3A_438 : i32 to index
        %get3A_442 = tpu.vector_load %arg8[%get3A_440, %get3A_441] {strides = array<i32>} : memref<8x1024xf32, #tpu.memory_space<vmem>>, vector<1x16xf32>,
        %get3A_443 = vector.shape_cast %get3A_442 : vector<1x16xf32> to vector<16xf32>
        %add3A_444 = arith.addf %get3A_443, %get3A_436 : vector<16xf32>
        %mul3A_445 = arith.constant 16 : i32
        %mul3A_446 = arith.muli %add3A_429, %mul3A_445 : i32
        %swap3A_447 = arith.constant 0 : i32
        %swap3A_448 = arith.index_cast %swap3A_447 : i32 to index
        %swap3A_449 = arith.index_cast %mul3A_446 : i32 to index
        %swap3A_450 = tpu.vector_load %arg10[%swap3A_448, %swap3A_449] {strides = array<i32>} : memref<8x1024xf32, #tpu.memory_space<vmem>>, vector<1x16xf32>,
        %swap3A_451 = vector.shape_cast %swap3A_450 : vector<1x16xf32> to vector<16xf32>
        %swap3A_452 = vector.shape_cast %add3A_444 : vector<16xf32> to vector<1x16xf32>
        tpu.vector_store %arg10[%swap3A_448, %swap3A_449], %swap3A_452 {strides = array<i32>} : memref<8x1024xf32, #tpu.memory_space<vmem>>, vector<1x16xf32>,
        %mul3A_453 = arith.constant 16 : i32
        %mul3A_454 = arith.muli %add3A_429, %mul3A_453 : i32
        %get3A_455 = arith.constant 1 : i32
        %get3A_456 = arith.index_cast %get3A_455 : i32 to index
        %get3A_457 = arith.index_cast %mul3A_454 : i32 to index
        %get3A_458 = tpu.vector_load %arg8[%get3A_456, %get3A_457] {strides = array<i32>} : memref<8x1024xf32, #tpu.memory_space<vmem>>, vector<1x16xf32>,
        %get3A_459 = vector.shape_cast %get3A_458 : vector<1x16xf32> to vector<16xf32>
        %add3A_460 = arith.addf %get3A_459, %get3A_436 : vector<16xf32>
        %mul3A_461 = arith.constant 16 : i32
        %mul3A_462 = arith.muli %add3A_429, %mul3A_461 : i32
        %swap3A_463 = arith.constant 1 : i32
        %swap3A_464 = arith.index_cast %swap3A_463 : i32 to index
        %swap3A_465 = arith.index_cast %mul3A_462 : i32 to index
        %swap3A_466 = tpu.vector_load %arg10[%swap3A_464, %swap3A_465] {strides = array<i32>} : memref<8x1024xf32, #tpu.memory_space<vmem>>, vector<1x16xf32>,
        %swap3A_467 = vector.shape_cast %swap3A_466 : vector<1x16xf32> to vector<16xf32>
        %swap3A_468 = vector.shape_cast %add3A_460 : vector<16xf32> to vector<1x16xf32>
        tpu.vector_store %arg10[%swap3A_464, %swap3A_465], %swap3A_468 {strides = array<i32>} : memref<8x1024xf32, #tpu.memory_space<vmem>>, vector<1x16xf32>,
        %mul3A_469 = arith.constant 16 : i32
        %mul3A_470 = arith.muli %add3A_429, %mul3A_469 : i32
        %get3A_471 = arith.constant 2 : i32
        %get3A_472 = arith.index_cast %get3A_471 : i32 to index
        %get3A_473 = arith.index_cast %mul3A_470 : i32 to index
        %get3A_474 = tpu.vector_load %arg8[%get3A_472, %get3A_473] {strides = array<i32>} : memref<8x1024xf32, #tpu.memory_space<vmem>>, vector<1x16xf32>,
        %get3A_475 = vector.shape_cast %get3A_474 : vector<1x16xf32> to vector<16xf32>
        %add3A_476 = arith.addf %get3A_475, %get3A_436 : vector<16xf32>
        %mul3A_477 = arith.constant 16 : i32
        %mul3A_478 = arith.muli %add3A_429, %mul3A_477 : i32
        %swap3A_479 = arith.constant 2 : i32
        %swap3A_480 = arith.index_cast %swap3A_479 : i32 to index
        %swap3A_481 = arith.index_cast %mul3A_478 : i32 to index
        %swap3A_482 = tpu.vector_load %arg10[%swap3A_480, %swap3A_481] {strides = array<i32>} : memref<8x1024xf32, #tpu.memory_space<vmem>>, vector<1x16xf32>,
        %swap3A_483 = vector.shape_cast %swap3A_482 : vector<1x16xf32> to vector<16xf32>
        %swap3A_484 = vector.shape_cast %add3A_476 : vector<16xf32> to vector<1x16xf32>
        tpu.vector_store %arg10[%swap3A_480, %swap3A_481], %swap3A_484 {strides = array<i32>} : memref<8x1024xf32, #tpu.memory_space<vmem>>, vector<1x16xf32>,
        %mul3A_485 = arith.constant 16 : i32
        %mul3A_486 = arith.muli %add3A_429, %mul3A_485 : i32
        %get3A_487 = arith.constant 3 : i32
        %get3A_488 = arith.index_cast %get3A_487 : i32 to index
        %get3A_489 = arith.index_cast %mul3A_486 : i32 to index
        %get3A_490 = tpu.vector_load %arg8[%get3A_488, %get3A_489] {strides = array<i32>} : memref<8x1024xf32, #tpu.memory_space<vmem>>, vector<1x16xf32>,
        %get3A_491 = vector.shape_cast %get3A_490 : vector<1x16xf32> to vector<16xf32>
        %add3A_492 = arith.addf %get3A_491, %get3A_436 : vector<16xf32>
        %mul3A_493 = arith.constant 16 : i32
        %mul3A_494 = arith.muli %add3A_429, %mul3A_493 : i32
        %swap3A_495 = arith.constant 3 : i32
        %swap3A_496 = arith.index_cast %swap3A_495 : i32 to index
        %swap3A_497 = arith.index_cast %mul3A_494 : i32 to index
        %swap3A_498 = tpu.vector_load %arg10[%swap3A_496, %swap3A_497] {strides = array<i32>} : memref<8x1024xf32, #tpu.memory_space<vmem>>, vector<1x16xf32>,
        %swap3A_499 = vector.shape_cast %swap3A_498 : vector<1x16xf32> to vector<16xf32>
        %swap3A_500 = vector.shape_cast %add3A_492 : vector<16xf32> to vector<1x16xf32>
        tpu.vector_store %arg10[%swap3A_496, %swap3A_497], %swap3A_500 {strides = array<i32>} : memref<8x1024xf32, #tpu.memory_space<vmem>>, vector<1x16xf32>,
        %mul3A_501 = arith.constant 16 : i32
        %mul3A_502 = arith.muli %add3A_429, %mul3A_501 : i32
        %get3A_503 = arith.constant 4 : i32
        %get3A_504 = arith.index_cast %get3A_503 : i32 to index
        %get3A_505 = arith.index_cast %mul3A_502 : i32 to index
        %get3A_506 = tpu.vector_load %arg8[%get3A_504, %get3A_505] {strides = array<i32>} : memref<8x1024xf32, #tpu.memory_space<vmem>>, vector<1x16xf32>,
        %get3A_507 = vector.shape_cast %get3A_506 : vector<1x16xf32> to vector<16xf32>
        %add3A_508 = arith.addf %get3A_507, %get3A_436 : vector<16xf32>
        %mul3A_509 = arith.constant 16 : i32
        %mul3A_510 = arith.muli %add3A_429, %mul3A_509 : i32
        %swap3A_511 = arith.constant 4 : i32
        %swap3A_512 = arith.index_cast %swap3A_511 : i32 to index
        %swap3A_513 = arith.index_cast %mul3A_510 : i32 to index
        %swap3A_514 = tpu.vector_load %arg10[%swap3A_512, %swap3A_513] {strides = array<i32>} : memref<8x1024xf32, #tpu.memory_space<vmem>>, vector<1x16xf32>,
        %swap3A_515 = vector.shape_cast %swap3A_514 : vector<1x16xf32> to vector<16xf32>
        %swap3A_516 = vector.shape_cast %add3A_508 : vector<16xf32> to vector<1x16xf32>
        tpu.vector_store %arg10[%swap3A_512, %swap3A_513], %swap3A_516 {strides = array<i32>} : memref<8x1024xf32, #tpu.memory_space<vmem>>, vector<1x16xf32>,
        %mul3A_517 = arith.constant 16 : i32
        %mul3A_518 = arith.muli %add3A_429, %mul3A_517 : i32
        %get3A_519 = arith.constant 5 : i32
        %get3A_520 = arith.index_cast %get3A_519 : i32 to index
        %get3A_521 = arith.index_cast %mul3A_518 : i32 to index
        %get3A_522 = tpu.vector_load %arg8[%get3A_520, %get3A_521] {strides = array<i32>} : memref<8x1024xf32, #tpu.memory_space<vmem>>, vector<1x16xf32>,
        %get3A_523 = vector.shape_cast %get3A_522 : vector<1x16xf32> to vector<16xf32>
        %add3A_524 = arith.addf %get3A_523, %get3A_436 : vector<16xf32>
        %mul3A_525 = arith.constant 16 : i32
        %mul3A_526 = arith.muli %add3A_429, %mul3A_525 : i32
        %swap3A_527 = arith.constant 5 : i32
        %swap3A_528 = arith.index_cast %swap3A_527 : i32 to index
        %swap3A_529 = arith.index_cast %mul3A_526 : i32 to index
        %swap3A_530 = tpu.vector_load %arg10[%swap3A_528, %swap3A_529] {strides = array<i32>} : memref<8x1024xf32, #tpu.memory_space<vmem>>, vector<1x16xf32>,
        %swap3A_531 = vector.shape_cast %swap3A_530 : vector<1x16xf32> to vector<16xf32>
        %swap3A_532 = vector.shape_cast %add3A_524 : vector<16xf32> to vector<1x16xf32>
        tpu.vector_store %arg10[%swap3A_528, %swap3A_529], %swap3A_532 {strides = array<i32>} : memref<8x1024xf32, #tpu.memory_space<vmem>>, vector<1x16xf32>,
        %mul3A_533 = arith.constant 16 : i32
        %mul3A_534 = arith.muli %add3A_429, %mul3A_533 : i32
        %get3A_535 = arith.constant 6 : i32
        %get3A_536 = arith.index_cast %get3A_535 : i32 to index
        %get3A_537 = arith.index_cast %mul3A_534 : i32 to index
        %get3A_538 = tpu.vector_load %arg8[%get3A_536, %get3A_537] {strides = array<i32>} : memref<8x1024xf32, #tpu.memory_space<vmem>>, vector<1x16xf32>,
        %get3A_539 = vector.shape_cast %get3A_538 : vector<1x16xf32> to vector<16xf32>
        %add3A_540 = arith.addf %get3A_539, %get3A_436 : vector<16xf32>
        %mul3A_541 = arith.constant 16 : i32
        %mul3A_542 = arith.muli %add3A_429, %mul3A_541 : i32
        %swap3A_543 = arith.constant 6 : i32
        %swap3A_544 = arith.index_cast %swap3A_543 : i32 to index
        %swap3A_545 = arith.index_cast %mul3A_542 : i32 to index
        %swap3A_546 = tpu.vector_load %arg10[%swap3A_544, %swap3A_545] {strides = array<i32>} : memref<8x1024xf32, #tpu.memory_space<vmem>>, vector<1x16xf32>,
        %swap3A_547 = vector.shape_cast %swap3A_546 : vector<1x16xf32> to vector<16xf32>
        %swap3A_548 = vector.shape_cast %add3A_540 : vector<16xf32> to vector<1x16xf32>
        tpu.vector_store %arg10[%swap3A_544, %swap3A_545], %swap3A_548 {strides = array<i32>} : memref<8x1024xf32, #tpu.memory_space<vmem>>, vector<1x16xf32>,
        %mul3A_549 = arith.constant 16 : i32
        %mul3A_550 = arith.muli %add3A_429, %mul3A_549 : i32
        %get3A_551 = arith.constant 7 : i32
        %get3A_552 = arith.index_cast %get3A_551 : i32 to index
        %get3A_553 = arith.index_cast %mul3A_550 : i32 to index
        %get3A_554 = tpu.vector_load %arg8[%get3A_552, %get3A_553] {strides = array<i32>} : memref<8x1024xf32, #tpu.memory_space<vmem>>, vector<1x16xf32>,
        %get3A_555 = vector.shape_cast %get3A_554 : vector<1x16xf32> to vector<16xf32>
        %add3A_556 = arith.addf %get3A_555, %get3A_436 : vector<16xf32>
        %mul3A_557 = arith.constant 16 : i32
        %mul3A_558 = arith.muli %add3A_429, %mul3A_557 : i32
        %swap3A_559 = arith.constant 7 : i32
        %swap3A_560 = arith.index_cast %swap3A_559 : i32 to index
        %swap3A_561 = arith.index_cast %mul3A_558 : i32 to index
        %swap3A_562 = tpu.vector_load %arg10[%swap3A_560, %swap3A_561] {strides = array<i32>} : memref<8x1024xf32, #tpu.memory_space<vmem>>, vector<1x16xf32>,
        %swap3A_563 = vector.shape_cast %swap3A_562 : vector<1x16xf32> to vector<16xf32>
        %swap3A_564 = vector.shape_cast %add3A_556 : vector<16xf32> to vector<1x16xf32>
        tpu.vector_store %arg10[%swap3A_560, %swap3A_561], %swap3A_564 {strides = array<i32>} : memref<8x1024xf32, #tpu.memory_space<vmem>>, vector<1x16xf32>,
        %scan3A_565 = arith.constant 3 : i32
        %scan3A_566 = arith.addi %scan3A_145, %scan3A_565 : i32
        %mul3A_567 = arith.constant 1 : i32
        %mul3A_568 = arith.muli %scan3A_566, %mul3A_567 : i32
        %add3A_569 = arith.constant 0 : i32
        %add3A_570 = arith.addi %add3A_569, %mul3A_568 : i32
        %mul3A_571 = arith.constant 16 : i32
        %mul3A_572 = arith.muli %add3A_570, %mul3A_571 : i32
        %get3A_573 = arith.constant 0 : i32
        %get3A_574 = arith.index_cast %get3A_573 : i32 to index
        %get3A_575 = arith.index_cast %mul3A_572 : i32 to index
        %get3A_576 = tpu.vector_load %arg7[%get3A_574, %get3A_575] {strides = array<i32>} : memref<1x1024xf32, #tpu.memory_space<vmem>>, vector<1x16xf32>,
        %get3A_577 = vector.shape_cast %get3A_576 : vector<1x16xf32> to vector<16xf32>
        %mul3A_578 = arith.constant 16 : i32
        %mul3A_579 = arith.muli %add3A_570, %mul3A_578 : i32
        %get3A_580 = arith.constant 0 : i32
        %get3A_581 = arith.index_cast %get3A_580 : i32 to index
        %get3A_582 = arith.index_cast %mul3A_579 : i32 to index
        %get3A_583 = tpu.vector_load %arg8[%get3A_581, %get3A_582] {strides = array<i32>} : memref<8x1024xf32, #tpu.memory_space<vmem>>, vector<1x16xf32>,
        %get3A_584 = vector.shape_cast %get3A_583 : vector<1x16xf32> to vector<16xf32>
        %add3A_585 = arith.addf %get3A_584, %get3A_577 : vector<16xf32>
        %mul3A_586 = arith.constant 16 : i32
        %mul3A_587 = arith.muli %add3A_570, %mul3A_586 : i32
        %swap3A_588 = arith.constant 0 : i32
        %swap3A_589 = arith.index_cast %swap3A_588 : i32 to index
        %swap3A_590 = arith.index_cast %mul3A_587 : i32 to index
        %swap3A_591 = tpu.vector_load %arg10[%swap3A_589, %swap3A_590] {strides = array<i32>} : memref<8x1024xf32, #tpu.memory_space<vmem>>, vector<1x16xf32>,
        %swap3A_592 = vector.shape_cast %swap3A_591 : vector<1x16xf32> to vector<16xf32>
        %swap3A_593 = vector.shape_cast %add3A_585 : vector<16xf32> to vector<1x16xf32>
        tpu.vector_store %arg10[%swap3A_589, %swap3A_590], %swap3A_593 {strides = array<i32>} : memref<8x1024xf32, #tpu.memory_space<vmem>>, vector<1x16xf32>,
        %mul3A_594 = arith.constant 16 : i32
        %mul3A_595 = arith.muli %add3A_570, %mul3A_594 : i32
        %get3A_596 = arith.constant 1 : i32
        %get3A_597 = arith.index_cast %get3A_596 : i32 to index
        %get3A_598 = arith.index_cast %mul3A_595 : i32 to index
        %get3A_599 = tpu.vector_load %arg8[%get3A_597, %get3A_598] {strides = array<i32>} : memref<8x1024xf32, #tpu.memory_space<vmem>>, vector<1x16xf32>,
        %get3A_600 = vector.shape_cast %get3A_599 : vector<1x16xf32> to vector<16xf32>
        %add3A_601 = arith.addf %get3A_600, %get3A_577 : vector<16xf32>
        %mul3A_602 = arith.constant 16 : i32
        %mul3A_603 = arith.muli %add3A_570, %mul3A_602 : i32
        %swap3A_604 = arith.constant 1 : i32
        %swap3A_605 = arith.index_cast %swap3A_604 : i32 to index
        %swap3A_606 = arith.index_cast %mul3A_603 : i32 to index
        %swap3A_607 = tpu.vector_load %arg10[%swap3A_605, %swap3A_606] {strides = array<i32>} : memref<8x1024xf32, #tpu.memory_space<vmem>>, vector<1x16xf32>,
        %swap3A_608 = vector.shape_cast %swap3A_607 : vector<1x16xf32> to vector<16xf32>
        %swap3A_609 = vector.shape_cast %add3A_601 : vector<16xf32> to vector<1x16xf32>
        tpu.vector_store %arg10[%swap3A_605, %swap3A_606], %swap3A_609 {strides = array<i32>} : memref<8x1024xf32, #tpu.memory_space<vmem>>, vector<1x16xf32>,
        %mul3A_610 = arith.constant 16 : i32
        %mul3A_611 = arith.muli %add3A_570, %mul3A_610 : i32
        %get3A_612 = arith.constant 2 : i32
        %get3A_613 = arith.index_cast %get3A_612 : i32 to index
        %get3A_614 = arith.index_cast %mul3A_611 : i32 to index
        %get3A_615 = tpu.vector_load %arg8[%get3A_613, %get3A_614] {strides = array<i32>} : memref<8x1024xf32, #tpu.memory_space<vmem>>, vector<1x16xf32>,
        %get3A_616 = vector.shape_cast %get3A_615 : vector<1x16xf32> to vector<16xf32>
        %add3A_617 = arith.addf %get3A_616, %get3A_577 : vector<16xf32>
        %mul3A_618 = arith.constant 16 : i32
        %mul3A_619 = arith.muli %add3A_570, %mul3A_618 : i32
        %swap3A_620 = arith.constant 2 : i32
        %swap3A_621 = arith.index_cast %swap3A_620 : i32 to index
        %swap3A_622 = arith.index_cast %mul3A_619 : i32 to index
        %swap3A_623 = tpu.vector_load %arg10[%swap3A_621, %swap3A_622] {strides = array<i32>} : memref<8x1024xf32, #tpu.memory_space<vmem>>, vector<1x16xf32>,
        %swap3A_624 = vector.shape_cast %swap3A_623 : vector<1x16xf32> to vector<16xf32>
        %swap3A_625 = vector.shape_cast %add3A_617 : vector<16xf32> to vector<1x16xf32>
        tpu.vector_store %arg10[%swap3A_621, %swap3A_622], %swap3A_625 {strides = array<i32>} : memref<8x1024xf32, #tpu.memory_space<vmem>>, vector<1x16xf32>,
        %mul3A_626 = arith.constant 16 : i32
        %mul3A_627 = arith.muli %add3A_570, %mul3A_626 : i32
        %get3A_628 = arith.constant 3 : i32
        %get3A_629 = arith.index_cast %get3A_628 : i32 to index
        %get3A_630 = arith.index_cast %mul3A_627 : i32 to index
        %get3A_631 = tpu.vector_load %arg8[%get3A_629, %get3A_630] {strides = array<i32>} : memref<8x1024xf32, #tpu.memory_space<vmem>>, vector<1x16xf32>,
        %get3A_632 = vector.shape_cast %get3A_631 : vector<1x16xf32> to vector<16xf32>
        %add3A_633 = arith.addf %get3A_632, %get3A_577 : vector<16xf32>
        %mul3A_634 = arith.constant 16 : i32
        %mul3A_635 = arith.muli %add3A_570, %mul3A_634 : i32
        %swap3A_636 = arith.constant 3 : i32
        %swap3A_637 = arith.index_cast %swap3A_636 : i32 to index
        %swap3A_638 = arith.index_cast %mul3A_635 : i32 to index
        %swap3A_639 = tpu.vector_load %arg10[%swap3A_637, %swap3A_638] {strides = array<i32>} : memref<8x1024xf32, #tpu.memory_space<vmem>>, vector<1x16xf32>,
        %swap3A_640 = vector.shape_cast %swap3A_639 : vector<1x16xf32> to vector<16xf32>
        %swap3A_641 = vector.shape_cast %add3A_633 : vector<16xf32> to vector<1x16xf32>
        tpu.vector_store %arg10[%swap3A_637, %swap3A_638], %swap3A_641 {strides = array<i32>} : memref<8x1024xf32, #tpu.memory_space<vmem>>, vector<1x16xf32>,
        %mul3A_642 = arith.constant 16 : i32
        %mul3A_643 = arith.muli %add3A_570, %mul3A_642 : i32
        %get3A_644 = arith.constant 4 : i32
        %get3A_645 = arith.index_cast %get3A_644 : i32 to index
        %get3A_646 = arith.index_cast %mul3A_643 : i32 to index
        %get3A_647 = tpu.vector_load %arg8[%get3A_645, %get3A_646] {strides = array<i32>} : memref<8x1024xf32, #tpu.memory_space<vmem>>, vector<1x16xf32>,
        %get3A_648 = vector.shape_cast %get3A_647 : vector<1x16xf32> to vector<16xf32>
        %add3A_649 = arith.addf %get3A_648, %get3A_577 : vector<16xf32>
        %mul3A_650 = arith.constant 16 : i32
        %mul3A_651 = arith.muli %add3A_570, %mul3A_650 : i32
        %swap3A_652 = arith.constant 4 : i32
        %swap3A_653 = arith.index_cast %swap3A_652 : i32 to index
        %swap3A_654 = arith.index_cast %mul3A_651 : i32 to index
        %swap3A_655 = tpu.vector_load %arg10[%swap3A_653, %swap3A_654] {strides = array<i32>} : memref<8x1024xf32, #tpu.memory_space<vmem>>, vector<1x16xf32>,
        %swap3A_656 = vector.shape_cast %swap3A_655 : vector<1x16xf32> to vector<16xf32>
        %swap3A_657 = vector.shape_cast %add3A_649 : vector<16xf32> to vector<1x16xf32>
        tpu.vector_store %arg10[%swap3A_653, %swap3A_654], %swap3A_657 {strides = array<i32>} : memref<8x1024xf32, #tpu.memory_space<vmem>>, vector<1x16xf32>,
        %mul3A_658 = arith.constant 16 : i32
        %mul3A_659 = arith.muli %add3A_570, %mul3A_658 : i32
        %get3A_660 = arith.constant 5 : i32
        %get3A_661 = arith.index_cast %get3A_660 : i32 to index
        %get3A_662 = arith.index_cast %mul3A_659 : i32 to index
        %get3A_663 = tpu.vector_load %arg8[%get3A_661, %get3A_662] {strides = array<i32>} : memref<8x1024xf32, #tpu.memory_space<vmem>>, vector<1x16xf32>,
        %get3A_664 = vector.shape_cast %get3A_663 : vector<1x16xf32> to vector<16xf32>
        %add3A_665 = arith.addf %get3A_664, %get3A_577 : vector<16xf32>
        %mul3A_666 = arith.constant 16 : i32
        %mul3A_667 = arith.muli %add3A_570, %mul3A_666 : i32
        %swap3A_668 = arith.constant 5 : i32
        %swap3A_669 = arith.index_cast %swap3A_668 : i32 to index
        %swap3A_670 = arith.index_cast %mul3A_667 : i32 to index
        %swap3A_671 = tpu.vector_load %arg10[%swap3A_669, %swap3A_670] {strides = array<i32>} : memref<8x1024xf32, #tpu.memory_space<vmem>>, vector<1x16xf32>,
        %swap3A_672 = vector.shape_cast %swap3A_671 : vector<1x16xf32> to vector<16xf32>
        %swap3A_673 = vector.shape_cast %add3A_665 : vector<16xf32> to vector<1x16xf32>
        tpu.vector_store %arg10[%swap3A_669, %swap3A_670], %swap3A_673 {strides = array<i32>} : memref<8x1024xf32, #tpu.memory_space<vmem>>, vector<1x16xf32>,
        %mul3A_674 = arith.constant 16 : i32
        %mul3A_675 = arith.muli %add3A_570, %mul3A_674 : i32
        %get3A_676 = arith.constant 6 : i32
        %get3A_677 = arith.index_cast %get3A_676 : i32 to index
        %get3A_678 = arith.index_cast %mul3A_675 : i32 to index
        %get3A_679 = tpu.vector_load %arg8[%get3A_677, %get3A_678] {strides = array<i32>} : memref<8x1024xf32, #tpu.memory_space<vmem>>, vector<1x16xf32>,
        %get3A_680 = vector.shape_cast %get3A_679 : vector<1x16xf32> to vector<16xf32>
        %add3A_681 = arith.addf %get3A_680, %get3A_577 : vector<16xf32>
        %mul3A_682 = arith.constant 16 : i32
        %mul3A_683 = arith.muli %add3A_570, %mul3A_682 : i32
        %swap3A_684 = arith.constant 6 : i32
        %swap3A_685 = arith.index_cast %swap3A_684 : i32 to index
        %swap3A_686 = arith.index_cast %mul3A_683 : i32 to index
        %swap3A_687 = tpu.vector_load %arg10[%swap3A_685, %swap3A_686] {strides = array<i32>} : memref<8x1024xf32, #tpu.memory_space<vmem>>, vector<1x16xf32>,
        %swap3A_688 = vector.shape_cast %swap3A_687 : vector<1x16xf32> to vector<16xf32>
        %swap3A_689 = vector.shape_cast %add3A_681 : vector<16xf32> to vector<1x16xf32>
        tpu.vector_store %arg10[%swap3A_685, %swap3A_686], %swap3A_689 {strides = array<i32>} : memref<8x1024xf32, #tpu.memory_space<vmem>>, vector<1x16xf32>,
        %mul3A_690 = arith.constant 16 : i32
        %mul3A_691 = arith.muli %add3A_570, %mul3A_690 : i32
        %get3A_692 = arith.constant 7 : i32
        %get3A_693 = arith.index_cast %get3A_692 : i32 to index
        %get3A_694 = arith.index_cast %mul3A_691 : i32 to index
        %get3A_695 = tpu.vector_load %arg8[%get3A_693, %get3A_694] {strides = array<i32>} : memref<8x1024xf32, #tpu.memory_space<vmem>>, vector<1x16xf32>,
        %get3A_696 = vector.shape_cast %get3A_695 : vector<1x16xf32> to vector<16xf32>
        %add3A_697 = arith.addf %get3A_696, %get3A_577 : vector<16xf32>
        %mul3A_698 = arith.constant 16 : i32
        %mul3A_699 = arith.muli %add3A_570, %mul3A_698 : i32
        %swap3A_700 = arith.constant 7 : i32
        %swap3A_701 = arith.index_cast %swap3A_700 : i32 to index
        %swap3A_702 = arith.index_cast %mul3A_699 : i32 to index
        %swap3A_703 = tpu.vector_load %arg10[%swap3A_701, %swap3A_702] {strides = array<i32>} : memref<8x1024xf32, #tpu.memory_space<vmem>>, vector<1x16xf32>,
        %swap3A_704 = vector.shape_cast %swap3A_703 : vector<1x16xf32> to vector<16xf32>
        %swap3A_705 = vector.shape_cast %add3A_697 : vector<16xf32> to vector<1x16xf32>
        tpu.vector_store %arg10[%swap3A_701, %swap3A_702], %swap3A_705 {strides = array<i32>} : memref<8x1024xf32, #tpu.memory_space<vmem>>, vector<1x16xf32>,
        %scan3A_706 = arith.constant 4 : i32
        %scan3A_707 = arith.addi %scan3A_145, %scan3A_706 : i32
        %mul3A_708 = arith.constant 1 : i32
        %mul3A_709 = arith.muli %scan3A_707, %mul3A_708 : i32
        %add3A_710 = arith.constant 0 : i32
        %add3A_711 = arith.addi %add3A_710, %mul3A_709 : i32
        %mul3A_712 = arith.constant 16 : i32
        %mul3A_713 = arith.muli %add3A_711, %mul3A_712 : i32
        %get3A_714 = arith.constant 0 : i32
        %get3A_715 = arith.index_cast %get3A_714 : i32 to index
        %get3A_716 = arith.index_cast %mul3A_713 : i32 to index
        %get3A_717 = tpu.vector_load %arg7[%get3A_715, %get3A_716] {strides = array<i32>} : memref<1x1024xf32, #tpu.memory_space<vmem>>, vector<1x16xf32>,
        %get3A_718 = vector.shape_cast %get3A_717 : vector<1x16xf32> to vector<16xf32>
        %mul3A_719 = arith.constant 16 : i32
        %mul3A_720 = arith.muli %add3A_711, %mul3A_719 : i32
        %get3A_721 = arith.constant 0 : i32
        %get3A_722 = arith.index_cast %get3A_721 : i32 to index
        %get3A_723 = arith.index_cast %mul3A_720 : i32 to index
        %get3A_724 = tpu.vector_load %arg8[%get3A_722, %get3A_723] {strides = array<i32>} : memref<8x1024xf32, #tpu.memory_space<vmem>>, vector<1x16xf32>,
        %get3A_725 = vector.shape_cast %get3A_724 : vector<1x16xf32> to vector<16xf32>
        %add3A_726 = arith.addf %get3A_725, %get3A_718 : vector<16xf32>
        %mul3A_727 = arith.constant 16 : i32
        %mul3A_728 = arith.muli %add3A_711, %mul3A_727 : i32
        %swap3A_729 = arith.constant 0 : i32
        %swap3A_730 = arith.index_cast %swap3A_729 : i32 to index
        %swap3A_731 = arith.index_cast %mul3A_728 : i32 to index
        %swap3A_732 = tpu.vector_load %arg10[%swap3A_730, %swap3A_731] {strides = array<i32>} : memref<8x1024xf32, #tpu.memory_space<vmem>>, vector<1x16xf32>,
        %swap3A_733 = vector.shape_cast %swap3A_732 : vector<1x16xf32> to vector<16xf32>
        %swap3A_734 = vector.shape_cast %add3A_726 : vector<16xf32> to vector<1x16xf32>
        tpu.vector_store %arg10[%swap3A_730, %swap3A_731], %swap3A_734 {strides = array<i32>} : memref<8x1024xf32, #tpu.memory_space<vmem>>, vector<1x16xf32>,
        %mul3A_735 = arith.constant 16 : i32
        %mul3A_736 = arith.muli %add3A_711, %mul3A_735 : i32
        %get3A_737 = arith.constant 1 : i32
        %get3A_738 = arith.index_cast %get3A_737 : i32 to index
        %get3A_739 = arith.index_cast %mul3A_736 : i32 to index
        %get3A_740 = tpu.vector_load %arg8[%get3A_738, %get3A_739] {strides = array<i32>} : memref<8x1024xf32, #tpu.memory_space<vmem>>, vector<1x16xf32>,
        %get3A_741 = vector.shape_cast %get3A_740 : vector<1x16xf32> to vector<16xf32>
        %add3A_742 = arith.addf %get3A_741, %get3A_718 : vector<16xf32>
        %mul3A_743 = arith.constant 16 : i32
        %mul3A_744 = arith.muli %add3A_711, %mul3A_743 : i32
        %swap3A_745 = arith.constant 1 : i32
        %swap3A_746 = arith.index_cast %swap3A_745 : i32 to index
        %swap3A_747 = arith.index_cast %mul3A_744 : i32 to index
        %swap3A_748 = tpu.vector_load %arg10[%swap3A_746, %swap3A_747] {strides = array<i32>} : memref<8x1024xf32, #tpu.memory_space<vmem>>, vector<1x16xf32>,
        %swap3A_749 = vector.shape_cast %swap3A_748 : vector<1x16xf32> to vector<16xf32>
        %swap3A_750 = vector.shape_cast %add3A_742 : vector<16xf32> to vector<1x16xf32>
        tpu.vector_store %arg10[%swap3A_746, %swap3A_747], %swap3A_750 {strides = array<i32>} : memref<8x1024xf32, #tpu.memory_space<vmem>>, vector<1x16xf32>,
        %mul3A_751 = arith.constant 16 : i32
        %mul3A_752 = arith.muli %add3A_711, %mul3A_751 : i32
        %get3A_753 = arith.constant 2 : i32
        %get3A_754 = arith.index_cast %get3A_753 : i32 to index
        %get3A_755 = arith.index_cast %mul3A_752 : i32 to index
        %get3A_756 = tpu.vector_load %arg8[%get3A_754, %get3A_755] {strides = array<i32>} : memref<8x1024xf32, #tpu.memory_space<vmem>>, vector<1x16xf32>,
        %get3A_757 = vector.shape_cast %get3A_756 : vector<1x16xf32> to vector<16xf32>
        %add3A_758 = arith.addf %get3A_757, %get3A_718 : vector<16xf32>
        %mul3A_759 = arith.constant 16 : i32
        %mul3A_760 = arith.muli %add3A_711, %mul3A_759 : i32
        %swap3A_761 = arith.constant 2 : i32
        %swap3A_762 = arith.index_cast %swap3A_761 : i32 to index
        %swap3A_763 = arith.index_cast %mul3A_760 : i32 to index
        %swap3A_764 = tpu.vector_load %arg10[%swap3A_762, %swap3A_763] {strides = array<i32>} : memref<8x1024xf32, #tpu.memory_space<vmem>>, vector<1x16xf32>,
        %swap3A_765 = vector.shape_cast %swap3A_764 : vector<1x16xf32> to vector<16xf32>
        %swap3A_766 = vector.shape_cast %add3A_758 : vector<16xf32> to vector<1x16xf32>
        tpu.vector_store %arg10[%swap3A_762, %swap3A_763], %swap3A_766 {strides = array<i32>} : memref<8x1024xf32, #tpu.memory_space<vmem>>, vector<1x16xf32>,
        %mul3A_767 = arith.constant 16 : i32
        %mul3A_768 = arith.muli %add3A_711, %mul3A_767 : i32
        %get3A_769 = arith.constant 3 : i32
        %get3A_770 = arith.index_cast %get3A_769 : i32 to index
        %get3A_771 = arith.index_cast %mul3A_768 : i32 to index
        %get3A_772 = tpu.vector_load %arg8[%get3A_770, %get3A_771] {strides = array<i32>} : memref<8x1024xf32, #tpu.memory_space<vmem>>, vector<1x16xf32>,
        %get3A_773 = vector.shape_cast %get3A_772 : vector<1x16xf32> to vector<16xf32>
        %add3A_774 = arith.addf %get3A_773, %get3A_718 : vector<16xf32>
        %mul3A_775 = arith.constant 16 : i32
        %mul3A_776 = arith.muli %add3A_711, %mul3A_775 : i32
        %swap3A_777 = arith.constant 3 : i32
        %swap3A_778 = arith.index_cast %swap3A_777 : i32 to index
        %swap3A_779 = arith.index_cast %mul3A_776 : i32 to index
        %swap3A_780 = tpu.vector_load %arg10[%swap3A_778, %swap3A_779] {strides = array<i32>} : memref<8x1024xf32, #tpu.memory_space<vmem>>, vector<1x16xf32>,
        %swap3A_781 = vector.shape_cast %swap3A_780 : vector<1x16xf32> to vector<16xf32>
        %swap3A_782 = vector.shape_cast %add3A_774 : vector<16xf32> to vector<1x16xf32>
        tpu.vector_store %arg10[%swap3A_778, %swap3A_779], %swap3A_782 {strides = array<i32>} : memref<8x1024xf32, #tpu.memory_space<vmem>>, vector<1x16xf32>,
        %mul3A_783 = arith.constant 16 : i32
        %mul3A_784 = arith.muli %add3A_711, %mul3A_783 : i32
        %get3A_785 = arith.constant 4 : i32
        %get3A_786 = arith.index_cast %get3A_785 : i32 to index
        %get3A_787 = arith.index_cast %mul3A_784 : i32 to index
        %get3A_788 = tpu.vector_load %arg8[%get3A_786, %get3A_787] {strides = array<i32>} : memref<8x1024xf32, #tpu.memory_space<vmem>>, vector<1x16xf32>,
        %get3A_789 = vector.shape_cast %get3A_788 : vector<1x16xf32> to vector<16xf32>
        %add3A_790 = arith.addf %get3A_789, %get3A_718 : vector<16xf32>
        %mul3A_791 = arith.constant 16 : i32
        %mul3A_792 = arith.muli %add3A_711, %mul3A_791 : i32
        %swap3A_793 = arith.constant 4 : i32
        %swap3A_794 = arith.index_cast %swap3A_793 : i32 to index
        %swap3A_795 = arith.index_cast %mul3A_792 : i32 to index
        %swap3A_796 = tpu.vector_load %arg10[%swap3A_794, %swap3A_795] {strides = array<i32>} : memref<8x1024xf32, #tpu.memory_space<vmem>>, vector<1x16xf32>,
        %swap3A_797 = vector.shape_cast %swap3A_796 : vector<1x16xf32> to vector<16xf32>
        %swap3A_798 = vector.shape_cast %add3A_790 : vector<16xf32> to vector<1x16xf32>
        tpu.vector_store %arg10[%swap3A_794, %swap3A_795], %swap3A_798 {strides = array<i32>} : memref<8x1024xf32, #tpu.memory_space<vmem>>, vector<1x16xf32>,
        %mul3A_799 = arith.constant 16 : i32
        %mul3A_800 = arith.muli %add3A_711, %mul3A_799 : i32
        %get3A_801 = arith.constant 5 : i32
        %get3A_802 = arith.index_cast %get3A_801 : i32 to index
        %get3A_803 = arith.index_cast %mul3A_800 : i32 to index
        %get3A_804 = tpu.vector_load %arg8[%get3A_802, %get3A_803] {strides = array<i32>} : memref<8x1024xf32, #tpu.memory_space<vmem>>, vector<1x16xf32>,
        %get3A_805 = vector.shape_cast %get3A_804 : vector<1x16xf32> to vector<16xf32>
        %add3A_806 = arith.addf %get3A_805, %get3A_718 : vector<16xf32>
        %mul3A_807 = arith.constant 16 : i32
        %mul3A_808 = arith.muli %add3A_711, %mul3A_807 : i32
        %swap3A_809 = arith.constant 5 : i32
        %swap3A_810 = arith.index_cast %swap3A_809 : i32 to index
        %swap3A_811 = arith.index_cast %mul3A_808 : i32 to index
        %swap3A_812 = tpu.vector_load %arg10[%swap3A_810, %swap3A_811] {strides = array<i32>} : memref<8x1024xf32, #tpu.memory_space<vmem>>, vector<1x16xf32>,
        %swap3A_813 = vector.shape_cast %swap3A_812 : vector<1x16xf32> to vector<16xf32>
        %swap3A_814 = vector.shape_cast %add3A_806 : vector<16xf32> to vector<1x16xf32>
        tpu.vector_store %arg10[%swap3A_810, %swap3A_811], %swap3A_814 {strides = array<i32>} : memref<8x1024xf32, #tpu.memory_space<vmem>>, vector<1x16xf32>,
        %mul3A_815 = arith.constant 16 : i32
        %mul3A_816 = arith.muli %add3A_711, %mul3A_815 : i32
        %get3A_817 = arith.constant 6 : i32
        %get3A_818 = arith.index_cast %get3A_817 : i32 to index
        %get3A_819 = arith.index_cast %mul3A_816 : i32 to index
        %get3A_820 = tpu.vector_load %arg8[%get3A_818, %get3A_819] {strides = array<i32>} : memref<8x1024xf32, #tpu.memory_space<vmem>>, vector<1x16xf32>,
        %get3A_821 = vector.shape_cast %get3A_820 : vector<1x16xf32> to vector<16xf32>
        %add3A_822 = arith.addf %get3A_821, %get3A_718 : vector<16xf32>
        %mul3A_823 = arith.constant 16 : i32
        %mul3A_824 = arith.muli %add3A_711, %mul3A_823 : i32
        %swap3A_825 = arith.constant 6 : i32
        %swap3A_826 = arith.index_cast %swap3A_825 : i32 to index
        %swap3A_827 = arith.index_cast %mul3A_824 : i32 to index
        %swap3A_828 = tpu.vector_load %arg10[%swap3A_826, %swap3A_827] {strides = array<i32>} : memref<8x1024xf32, #tpu.memory_space<vmem>>, vector<1x16xf32>,
        %swap3A_829 = vector.shape_cast %swap3A_828 : vector<1x16xf32> to vector<16xf32>
        %swap3A_830 = vector.shape_cast %add3A_822 : vector<16xf32> to vector<1x16xf32>
        tpu.vector_store %arg10[%swap3A_826, %swap3A_827], %swap3A_830 {strides = array<i32>} : memref<8x1024xf32, #tpu.memory_space<vmem>>, vector<1x16xf32>,
        %mul3A_831 = arith.constant 16 : i32
        %mul3A_832 = arith.muli %add3A_711, %mul3A_831 : i32
        %get3A_833 = arith.constant 7 : i32
        %get3A_834 = arith.index_cast %get3A_833 : i32 to index
        %get3A_835 = arith.index_cast %mul3A_832 : i32 to index
        %get3A_836 = tpu.vector_load %arg8[%get3A_834, %get3A_835] {strides = array<i32>} : memref<8x1024xf32, #tpu.memory_space<vmem>>, vector<1x16xf32>,
        %get3A_837 = vector.shape_cast %get3A_836 : vector<1x16xf32> to vector<16xf32>
        %add3A_838 = arith.addf %get3A_837, %get3A_718 : vector<16xf32>
        %mul3A_839 = arith.constant 16 : i32
        %mul3A_840 = arith.muli %add3A_711, %mul3A_839 : i32
        %swap3A_841 = arith.constant 7 : i32
        %swap3A_842 = arith.index_cast %swap3A_841 : i32 to index
        %swap3A_843 = arith.index_cast %mul3A_840 : i32 to index
        %swap3A_844 = tpu.vector_load %arg10[%swap3A_842, %swap3A_843] {strides = array<i32>} : memref<8x1024xf32, #tpu.memory_space<vmem>>, vector<1x16xf32>,
        %swap3A_845 = vector.shape_cast %swap3A_844 : vector<1x16xf32> to vector<16xf32>
        %swap3A_846 = vector.shape_cast %add3A_838 : vector<16xf32> to vector<1x16xf32>
        tpu.vector_store %arg10[%swap3A_842, %swap3A_843], %swap3A_846 {strides = array<i32>} : memref<8x1024xf32, #tpu.memory_space<vmem>>, vector<1x16xf32>,
        %scan3A_847 = arith.constant 5 : i32
        %scan3A_848 = arith.addi %scan3A_145, %scan3A_847 : i32
        %mul3A_849 = arith.constant 1 : i32
        %mul3A_850 = arith.muli %scan3A_848, %mul3A_849 : i32
        %add3A_851 = arith.constant 0 : i32
        %add3A_852 = arith.addi %add3A_851, %mul3A_850 : i32
        %mul3A_853 = arith.constant 16 : i32
        %mul3A_854 = arith.muli %add3A_852, %mul3A_853 : i32
        %get3A_855 = arith.constant 0 : i32
        %get3A_856 = arith.index_cast %get3A_855 : i32 to index
        %get3A_857 = arith.index_cast %mul3A_854 : i32 to index
        %get3A_858 = tpu.vector_load %arg7[%get3A_856, %get3A_857] {strides = array<i32>} : memref<1x1024xf32, #tpu.memory_space<vmem>>, vector<1x16xf32>,
        %get3A_859 = vector.shape_cast %get3A_858 : vector<1x16xf32> to vector<16xf32>
        %mul3A_860 = arith.constant 16 : i32
        %mul3A_861 = arith.muli %add3A_852, %mul3A_860 : i32
        %get3A_862 = arith.constant 0 : i32
        %get3A_863 = arith.index_cast %get3A_862 : i32 to index
        %get3A_864 = arith.index_cast %mul3A_861 : i32 to index
        %get3A_865 = tpu.vector_load %arg8[%get3A_863, %get3A_864] {strides = array<i32>} : memref<8x1024xf32, #tpu.memory_space<vmem>>, vector<1x16xf32>,
        %get3A_866 = vector.shape_cast %get3A_865 : vector<1x16xf32> to vector<16xf32>
        %add3A_867 = arith.addf %get3A_866, %get3A_859 : vector<16xf32>
        %mul3A_868 = arith.constant 16 : i32
        %mul3A_869 = arith.muli %add3A_852, %mul3A_868 : i32
        %swap3A_870 = arith.constant 0 : i32
        %swap3A_871 = arith.index_cast %swap3A_870 : i32 to index
        %swap3A_872 = arith.index_cast %mul3A_869 : i32 to index
        %swap3A_873 = tpu.vector_load %arg10[%swap3A_871, %swap3A_872] {strides = array<i32>} : memref<8x1024xf32, #tpu.memory_space<vmem>>, vector<1x16xf32>,
        %swap3A_874 = vector.shape_cast %swap3A_873 : vector<1x16xf32> to vector<16xf32>
        %swap3A_875 = vector.shape_cast %add3A_867 : vector<16xf32> to vector<1x16xf32>
        tpu.vector_store %arg10[%swap3A_871, %swap3A_872], %swap3A_875 {strides = array<i32>} : memref<8x1024xf32, #tpu.memory_space<vmem>>, vector<1x16xf32>,
        %mul3A_876 = arith.constant 16 : i32
        %mul3A_877 = arith.muli %add3A_852, %mul3A_876 : i32
        %get3A_878 = arith.constant 1 : i32
        %get3A_879 = arith.index_cast %get3A_878 : i32 to index
        %get3A_880 = arith.index_cast %mul3A_877 : i32 to index
        %get3A_881 = tpu.vector_load %arg8[%get3A_879, %get3A_880] {strides = array<i32>} : memref<8x1024xf32, #tpu.memory_space<vmem>>, vector<1x16xf32>,
        %get3A_882 = vector.shape_cast %get3A_881 : vector<1x16xf32> to vector<16xf32>
        %add3A_883 = arith.addf %get3A_882, %get3A_859 : vector<16xf32>
        %mul3A_884 = arith.constant 16 : i32
        %mul3A_885 = arith.muli %add3A_852, %mul3A_884 : i32
        %swap3A_886 = arith.constant 1 : i32
        %swap3A_887 = arith.index_cast %swap3A_886 : i32 to index
        %swap3A_888 = arith.index_cast %mul3A_885 : i32 to index
        %swap3A_889 = tpu.vector_load %arg10[%swap3A_887, %swap3A_888] {strides = array<i32>} : memref<8x1024xf32, #tpu.memory_space<vmem>>, vector<1x16xf32>,
        %swap3A_890 = vector.shape_cast %swap3A_889 : vector<1x16xf32> to vector<16xf32>
        %swap3A_891 = vector.shape_cast %add3A_883 : vector<16xf32> to vector<1x16xf32>
        tpu.vector_store %arg10[%swap3A_887, %swap3A_888], %swap3A_891 {strides = array<i32>} : memref<8x1024xf32, #tpu.memory_space<vmem>>, vector<1x16xf32>,
        %mul3A_892 = arith.constant 16 : i32
        %mul3A_893 = arith.muli %add3A_852, %mul3A_892 : i32
        %get3A_894 = arith.constant 2 : i32
        %get3A_895 = arith.index_cast %get3A_894 : i32 to index
        %get3A_896 = arith.index_cast %mul3A_893 : i32 to index
        %get3A_897 = tpu.vector_load %arg8[%get3A_895, %get3A_896] {strides = array<i32>} : memref<8x1024xf32, #tpu.memory_space<vmem>>, vector<1x16xf32>,
        %get3A_898 = vector.shape_cast %get3A_897 : vector<1x16xf32> to vector<16xf32>
        %add3A_899 = arith.addf %get3A_898, %get3A_859 : vector<16xf32>
        %mul3A_900 = arith.constant 16 : i32
        %mul3A_901 = arith.muli %add3A_852, %mul3A_900 : i32
        %swap3A_902 = arith.constant 2 : i32
        %swap3A_903 = arith.index_cast %swap3A_902 : i32 to index
        %swap3A_904 = arith.index_cast %mul3A_901 : i32 to index
        %swap3A_905 = tpu.vector_load %arg10[%swap3A_903, %swap3A_904] {strides = array<i32>} : memref<8x1024xf32, #tpu.memory_space<vmem>>, vector<1x16xf32>,
        %swap3A_906 = vector.shape_cast %swap3A_905 : vector<1x16xf32> to vector<16xf32>
        %swap3A_907 = vector.shape_cast %add3A_899 : vector<16xf32> to vector<1x16xf32>
        tpu.vector_store %arg10[%swap3A_903, %swap3A_904], %swap3A_907 {strides = array<i32>} : memref<8x1024xf32, #tpu.memory_space<vmem>>, vector<1x16xf32>,
        %mul3A_908 = arith.constant 16 : i32
        %mul3A_909 = arith.muli %add3A_852, %mul3A_908 : i32
        %get3A_910 = arith.constant 3 : i32
        %get3A_911 = arith.index_cast %get3A_910 : i32 to index
        %get3A_912 = arith.index_cast %mul3A_909 : i32 to index
        %get3A_913 = tpu.vector_load %arg8[%get3A_911, %get3A_912] {strides = array<i32>} : memref<8x1024xf32, #tpu.memory_space<vmem>>, vector<1x16xf32>,
        %get3A_914 = vector.shape_cast %get3A_913 : vector<1x16xf32> to vector<16xf32>
        %add3A_915 = arith.addf %get3A_914, %get3A_859 : vector<16xf32>
        %mul3A_916 = arith.constant 16 : i32
        %mul3A_917 = arith.muli %add3A_852, %mul3A_916 : i32
        %swap3A_918 = arith.constant 3 : i32
        %swap3A_919 = arith.index_cast %swap3A_918 : i32 to index
        %swap3A_920 = arith.index_cast %mul3A_917 : i32 to index
        %swap3A_921 = tpu.vector_load %arg10[%swap3A_919, %swap3A_920] {strides = array<i32>} : memref<8x1024xf32, #tpu.memory_space<vmem>>, vector<1x16xf32>,
        %swap3A_922 = vector.shape_cast %swap3A_921 : vector<1x16xf32> to vector<16xf32>
        %swap3A_923 = vector.shape_cast %add3A_915 : vector<16xf32> to vector<1x16xf32>
        tpu.vector_store %arg10[%swap3A_919, %swap3A_920], %swap3A_923 {strides = array<i32>} : memref<8x1024xf32, #tpu.memory_space<vmem>>, vector<1x16xf32>,
        %mul3A_924 = arith.constant 16 : i32
        %mul3A_925 = arith.muli %add3A_852, %mul3A_924 : i32
        %get3A_926 = arith.constant 4 : i32
        %get3A_927 = arith.index_cast %get3A_926 : i32 to index
        %get3A_928 = arith.index_cast %mul3A_925 : i32 to index
        %get3A_929 = tpu.vector_load %arg8[%get3A_927, %get3A_928] {strides = array<i32>} : memref<8x1024xf32, #tpu.memory_space<vmem>>, vector<1x16xf32>,
        %get3A_930 = vector.shape_cast %get3A_929 : vector<1x16xf32> to vector<16xf32>
        %add3A_931 = arith.addf %get3A_930, %get3A_859 : vector<16xf32>
        %mul3A_932 = arith.constant 16 : i32
        %mul3A_933 = arith.muli %add3A_852, %mul3A_932 : i32
        %swap3A_934 = arith.constant 4 : i32
        %swap3A_935 = arith.index_cast %swap3A_934 : i32 to index
        %swap3A_936 = arith.index_cast %mul3A_933 : i32 to index
        %swap3A_937 = tpu.vector_load %arg10[%swap3A_935, %swap3A_936] {strides = array<i32>} : memref<8x1024xf32, #tpu.memory_space<vmem>>, vector<1x16xf32>,
        %swap3A_938 = vector.shape_cast %swap3A_937 : vector<1x16xf32> to vector<16xf32>
        %swap3A_939 = vector.shape_cast %add3A_931 : vector<16xf32> to vector<1x16xf32>
        tpu.vector_store %arg10[%swap3A_935, %swap3A_936], %swap3A_939 {strides = array<i32>} : memref<8x1024xf32, #tpu.memory_space<vmem>>, vector<1x16xf32>,
        %mul3A_940 = arith.constant 16 : i32
        %mul3A_941 = arith.muli %add3A_852, %mul3A_940 : i32
        %get3A_942 = arith.constant 5 : i32
        %get3A_943 = arith.index_cast %get3A_942 : i32 to index
        %get3A_944 = arith.index_cast %mul3A_941 : i32 to index
        %get3A_945 = tpu.vector_load %arg8[%get3A_943, %get3A_944] {strides = array<i32>} : memref<8x1024xf32, #tpu.memory_space<vmem>>, vector<1x16xf32>,
        %get3A_946 = vector.shape_cast %get3A_945 : vector<1x16xf32> to vector<16xf32>
        %add3A_947 = arith.addf %get3A_946, %get3A_859 : vector<16xf32>
        %mul3A_948 = arith.constant 16 : i32
        %mul3A_949 = arith.muli %add3A_852, %mul3A_948 : i32
        %swap3A_950 = arith.constant 5 : i32
        %swap3A_951 = arith.index_cast %swap3A_950 : i32 to index
        %swap3A_952 = arith.index_cast %mul3A_949 : i32 to index
        %swap3A_953 = tpu.vector_load %arg10[%swap3A_951, %swap3A_952] {strides = array<i32>} : memref<8x1024xf32, #tpu.memory_space<vmem>>, vector<1x16xf32>,
        %swap3A_954 = vector.shape_cast %swap3A_953 : vector<1x16xf32> to vector<16xf32>
        %swap3A_955 = vector.shape_cast %add3A_947 : vector<16xf32> to vector<1x16xf32>
        tpu.vector_store %arg10[%swap3A_951, %swap3A_952], %swap3A_955 {strides = array<i32>} : memref<8x1024xf32, #tpu.memory_space<vmem>>, vector<1x16xf32>,
        %mul3A_956 = arith.constant 16 : i32
        %mul3A_957 = arith.muli %add3A_852, %mul3A_956 : i32
        %get3A_958 = arith.constant 6 : i32
        %get3A_959 = arith.index_cast %get3A_958 : i32 to index
        %get3A_960 = arith.index_cast %mul3A_957 : i32 to index
        %get3A_961 = tpu.vector_load %arg8[%get3A_959, %get3A_960] {strides = array<i32>} : memref<8x1024xf32, #tpu.memory_space<vmem>>, vector<1x16xf32>,
        %get3A_962 = vector.shape_cast %get3A_961 : vector<1x16xf32> to vector<16xf32>
        %add3A_963 = arith.addf %get3A_962, %get3A_859 : vector<16xf32>
        %mul3A_964 = arith.constant 16 : i32
        %mul3A_965 = arith.muli %add3A_852, %mul3A_964 : i32
        %swap3A_966 = arith.constant 6 : i32
        %swap3A_967 = arith.index_cast %swap3A_966 : i32 to index
        %swap3A_968 = arith.index_cast %mul3A_965 : i32 to index
        %swap3A_969 = tpu.vector_load %arg10[%swap3A_967, %swap3A_968] {strides = array<i32>} : memref<8x1024xf32, #tpu.memory_space<vmem>>, vector<1x16xf32>,
        %swap3A_970 = vector.shape_cast %swap3A_969 : vector<1x16xf32> to vector<16xf32>
        %swap3A_971 = vector.shape_cast %add3A_963 : vector<16xf32> to vector<1x16xf32>
        tpu.vector_store %arg10[%swap3A_967, %swap3A_968], %swap3A_971 {strides = array<i32>} : memref<8x1024xf32, #tpu.memory_space<vmem>>, vector<1x16xf32>,
        %mul3A_972 = arith.constant 16 : i32
        %mul3A_973 = arith.muli %add3A_852, %mul3A_972 : i32
        %get3A_974 = arith.constant 7 : i32
        %get3A_975 = arith.index_cast %get3A_974 : i32 to index
        %get3A_976 = arith.index_cast %mul3A_973 : i32 to index
        %get3A_977 = tpu.vector_load %arg8[%get3A_975, %get3A_976] {strides = array<i32>} : memref<8x1024xf32, #tpu.memory_space<vmem>>, vector<1x16xf32>,
        %get3A_978 = vector.shape_cast %get3A_977 : vector<1x16xf32> to vector<16xf32>
        %add3A_979 = arith.addf %get3A_978, %get3A_859 : vector<16xf32>
        %mul3A_980 = arith.constant 16 : i32
        %mul3A_981 = arith.muli %add3A_852, %mul3A_980 : i32
        %swap3A_982 = arith.constant 7 : i32
        %swap3A_983 = arith.index_cast %swap3A_982 : i32 to index
        %swap3A_984 = arith.index_cast %mul3A_981 : i32 to index
        %swap3A_985 = tpu.vector_load %arg10[%swap3A_983, %swap3A_984] {strides = array<i32>} : memref<8x1024xf32, #tpu.memory_space<vmem>>, vector<1x16xf32>,
        %swap3A_986 = vector.shape_cast %swap3A_985 : vector<1x16xf32> to vector<16xf32>
        %swap3A_987 = vector.shape_cast %add3A_979 : vector<16xf32> to vector<1x16xf32>
        tpu.vector_store %arg10[%swap3A_983, %swap3A_984], %swap3A_987 {strides = array<i32>} : memref<8x1024xf32, #tpu.memory_space<vmem>>, vector<1x16xf32>,
        %scan3A_988 = arith.constant 6 : i32
        %scan3A_989 = arith.addi %scan3A_145, %scan3A_988 : i32
        %mul3A_990 = arith.constant 1 : i32
        %mul3A_991 = arith.muli %scan3A_989, %mul3A_990 : i32
        %add3A_992 = arith.constant 0 : i32
        %add3A_993 = arith.addi %add3A_992, %mul3A_991 : i32
        %mul3A_994 = arith.constant 16 : i32
        %mul3A_995 = arith.muli %add3A_993, %mul3A_994 : i32
        %get3A_996 = arith.constant 0 : i32
        %get3A_997 = arith.index_cast %get3A_996 : i32 to index
        %get3A_998 = arith.index_cast %mul3A_995 : i32 to index
        %get3A_999 = tpu.vector_load %arg7[%get3A_997, %get3A_998] {strides = array<i32>} : memref<1x1024xf32, #tpu.memory_space<vmem>>, vector<1x16xf32>,
        %get3A_1000 = vector.shape_cast %get3A_999 : vector<1x16xf32> to vector<16xf32>
        %mul3A_1001 = arith.constant 16 : i32
        %mul3A_1002 = arith.muli %add3A_993, %mul3A_1001 : i32
        %get3A_1003 = arith.constant 0 : i32
        %get3A_1004 = arith.index_cast %get3A_1003 : i32 to index
        %get3A_1005 = arith.index_cast %mul3A_1002 : i32 to index
        %get3A_1006 = tpu.vector_load %arg8[%get3A_1004, %get3A_1005] {strides = array<i32>} : memref<8x1024xf32, #tpu.memory_space<vmem>>, vector<1x16xf32>,
        %get3A_1007 = vector.shape_cast %get3A_1006 : vector<1x16xf32> to vector<16xf32>
        %add3A_1008 = arith.addf %get3A_1007, %get3A_1000 : vector<16xf32>
        %mul3A_1009 = arith.constant 16 : i32
        %mul3A_1010 = arith.muli %add3A_993, %mul3A_1009 : i32
        %swap3A_1011 = arith.constant 0 : i32
        %swap3A_1012 = arith.index_cast %swap3A_1011 : i32 to index
        %swap3A_1013 = arith.index_cast %mul3A_1010 : i32 to index
        %swap3A_1014 = tpu.vector_load %arg10[%swap3A_1012, %swap3A_1013] {strides = array<i32>} : memref<8x1024xf32, #tpu.memory_space<vmem>>, vector<1x16xf32>,
        %swap3A_1015 = vector.shape_cast %swap3A_1014 : vector<1x16xf32> to vector<16xf32>
        %swap3A_1016 = vector.shape_cast %add3A_1008 : vector<16xf32> to vector<1x16xf32>
        tpu.vector_store %arg10[%swap3A_1012, %swap3A_1013], %swap3A_1016 {strides = array<i32>} : memref<8x1024xf32, #tpu.memory_space<vmem>>, vector<1x16xf32>,
        %mul3A_1017 = arith.constant 16 : i32
        %mul3A_1018 = arith.muli %add3A_993, %mul3A_1017 : i32
        %get3A_1019 = arith.constant 1 : i32
        %get3A_1020 = arith.index_cast %get3A_1019 : i32 to index
        %get3A_1021 = arith.index_cast %mul3A_1018 : i32 to index
        %get3A_1022 = tpu.vector_load %arg8[%get3A_1020, %get3A_1021] {strides = array<i32>} : memref<8x1024xf32, #tpu.memory_space<vmem>>, vector<1x16xf32>,
        %get3A_1023 = vector.shape_cast %get3A_1022 : vector<1x16xf32> to vector<16xf32>
        %add3A_1024 = arith.addf %get3A_1023, %get3A_1000 : vector<16xf32>
        %mul3A_1025 = arith.constant 16 : i32
        %mul3A_1026 = arith.muli %add3A_993, %mul3A_1025 : i32
        %swap3A_1027 = arith.constant 1 : i32
        %swap3A_1028 = arith.index_cast %swap3A_1027 : i32 to index
        %swap3A_1029 = arith.index_cast %mul3A_1026 : i32 to index
        %swap3A_1030 = tpu.vector_load %arg10[%swap3A_1028, %swap3A_1029] {strides = array<i32>} : memref<8x1024xf32, #tpu.memory_space<vmem>>, vector<1x16xf32>,
        %swap3A_1031 = vector.shape_cast %swap3A_1030 : vector<1x16xf32> to vector<16xf32>
        %swap3A_1032 = vector.shape_cast %add3A_1024 : vector<16xf32> to vector<1x16xf32>
        tpu.vector_store %arg10[%swap3A_1028, %swap3A_1029], %swap3A_1032 {strides = array<i32>} : memref<8x1024xf32, #tpu.memory_space<vmem>>, vector<1x16xf32>,
        %mul3A_1033 = arith.constant 16 : i32
        %mul3A_1034 = arith.muli %add3A_993, %mul3A_1033 : i32
        %get3A_1035 = arith.constant 2 : i32
        %get3A_1036 = arith.index_cast %get3A_1035 : i32 to index
        %get3A_1037 = arith.index_cast %mul3A_1034 : i32 to index
        %get3A_1038 = tpu.vector_load %arg8[%get3A_1036, %get3A_1037] {strides = array<i32>} : memref<8x1024xf32, #tpu.memory_space<vmem>>, vector<1x16xf32>,
        %get3A_1039 = vector.shape_cast %get3A_1038 : vector<1x16xf32> to vector<16xf32>
        %add3A_1040 = arith.addf %get3A_1039, %get3A_1000 : vector<16xf32>
        %mul3A_1041 = arith.constant 16 : i32
        %mul3A_1042 = arith.muli %add3A_993, %mul3A_1041 : i32
        %swap3A_1043 = arith.constant 2 : i32
        %swap3A_1044 = arith.index_cast %swap3A_1043 : i32 to index
        %swap3A_1045 = arith.index_cast %mul3A_1042 : i32 to index
        %swap3A_1046 = tpu.vector_load %arg10[%swap3A_1044, %swap3A_1045] {strides = array<i32>} : memref<8x1024xf32, #tpu.memory_space<vmem>>, vector<1x16xf32>,
        %swap3A_1047 = vector.shape_cast %swap3A_1046 : vector<1x16xf32> to vector<16xf32>
        %swap3A_1048 = vector.shape_cast %add3A_1040 : vector<16xf32> to vector<1x16xf32>
        tpu.vector_store %arg10[%swap3A_1044, %swap3A_1045], %swap3A_1048 {strides = array<i32>} : memref<8x1024xf32, #tpu.memory_space<vmem>>, vector<1x16xf32>,
        %mul3A_1049 = arith.constant 16 : i32
        %mul3A_1050 = arith.muli %add3A_993, %mul3A_1049 : i32
        %get3A_1051 = arith.constant 3 : i32
        %get3A_1052 = arith.index_cast %get3A_1051 : i32 to index
        %get3A_1053 = arith.index_cast %mul3A_1050 : i32 to index
        %get3A_1054 = tpu.vector_load %arg8[%get3A_1052, %get3A_1053] {strides = array<i32>} : memref<8x1024xf32, #tpu.memory_space<vmem>>, vector<1x16xf32>,
        %get3A_1055 = vector.shape_cast %get3A_1054 : vector<1x16xf32> to vector<16xf32>
        %add3A_1056 = arith.addf %get3A_1055, %get3A_1000 : vector<16xf32>
        %mul3A_1057 = arith.constant 16 : i32
        %mul3A_1058 = arith.muli %add3A_993, %mul3A_1057 : i32
        %swap3A_1059 = arith.constant 3 : i32
        %swap3A_1060 = arith.index_cast %swap3A_1059 : i32 to index
        %swap3A_1061 = arith.index_cast %mul3A_1058 : i32 to index
        %swap3A_1062 = tpu.vector_load %arg10[%swap3A_1060, %swap3A_1061] {strides = array<i32>} : memref<8x1024xf32, #tpu.memory_space<vmem>>, vector<1x16xf32>,
        %swap3A_1063 = vector.shape_cast %swap3A_1062 : vector<1x16xf32> to vector<16xf32>
        %swap3A_1064 = vector.shape_cast %add3A_1056 : vector<16xf32> to vector<1x16xf32>
        tpu.vector_store %arg10[%swap3A_1060, %swap3A_1061], %swap3A_1064 {strides = array<i32>} : memref<8x1024xf32, #tpu.memory_space<vmem>>, vector<1x16xf32>,
        %mul3A_1065 = arith.constant 16 : i32
        %mul3A_1066 = arith.muli %add3A_993, %mul3A_1065 : i32
        %get3A_1067 = arith.constant 4 : i32
        %get3A_1068 = arith.index_cast %get3A_1067 : i32 to index
        %get3A_1069 = arith.index_cast %mul3A_1066 : i32 to index
        %get3A_1070 = tpu.vector_load %arg8[%get3A_1068, %get3A_1069] {strides = array<i32>} : memref<8x1024xf32, #tpu.memory_space<vmem>>, vector<1x16xf32>,
        %get3A_1071 = vector.shape_cast %get3A_1070 : vector<1x16xf32> to vector<16xf32>
        %add3A_1072 = arith.addf %get3A_1071, %get3A_1000 : vector<16xf32>
        %mul3A_1073 = arith.constant 16 : i32
        %mul3A_1074 = arith.muli %add3A_993, %mul3A_1073 : i32
        %swap3A_1075 = arith.constant 4 : i32
        %swap3A_1076 = arith.index_cast %swap3A_1075 : i32 to index
        %swap3A_1077 = arith.index_cast %mul3A_1074 : i32 to index
        %swap3A_1078 = tpu.vector_load %arg10[%swap3A_1076, %swap3A_1077] {strides = array<i32>} : memref<8x1024xf32, #tpu.memory_space<vmem>>, vector<1x16xf32>,
        %swap3A_1079 = vector.shape_cast %swap3A_1078 : vector<1x16xf32> to vector<16xf32>
        %swap3A_1080 = vector.shape_cast %add3A_1072 : vector<16xf32> to vector<1x16xf32>
        tpu.vector_store %arg10[%swap3A_1076, %swap3A_1077], %swap3A_1080 {strides = array<i32>} : memref<8x1024xf32, #tpu.memory_space<vmem>>, vector<1x16xf32>,
        %mul3A_1081 = arith.constant 16 : i32
        %mul3A_1082 = arith.muli %add3A_993, %mul3A_1081 : i32
        %get3A_1083 = arith.constant 5 : i32
        %get3A_1084 = arith.index_cast %get3A_1083 : i32 to index
        %get3A_1085 = arith.index_cast %mul3A_1082 : i32 to index
        %get3A_1086 = tpu.vector_load %arg8[%get3A_1084, %get3A_1085] {strides = array<i32>} : memref<8x1024xf32, #tpu.memory_space<vmem>>, vector<1x16xf32>,
        %get3A_1087 = vector.shape_cast %get3A_1086 : vector<1x16xf32> to vector<16xf32>
        %add3A_1088 = arith.addf %get3A_1087, %get3A_1000 : vector<16xf32>
        %mul3A_1089 = arith.constant 16 : i32
        %mul3A_1090 = arith.muli %add3A_993, %mul3A_1089 : i32
        %swap3A_1091 = arith.constant 5 : i32
        %swap3A_1092 = arith.index_cast %swap3A_1091 : i32 to index
        %swap3A_1093 = arith.index_cast %mul3A_1090 : i32 to index
        %swap3A_1094 = tpu.vector_load %arg10[%swap3A_1092, %swap3A_1093] {strides = array<i32>} : memref<8x1024xf32, #tpu.memory_space<vmem>>, vector<1x16xf32>,
        %swap3A_1095 = vector.shape_cast %swap3A_1094 : vector<1x16xf32> to vector<16xf32>
        %swap3A_1096 = vector.shape_cast %add3A_1088 : vector<16xf32> to vector<1x16xf32>
        tpu.vector_store %arg10[%swap3A_1092, %swap3A_1093], %swap3A_1096 {strides = array<i32>} : memref<8x1024xf32, #tpu.memory_space<vmem>>, vector<1x16xf32>,
        %mul3A_1097 = arith.constant 16 : i32
        %mul3A_1098 = arith.muli %add3A_993, %mul3A_1097 : i32
        %get3A_1099 = arith.constant 6 : i32
        %get3A_1100 = arith.index_cast %get3A_1099 : i32 to index
        %get3A_1101 = arith.index_cast %mul3A_1098 : i32 to index
        %get3A_1102 = tpu.vector_load %arg8[%get3A_1100, %get3A_1101] {strides = array<i32>} : memref<8x1024xf32, #tpu.memory_space<vmem>>, vector<1x16xf32>,
        %get3A_1103 = vector.shape_cast %get3A_1102 : vector<1x16xf32> to vector<16xf32>
        %add3A_1104 = arith.addf %get3A_1103, %get3A_1000 : vector<16xf32>
        %mul3A_1105 = arith.constant 16 : i32
        %mul3A_1106 = arith.muli %add3A_993, %mul3A_1105 : i32
        %swap3A_1107 = arith.constant 6 : i32
        %swap3A_1108 = arith.index_cast %swap3A_1107 : i32 to index
        %swap3A_1109 = arith.index_cast %mul3A_1106 : i32 to index
        %swap3A_1110 = tpu.vector_load %arg10[%swap3A_1108, %swap3A_1109] {strides = array<i32>} : memref<8x1024xf32, #tpu.memory_space<vmem>>, vector<1x16xf32>,
        %swap3A_1111 = vector.shape_cast %swap3A_1110 : vector<1x16xf32> to vector<16xf32>
        %swap3A_1112 = vector.shape_cast %add3A_1104 : vector<16xf32> to vector<1x16xf32>
        tpu.vector_store %arg10[%swap3A_1108, %swap3A_1109], %swap3A_1112 {strides = array<i32>} : memref<8x1024xf32, #tpu.memory_space<vmem>>, vector<1x16xf32>,
        %mul3A_1113 = arith.constant 16 : i32
        %mul3A_1114 = arith.muli %add3A_993, %mul3A_1113 : i32
        %get3A_1115 = arith.constant 7 : i32
        %get3A_1116 = arith.index_cast %get3A_1115 : i32 to index
        %get3A_1117 = arith.index_cast %mul3A_1114 : i32 to index
        %get3A_1118 = tpu.vector_load %arg8[%get3A_1116, %get3A_1117] {strides = array<i32>} : memref<8x1024xf32, #tpu.memory_space<vmem>>, vector<1x16xf32>,
        %get3A_1119 = vector.shape_cast %get3A_1118 : vector<1x16xf32> to vector<16xf32>
        %add3A_1120 = arith.addf %get3A_1119, %get3A_1000 : vector<16xf32>
        %mul3A_1121 = arith.constant 16 : i32
        %mul3A_1122 = arith.muli %add3A_993, %mul3A_1121 : i32
        %swap3A_1123 = arith.constant 7 : i32
        %swap3A_1124 = arith.index_cast %swap3A_1123 : i32 to index
        %swap3A_1125 = arith.index_cast %mul3A_1122 : i32 to index
        %swap3A_1126 = tpu.vector_load %arg10[%swap3A_1124, %swap3A_1125] {strides = array<i32>} : memref<8x1024xf32, #tpu.memory_space<vmem>>, vector<1x16xf32>,
        %swap3A_1127 = vector.shape_cast %swap3A_1126 : vector<1x16xf32> to vector<16xf32>
        %swap3A_1128 = vector.shape_cast %add3A_1120 : vector<16xf32> to vector<1x16xf32>
        tpu.vector_store %arg10[%swap3A_1124, %swap3A_1125], %swap3A_1128 {strides = array<i32>} : memref<8x1024xf32, #tpu.memory_space<vmem>>, vector<1x16xf32>,
        %scan3A_1129 = arith.constant 7 : i32
        %scan3A_1130 = arith.addi %scan3A_145, %scan3A_1129 : i32
        %mul3A_1131 = arith.constant 1 : i32
        %mul3A_1132 = arith.muli %scan3A_1130, %mul3A_1131 : i32
        %add3A_1133 = arith.constant 0 : i32
        %add3A_1134 = arith.addi %add3A_1133, %mul3A_1132 : i32
        %mul3A_1135 = arith.constant 16 : i32
        %mul3A_1136 = arith.muli %add3A_1134, %mul3A_1135 : i32
        %get3A_1137 = arith.constant 0 : i32
        %get3A_1138 = arith.index_cast %get3A_1137 : i32 to index
        %get3A_1139 = arith.index_cast %mul3A_1136 : i32 to index
        %get3A_1140 = tpu.vector_load %arg7[%get3A_1138, %get3A_1139] {strides = array<i32>} : memref<1x1024xf32, #tpu.memory_space<vmem>>, vector<1x16xf32>,
        %get3A_1141 = vector.shape_cast %get3A_1140 : vector<1x16xf32> to vector<16xf32>
        %mul3A_1142 = arith.constant 16 : i32
        %mul3A_1143 = arith.muli %add3A_1134, %mul3A_1142 : i32
        %get3A_1144 = arith.constant 0 : i32
        %get3A_1145 = arith.index_cast %get3A_1144 : i32 to index
        %get3A_1146 = arith.index_cast %mul3A_1143 : i32 to index
        %get3A_1147 = tpu.vector_load %arg8[%get3A_1145, %get3A_1146] {strides = array<i32>} : memref<8x1024xf32, #tpu.memory_space<vmem>>, vector<1x16xf32>,
        %get3A_1148 = vector.shape_cast %get3A_1147 : vector<1x16xf32> to vector<16xf32>
        %add3A_1149 = arith.addf %get3A_1148, %get3A_1141 : vector<16xf32>
        %mul3A_1150 = arith.constant 16 : i32
        %mul3A_1151 = arith.muli %add3A_1134, %mul3A_1150 : i32
        %swap3A_1152 = arith.constant 0 : i32
        %swap3A_1153 = arith.index_cast %swap3A_1152 : i32 to index
        %swap3A_1154 = arith.index_cast %mul3A_1151 : i32 to index
        %swap3A_1155 = tpu.vector_load %arg10[%swap3A_1153, %swap3A_1154] {strides = array<i32>} : memref<8x1024xf32, #tpu.memory_space<vmem>>, vector<1x16xf32>,
        %swap3A_1156 = vector.shape_cast %swap3A_1155 : vector<1x16xf32> to vector<16xf32>
        %swap3A_1157 = vector.shape_cast %add3A_1149 : vector<16xf32> to vector<1x16xf32>
        tpu.vector_store %arg10[%swap3A_1153, %swap3A_1154], %swap3A_1157 {strides = array<i32>} : memref<8x1024xf32, #tpu.memory_space<vmem>>, vector<1x16xf32>,
        %mul3A_1158 = arith.constant 16 : i32
        %mul3A_1159 = arith.muli %add3A_1134, %mul3A_1158 : i32
        %get3A_1160 = arith.constant 1 : i32
        %get3A_1161 = arith.index_cast %get3A_1160 : i32 to index
        %get3A_1162 = arith.index_cast %mul3A_1159 : i32 to index
        %get3A_1163 = tpu.vector_load %arg8[%get3A_1161, %get3A_1162] {strides = array<i32>} : memref<8x1024xf32, #tpu.memory_space<vmem>>, vector<1x16xf32>,
        %get3A_1164 = vector.shape_cast %get3A_1163 : vector<1x16xf32> to vector<16xf32>
        %add3A_1165 = arith.addf %get3A_1164, %get3A_1141 : vector<16xf32>
        %mul3A_1166 = arith.constant 16 : i32
        %mul3A_1167 = arith.muli %add3A_1134, %mul3A_1166 : i32
        %swap3A_1168 = arith.constant 1 : i32
        %swap3A_1169 = arith.index_cast %swap3A_1168 : i32 to index
        %swap3A_1170 = arith.index_cast %mul3A_1167 : i32 to index
        %swap3A_1171 = tpu.vector_load %arg10[%swap3A_1169, %swap3A_1170] {strides = array<i32>} : memref<8x1024xf32, #tpu.memory_space<vmem>>, vector<1x16xf32>,
        %swap3A_1172 = vector.shape_cast %swap3A_1171 : vector<1x16xf32> to vector<16xf32>
        %swap3A_1173 = vector.shape_cast %add3A_1165 : vector<16xf32> to vector<1x16xf32>
        tpu.vector_store %arg10[%swap3A_1169, %swap3A_1170], %swap3A_1173 {strides = array<i32>} : memref<8x1024xf32, #tpu.memory_space<vmem>>, vector<1x16xf32>,
        %mul3A_1174 = arith.constant 16 : i32
        %mul3A_1175 = arith.muli %add3A_1134, %mul3A_1174 : i32
        %get3A_1176 = arith.constant 2 : i32
        %get3A_1177 = arith.index_cast %get3A_1176 : i32 to index
        %get3A_1178 = arith.index_cast %mul3A_1175 : i32 to index
        %get3A_1179 = tpu.vector_load %arg8[%get3A_1177, %get3A_1178] {strides = array<i32>} : memref<8x1024xf32, #tpu.memory_space<vmem>>, vector<1x16xf32>,
        %get3A_1180 = vector.shape_cast %get3A_1179 : vector<1x16xf32> to vector<16xf32>
        %add3A_1181 = arith.addf %get3A_1180, %get3A_1141 : vector<16xf32>
        %mul3A_1182 = arith.constant 16 : i32
        %mul3A_1183 = arith.muli %add3A_1134, %mul3A_1182 : i32
        %swap3A_1184 = arith.constant 2 : i32
        %swap3A_1185 = arith.index_cast %swap3A_1184 : i32 to index
        %swap3A_1186 = arith.index_cast %mul3A_1183 : i32 to index
        %swap3A_1187 = tpu.vector_load %arg10[%swap3A_1185, %swap3A_1186] {strides = array<i32>} : memref<8x1024xf32, #tpu.memory_space<vmem>>, vector<1x16xf32>,
        %swap3A_1188 = vector.shape_cast %swap3A_1187 : vector<1x16xf32> to vector<16xf32>
        %swap3A_1189 = vector.shape_cast %add3A_1181 : vector<16xf32> to vector<1x16xf32>
        tpu.vector_store %arg10[%swap3A_1185, %swap3A_1186], %swap3A_1189 {strides = array<i32>} : memref<8x1024xf32, #tpu.memory_space<vmem>>, vector<1x16xf32>,
        %mul3A_1190 = arith.constant 16 : i32
        %mul3A_1191 = arith.muli %add3A_1134, %mul3A_1190 : i32
        %get3A_1192 = arith.constant 3 : i32
        %get3A_1193 = arith.index_cast %get3A_1192 : i32 to index
        %get3A_1194 = arith.index_cast %mul3A_1191 : i32 to index
        %get3A_1195 = tpu.vector_load %arg8[%get3A_1193, %get3A_1194] {strides = array<i32>} : memref<8x1024xf32, #tpu.memory_space<vmem>>, vector<1x16xf32>,
        %get3A_1196 = vector.shape_cast %get3A_1195 : vector<1x16xf32> to vector<16xf32>
        %add3A_1197 = arith.addf %get3A_1196, %get3A_1141 : vector<16xf32>
        %mul3A_1198 = arith.constant 16 : i32
        %mul3A_1199 = arith.muli %add3A_1134, %mul3A_1198 : i32
        %swap3A_1200 = arith.constant 3 : i32
        %swap3A_1201 = arith.index_cast %swap3A_1200 : i32 to index
        %swap3A_1202 = arith.index_cast %mul3A_1199 : i32 to index
        %swap3A_1203 = tpu.vector_load %arg10[%swap3A_1201, %swap3A_1202] {strides = array<i32>} : memref<8x1024xf32, #tpu.memory_space<vmem>>, vector<1x16xf32>,
        %swap3A_1204 = vector.shape_cast %swap3A_1203 : vector<1x16xf32> to vector<16xf32>
        %swap3A_1205 = vector.shape_cast %add3A_1197 : vector<16xf32> to vector<1x16xf32>
        tpu.vector_store %arg10[%swap3A_1201, %swap3A_1202], %swap3A_1205 {strides = array<i32>} : memref<8x1024xf32, #tpu.memory_space<vmem>>, vector<1x16xf32>,
        %mul3A_1206 = arith.constant 16 : i32
        %mul3A_1207 = arith.muli %add3A_1134, %mul3A_1206 : i32
        %get3A_1208 = arith.constant 4 : i32
        %get3A_1209 = arith.index_cast %get3A_1208 : i32 to index
        %get3A_1210 = arith.index_cast %mul3A_1207 : i32 to index
        %get3A_1211 = tpu.vector_load %arg8[%get3A_1209, %get3A_1210] {strides = array<i32>} : memref<8x1024xf32, #tpu.memory_space<vmem>>, vector<1x16xf32>,
        %get3A_1212 = vector.shape_cast %get3A_1211 : vector<1x16xf32> to vector<16xf32>
        %add3A_1213 = arith.addf %get3A_1212, %get3A_1141 : vector<16xf32>
        %mul3A_1214 = arith.constant 16 : i32
        %mul3A_1215 = arith.muli %add3A_1134, %mul3A_1214 : i32
        %swap3A_1216 = arith.constant 4 : i32
        %swap3A_1217 = arith.index_cast %swap3A_1216 : i32 to index
        %swap3A_1218 = arith.index_cast %mul3A_1215 : i32 to index
        %swap3A_1219 = tpu.vector_load %arg10[%swap3A_1217, %swap3A_1218] {strides = array<i32>} : memref<8x1024xf32, #tpu.memory_space<vmem>>, vector<1x16xf32>,
        %swap3A_1220 = vector.shape_cast %swap3A_1219 : vector<1x16xf32> to vector<16xf32>
        %swap3A_1221 = vector.shape_cast %add3A_1213 : vector<16xf32> to vector<1x16xf32>
        tpu.vector_store %arg10[%swap3A_1217, %swap3A_1218], %swap3A_1221 {strides = array<i32>} : memref<8x1024xf32, #tpu.memory_space<vmem>>, vector<1x16xf32>,
        %mul3A_1222 = arith.constant 16 : i32
        %mul3A_1223 = arith.muli %add3A_1134, %mul3A_1222 : i32
        %get3A_1224 = arith.constant 5 : i32
        %get3A_1225 = arith.index_cast %get3A_1224 : i32 to index
        %get3A_1226 = arith.index_cast %mul3A_1223 : i32 to index
        %get3A_1227 = tpu.vector_load %arg8[%get3A_1225, %get3A_1226] {strides = array<i32>} : memref<8x1024xf32, #tpu.memory_space<vmem>>, vector<1x16xf32>,
        %get3A_1228 = vector.shape_cast %get3A_1227 : vector<1x16xf32> to vector<16xf32>
        %add3A_1229 = arith.addf %get3A_1228, %get3A_1141 : vector<16xf32>
        %mul3A_1230 = arith.constant 16 : i32
        %mul3A_1231 = arith.muli %add3A_1134, %mul3A_1230 : i32
        %swap3A_1232 = arith.constant 5 : i32
        %swap3A_1233 = arith.index_cast %swap3A_1232 : i32 to index
        %swap3A_1234 = arith.index_cast %mul3A_1231 : i32 to index
        %swap3A_1235 = tpu.vector_load %arg10[%swap3A_1233, %swap3A_1234] {strides = array<i32>} : memref<8x1024xf32, #tpu.memory_space<vmem>>, vector<1x16xf32>,
        %swap3A_1236 = vector.shape_cast %swap3A_1235 : vector<1x16xf32> to vector<16xf32>
        %swap3A_1237 = vector.shape_cast %add3A_1229 : vector<16xf32> to vector<1x16xf32>
        tpu.vector_store %arg10[%swap3A_1233, %swap3A_1234], %swap3A_1237 {strides = array<i32>} : memref<8x1024xf32, #tpu.memory_space<vmem>>, vector<1x16xf32>,
        %mul3A_1238 = arith.constant 16 : i32
        %mul3A_1239 = arith.muli %add3A_1134, %mul3A_1238 : i32
        %get3A_1240 = arith.constant 6 : i32
        %get3A_1241 = arith.index_cast %get3A_1240 : i32 to index
        %get3A_1242 = arith.index_cast %mul3A_1239 : i32 to index
        %get3A_1243 = tpu.vector_load %arg8[%get3A_1241, %get3A_1242] {strides = array<i32>} : memref<8x1024xf32, #tpu.memory_space<vmem>>, vector<1x16xf32>,
        %get3A_1244 = vector.shape_cast %get3A_1243 : vector<1x16xf32> to vector<16xf32>
        %add3A_1245 = arith.addf %get3A_1244, %get3A_1141 : vector<16xf32>
        %mul3A_1246 = arith.constant 16 : i32
        %mul3A_1247 = arith.muli %add3A_1134, %mul3A_1246 : i32
        %swap3A_1248 = arith.constant 6 : i32
        %swap3A_1249 = arith.index_cast %swap3A_1248 : i32 to index
        %swap3A_1250 = arith.index_cast %mul3A_1247 : i32 to index
        %swap3A_1251 = tpu.vector_load %arg10[%swap3A_1249, %swap3A_1250] {strides = array<i32>} : memref<8x1024xf32, #tpu.memory_space<vmem>>, vector<1x16xf32>,
        %swap3A_1252 = vector.shape_cast %swap3A_1251 : vector<1x16xf32> to vector<16xf32>
        %swap3A_1253 = vector.shape_cast %add3A_1245 : vector<16xf32> to vector<1x16xf32>
        tpu.vector_store %arg10[%swap3A_1249, %swap3A_1250], %swap3A_1253 {strides = array<i32>} : memref<8x1024xf32, #tpu.memory_space<vmem>>, vector<1x16xf32>,
        %mul3A_1254 = arith.constant 16 : i32
        %mul3A_1255 = arith.muli %add3A_1134, %mul3A_1254 : i32
        %get3A_1256 = arith.constant 7 : i32
        %get3A_1257 = arith.index_cast %get3A_1256 : i32 to index
        %get3A_1258 = arith.index_cast %mul3A_1255 : i32 to index
        %get3A_1259 = tpu.vector_load %arg8[%get3A_1257, %get3A_1258] {strides = array<i32>} : memref<8x1024xf32, #tpu.memory_space<vmem>>, vector<1x16xf32>,
        %get3A_1260 = vector.shape_cast %get3A_1259 : vector<1x16xf32> to vector<16xf32>
        %add3A_1261 = arith.addf %get3A_1260, %get3A_1141 : vector<16xf32>
        %mul3A_1262 = arith.constant 16 : i32
        %mul3A_1263 = arith.muli %add3A_1134, %mul3A_1262 : i32
        %swap3A_1264 = arith.constant 7 : i32
        %swap3A_1265 = arith.index_cast %swap3A_1264 : i32 to index
        %swap3A_1266 = arith.index_cast %mul3A_1263 : i32 to index
        %swap3A_1267 = tpu.vector_load %arg10[%swap3A_1265, %swap3A_1266] {strides = array<i32>} : memref<8x1024xf32, #tpu.memory_space<vmem>>, vector<1x16xf32>,
        %swap3A_1268 = vector.shape_cast %swap3A_1267 : vector<1x16xf32> to vector<16xf32>
        %swap3A_1269 = vector.shape_cast %add3A_1261 : vector<16xf32> to vector<1x16xf32>
        tpu.vector_store %arg10[%swap3A_1265, %swap3A_1266], %swap3A_1269 {strides = array<i32>} : memref<8x1024xf32, #tpu.memory_space<vmem>>, vector<1x16xf32>,
      }
      %scan3A_94 = arith.constant 64 : i32
      %mul3A_95 = arith.constant 8 : i32
      %mul3A_96 = arith.muli %add3A_81, %mul3A_95 : i32
      %add3A_97 = arith.addi %mul3A_32, %mul3A_96 : i32
      %dma_start3A_98 = arith.constant 0 : i32
      %dma_start3A_99 = tpu.memref_slice %arg5[%select_n3A, %add3A_97, %dma_start3A_98] : memref<4x2048x1024xf32, #tpu.memory_space<hbm>> -> memref<1x8x1024xf32, #tpu.memory_space<hbm>>
      %dma_start3A_100 = tpu.memref_squeeze %dma_start3A_99 : memref<1x8x1024xf32, #tpu.memory_space<hbm>> -> memref<8x1024xf32, #tpu.memory_space<hbm>>
      %dma_start3A_101 = arith.constant 0 : i32
      %dma_start3A_102 = tpu.memref_slice %arg5[%select_n3A, %add3A_97, %dma_start3A_101] : memref<4x2048x1024xf32, #tpu.memory_space<hbm>> -> memref<1x8x1024xf32, #tpu.memory_space<hbm>>
      %dma_start3A_103 = tpu.memref_squeeze %dma_start3A_102 : memref<1x8x1024xf32, #tpu.memory_space<hbm>> -> memref<8x1024xf32, #tpu.memory_space<hbm>>
      tpu.enqueue_dma source(%arg10 : memref<8x1024xf32, #tpu.memory_space<vmem>>) target(%dma_start3A_103 : memref<8x1024xf32, #tpu.memory_space<hbm>>) target_semaphore(%arg15 : memref<!tpu.dma_semaphore, #tpu.memory_space<semaphore_mem>>)
      %add3A_104 = arith.constant 2 : i32
      %add3A_105 = arith.addi %add3A_81, %add3A_104 : i32
      %lt3A_106 = arith.constant 32 : i32
      %lt3A_107 = arith.cmpi slt, %add3A_105, %lt3A_106 : i32
      %convert_element_type3A_108 = arith.extui %lt3A_107 : i1 to i32
      %cond3A_109 = arith.constant 0 : i32
      %cond3A_110 = arith.cmpi ne, %convert_element_type3A_108, %cond3A_109 : i32
      scf.if %cond3A_110 {
        %add3A_145 = arith.constant 2 : i32
        %add3A_146 = arith.addi %add3A_81, %add3A_145 : i32
        %mul3A_147 = arith.constant 8 : i32
        %mul3A_148 = arith.muli %add3A_146, %mul3A_147 : i32
        %add3A_149 = arith.addi %mul3A_32, %mul3A_148 : i32
        %dma_start3A_150 = arith.constant 0 : i32
        %dma_start3A_151 = tpu.memref_slice %arg2[%add3A_34, %add3A_149, %dma_start3A_150] : memref<32x2048x1024xf32, #tpu.memory_space<hbm>> -> memref<1x8x1024xf32, #tpu.memory_space<hbm>>
        %dma_start3A_152 = tpu.memref_squeeze %dma_start3A_151 : memref<1x8x1024xf32, #tpu.memory_space<hbm>> -> memref<8x1024xf32, #tpu.memory_space<hbm>>
        %dma_start3A_153 = arith.constant 0 : i32
        %dma_start3A_154 = tpu.memref_slice %arg2[%add3A_34, %add3A_149, %dma_start3A_153] : memref<32x2048x1024xf32, #tpu.memory_space<hbm>> -> memref<1x8x1024xf32, #tpu.memory_space<hbm>>
        %dma_start3A_155 = tpu.memref_squeeze %dma_start3A_154 : memref<1x8x1024xf32, #tpu.memory_space<hbm>> -> memref<8x1024xf32, #tpu.memory_space<hbm>>
        tpu.enqueue_dma source(%dma_start3A_155 : memref<8x1024xf32, #tpu.memory_space<hbm>>) target(%arg8 : memref<8x1024xf32, #tpu.memory_space<vmem>>) target_semaphore(%arg13 : memref<!tpu.dma_semaphore, #tpu.memory_space<semaphore_mem>>)
      } else {
      }
      %add3A_111 = arith.constant 1 : i32
      %add3A_112 = arith.addi %add3A_79, %add3A_111 : i32
      %dma_wait3A_113 = arith.constant 0 : i32
      %dma_wait3A_114 = tpu.memref_slice %arg2[%add3A_34, %mul3A_32, %dma_wait3A_113] : memref<32x2048x1024xf32, #tpu.memory_space<hbm>> -> memref<1x8x1024xf32, #tpu.memory_space<hbm>>
      %dma_wait3A_115 = tpu.memref_squeeze %dma_wait3A_114 : memref<1x8x1024xf32, #tpu.memory_space<hbm>> -> memref<8x1024xf32, #tpu.memory_space<hbm>>
      %dma_wait3A_116 = arith.constant 0 : i32
      %dma_wait3A_117 = tpu.memref_slice %arg2[%add3A_34, %mul3A_32, %dma_wait3A_116] : memref<32x2048x1024xf32, #tpu.memory_space<hbm>> -> memref<1x8x1024xf32, #tpu.memory_space<hbm>>
      %dma_wait3A_118 = tpu.memref_squeeze %dma_wait3A_117 : memref<1x8x1024xf32, #tpu.memory_space<hbm>> -> memref<8x1024xf32, #tpu.memory_space<hbm>>
      tpu.wait_dma2 semaphore(%arg14 : memref<!tpu.dma_semaphore, #tpu.memory_space<semaphore_mem>>) src(%dma_wait3A_118 : memref<8x1024xf32, #tpu.memory_space<hbm>>) dst(%arg9 : memref<8x1024xf32, #tpu.memory_space<vmem>>)
      %ge3A_119 = arith.constant 2 : i32
      %ge3A_120 = arith.cmpi sge, %add3A_112, %ge3A_119 : i32
      %convert_element_type3A_121 = arith.extui %ge3A_120 : i1 to i32
      %cond3A_122 = arith.constant 0 : i32
      %cond3A_123 = arith.cmpi ne, %convert_element_type3A_121, %cond3A_122 : i32
      scf.if %cond3A_123 {
        %dma_wait3A_145 = arith.constant 0 : i32
        %dma_wait3A_146 = tpu.memref_slice %arg5[%select_n3A, %mul3A_32, %dma_wait3A_145] : memref<4x2048x1024xf32, #tpu.memory_space<hbm>> -> memref<1x8x1024xf32, #tpu.memory_space<hbm>>
        %dma_wait3A_147 = tpu.memref_squeeze %dma_wait3A_146 : memref<1x8x1024xf32, #tpu.memory_space<hbm>> -> memref<8x1024xf32, #tpu.memory_space<hbm>>
        %dma_wait3A_148 = arith.constant 0 : i32
        %dma_wait3A_149 = tpu.memref_slice %arg5[%select_n3A, %mul3A_32, %dma_wait3A_148] : memref<4x2048x1024xf32, #tpu.memory_space<hbm>> -> memref<1x8x1024xf32, #tpu.memory_space<hbm>>
        %dma_wait3A_150 = tpu.memref_squeeze %dma_wait3A_149 : memref<1x8x1024xf32, #tpu.memory_space<hbm>> -> memref<8x1024xf32, #tpu.memory_space<hbm>>
        tpu.wait_dma2 semaphore(%arg16 : memref<!tpu.dma_semaphore, #tpu.memory_space<semaphore_mem>>) src(%arg11 : memref<8x1024xf32, #tpu.memory_space<vmem>>) dst(%dma_wait3A_150 : memref<8x1024xf32, #tpu.memory_space<hbm>>)
      } else {
      }
      %scan3A_124 = arith.constant 0 : i32
      %scan3A_125 = arith.constant 64 : i32
      %scan3A_126 = arith.addi %scan3A_124, %scan3A_125 : i32
      %scan3A_127 = arith.constant 8 : i32
      scf.for %scan3A_145 = %scan3A_124 to %scan3A_126 step %scan3A_127  : i32 {
        %mul3A_146 = arith.constant 1 : i32
        %mul3A_147 = arith.muli %scan3A_145, %mul3A_146 : i32
        %add3A_148 = arith.constant 0 : i32
        %add3A_149 = arith.addi %add3A_148, %mul3A_147 : i32
        %mul3A_150 = arith.constant 16 : i32
        %mul3A_151 = arith.muli %add3A_149, %mul3A_150 : i32
        %get3A = arith.constant 0 : i32
        %get3A_152 = arith.index_cast %get3A : i32 to index
        %get3A_153 = arith.index_cast %mul3A_151 : i32 to index
        %get3A_154 = tpu.vector_load %arg7[%get3A_152, %get3A_153] {strides = array<i32>} : memref<1x1024xf32, #tpu.memory_space<vmem>>, vector<1x16xf32>,
        %get3A_155 = vector.shape_cast %get3A_154 : vector<1x16xf32> to vector<16xf32>
        %mul3A_156 = arith.constant 16 : i32
        %mul3A_157 = arith.muli %add3A_149, %mul3A_156 : i32
        %get3A_158 = arith.constant 0 : i32
        %get3A_159 = arith.index_cast %get3A_158 : i32 to index
        %get3A_160 = arith.index_cast %mul3A_157 : i32 to index
        %get3A_161 = tpu.vector_load %arg9[%get3A_159, %get3A_160] {strides = array<i32>} : memref<8x1024xf32, #tpu.memory_space<vmem>>, vector<1x16xf32>,
        %get3A_162 = vector.shape_cast %get3A_161 : vector<1x16xf32> to vector<16xf32>
        %add3A_163 = arith.addf %get3A_162, %get3A_155 : vector<16xf32>
        %mul3A_164 = arith.constant 16 : i32
        %mul3A_165 = arith.muli %add3A_149, %mul3A_164 : i32
        %swap3A = arith.constant 0 : i32
        %swap3A_166 = arith.index_cast %swap3A : i32 to index
        %swap3A_167 = arith.index_cast %mul3A_165 : i32 to index
        %swap3A_168 = tpu.vector_load %arg11[%swap3A_166, %swap3A_167] {strides = array<i32>} : memref<8x1024xf32, #tpu.memory_space<vmem>>, vector<1x16xf32>,
        %swap3A_169 = vector.shape_cast %swap3A_168 : vector<1x16xf32> to vector<16xf32>
        %swap3A_170 = vector.shape_cast %add3A_163 : vector<16xf32> to vector<1x16xf32>
        tpu.vector_store %arg11[%swap3A_166, %swap3A_167], %swap3A_170 {strides = array<i32>} : memref<8x1024xf32, #tpu.memory_space<vmem>>, vector<1x16xf32>,
        %mul3A_171 = arith.constant 16 : i32
        %mul3A_172 = arith.muli %add3A_149, %mul3A_171 : i32
        %get3A_173 = arith.constant 1 : i32
        %get3A_174 = arith.index_cast %get3A_173 : i32 to index
        %get3A_175 = arith.index_cast %mul3A_172 : i32 to index
        %get3A_176 = tpu.vector_load %arg9[%get3A_174, %get3A_175] {strides = array<i32>} : memref<8x1024xf32, #tpu.memory_space<vmem>>, vector<1x16xf32>,
        %get3A_177 = vector.shape_cast %get3A_176 : vector<1x16xf32> to vector<16xf32>
        %add3A_178 = arith.addf %get3A_177, %get3A_155 : vector<16xf32>
        %mul3A_179 = arith.constant 16 : i32
        %mul3A_180 = arith.muli %add3A_149, %mul3A_179 : i32
        %swap3A_181 = arith.constant 1 : i32
        %swap3A_182 = arith.index_cast %swap3A_181 : i32 to index
        %swap3A_183 = arith.index_cast %mul3A_180 : i32 to index
        %swap3A_184 = tpu.vector_load %arg11[%swap3A_182, %swap3A_183] {strides = array<i32>} : memref<8x1024xf32, #tpu.memory_space<vmem>>, vector<1x16xf32>,
        %swap3A_185 = vector.shape_cast %swap3A_184 : vector<1x16xf32> to vector<16xf32>
        %swap3A_186 = vector.shape_cast %add3A_178 : vector<16xf32> to vector<1x16xf32>
        tpu.vector_store %arg11[%swap3A_182, %swap3A_183], %swap3A_186 {strides = array<i32>} : memref<8x1024xf32, #tpu.memory_space<vmem>>, vector<1x16xf32>,
        %mul3A_187 = arith.constant 16 : i32
        %mul3A_188 = arith.muli %add3A_149, %mul3A_187 : i32
        %get3A_189 = arith.constant 2 : i32
        %get3A_190 = arith.index_cast %get3A_189 : i32 to index
        %get3A_191 = arith.index_cast %mul3A_188 : i32 to index
        %get3A_192 = tpu.vector_load %arg9[%get3A_190, %get3A_191] {strides = array<i32>} : memref<8x1024xf32, #tpu.memory_space<vmem>>, vector<1x16xf32>,
        %get3A_193 = vector.shape_cast %get3A_192 : vector<1x16xf32> to vector<16xf32>
        %add3A_194 = arith.addf %get3A_193, %get3A_155 : vector<16xf32>
        %mul3A_195 = arith.constant 16 : i32
        %mul3A_196 = arith.muli %add3A_149, %mul3A_195 : i32
        %swap3A_197 = arith.constant 2 : i32
        %swap3A_198 = arith.index_cast %swap3A_197 : i32 to index
        %swap3A_199 = arith.index_cast %mul3A_196 : i32 to index
        %swap3A_200 = tpu.vector_load %arg11[%swap3A_198, %swap3A_199] {strides = array<i32>} : memref<8x1024xf32, #tpu.memory_space<vmem>>, vector<1x16xf32>,
        %swap3A_201 = vector.shape_cast %swap3A_200 : vector<1x16xf32> to vector<16xf32>
        %swap3A_202 = vector.shape_cast %add3A_194 : vector<16xf32> to vector<1x16xf32>
        tpu.vector_store %arg11[%swap3A_198, %swap3A_199], %swap3A_202 {strides = array<i32>} : memref<8x1024xf32, #tpu.memory_space<vmem>>, vector<1x16xf32>,
        %mul3A_203 = arith.constant 16 : i32
        %mul3A_204 = arith.muli %add3A_149, %mul3A_203 : i32
        %get3A_205 = arith.constant 3 : i32
        %get3A_206 = arith.index_cast %get3A_205 : i32 to index
        %get3A_207 = arith.index_cast %mul3A_204 : i32 to index
        %get3A_208 = tpu.vector_load %arg9[%get3A_206, %get3A_207] {strides = array<i32>} : memref<8x1024xf32, #tpu.memory_space<vmem>>, vector<1x16xf32>,
        %get3A_209 = vector.shape_cast %get3A_208 : vector<1x16xf32> to vector<16xf32>
        %add3A_210 = arith.addf %get3A_209, %get3A_155 : vector<16xf32>
        %mul3A_211 = arith.constant 16 : i32
        %mul3A_212 = arith.muli %add3A_149, %mul3A_211 : i32
        %swap3A_213 = arith.constant 3 : i32
        %swap3A_214 = arith.index_cast %swap3A_213 : i32 to index
        %swap3A_215 = arith.index_cast %mul3A_212 : i32 to index
        %swap3A_216 = tpu.vector_load %arg11[%swap3A_214, %swap3A_215] {strides = array<i32>} : memref<8x1024xf32, #tpu.memory_space<vmem>>, vector<1x16xf32>,
        %swap3A_217 = vector.shape_cast %swap3A_216 : vector<1x16xf32> to vector<16xf32>
        %swap3A_218 = vector.shape_cast %add3A_210 : vector<16xf32> to vector<1x16xf32>
        tpu.vector_store %arg11[%swap3A_214, %swap3A_215], %swap3A_218 {strides = array<i32>} : memref<8x1024xf32, #tpu.memory_space<vmem>>, vector<1x16xf32>,
        %mul3A_219 = arith.constant 16 : i32
        %mul3A_220 = arith.muli %add3A_149, %mul3A_219 : i32
        %get3A_221 = arith.constant 4 : i32
        %get3A_222 = arith.index_cast %get3A_221 : i32 to index
        %get3A_223 = arith.index_cast %mul3A_220 : i32 to index
        %get3A_224 = tpu.vector_load %arg9[%get3A_222, %get3A_223] {strides = array<i32>} : memref<8x1024xf32, #tpu.memory_space<vmem>>, vector<1x16xf32>,
        %get3A_225 = vector.shape_cast %get3A_224 : vector<1x16xf32> to vector<16xf32>
        %add3A_226 = arith.addf %get3A_225, %get3A_155 : vector<16xf32>
        %mul3A_227 = arith.constant 16 : i32
        %mul3A_228 = arith.muli %add3A_149, %mul3A_227 : i32
        %swap3A_229 = arith.constant 4 : i32
        %swap3A_230 = arith.index_cast %swap3A_229 : i32 to index
        %swap3A_231 = arith.index_cast %mul3A_228 : i32 to index
        %swap3A_232 = tpu.vector_load %arg11[%swap3A_230, %swap3A_231] {strides = array<i32>} : memref<8x1024xf32, #tpu.memory_space<vmem>>, vector<1x16xf32>,
        %swap3A_233 = vector.shape_cast %swap3A_232 : vector<1x16xf32> to vector<16xf32>
        %swap3A_234 = vector.shape_cast %add3A_226 : vector<16xf32> to vector<1x16xf32>
        tpu.vector_store %arg11[%swap3A_230, %swap3A_231], %swap3A_234 {strides = array<i32>} : memref<8x1024xf32, #tpu.memory_space<vmem>>, vector<1x16xf32>,
        %mul3A_235 = arith.constant 16 : i32
        %mul3A_236 = arith.muli %add3A_149, %mul3A_235 : i32
        %get3A_237 = arith.constant 5 : i32
        %get3A_238 = arith.index_cast %get3A_237 : i32 to index
        %get3A_239 = arith.index_cast %mul3A_236 : i32 to index
        %get3A_240 = tpu.vector_load %arg9[%get3A_238, %get3A_239] {strides = array<i32>} : memref<8x1024xf32, #tpu.memory_space<vmem>>, vector<1x16xf32>,
        %get3A_241 = vector.shape_cast %get3A_240 : vector<1x16xf32> to vector<16xf32>
        %add3A_242 = arith.addf %get3A_241, %get3A_155 : vector<16xf32>
        %mul3A_243 = arith.constant 16 : i32
        %mul3A_244 = arith.muli %add3A_149, %mul3A_243 : i32
        %swap3A_245 = arith.constant 5 : i32
        %swap3A_246 = arith.index_cast %swap3A_245 : i32 to index
        %swap3A_247 = arith.index_cast %mul3A_244 : i32 to index
        %swap3A_248 = tpu.vector_load %arg11[%swap3A_246, %swap3A_247] {strides = array<i32>} : memref<8x1024xf32, #tpu.memory_space<vmem>>, vector<1x16xf32>,
        %swap3A_249 = vector.shape_cast %swap3A_248 : vector<1x16xf32> to vector<16xf32>
        %swap3A_250 = vector.shape_cast %add3A_242 : vector<16xf32> to vector<1x16xf32>
        tpu.vector_store %arg11[%swap3A_246, %swap3A_247], %swap3A_250 {strides = array<i32>} : memref<8x1024xf32, #tpu.memory_space<vmem>>, vector<1x16xf32>,
        %mul3A_251 = arith.constant 16 : i32
        %mul3A_252 = arith.muli %add3A_149, %mul3A_251 : i32
        %get3A_253 = arith.constant 6 : i32
        %get3A_254 = arith.index_cast %get3A_253 : i32 to index
        %get3A_255 = arith.index_cast %mul3A_252 : i32 to index
        %get3A_256 = tpu.vector_load %arg9[%get3A_254, %get3A_255] {strides = array<i32>} : memref<8x1024xf32, #tpu.memory_space<vmem>>, vector<1x16xf32>,
        %get3A_257 = vector.shape_cast %get3A_256 : vector<1x16xf32> to vector<16xf32>
        %add3A_258 = arith.addf %get3A_257, %get3A_155 : vector<16xf32>
        %mul3A_259 = arith.constant 16 : i32
        %mul3A_260 = arith.muli %add3A_149, %mul3A_259 : i32
        %swap3A_261 = arith.constant 6 : i32
        %swap3A_262 = arith.index_cast %swap3A_261 : i32 to index
        %swap3A_263 = arith.index_cast %mul3A_260 : i32 to index
        %swap3A_264 = tpu.vector_load %arg11[%swap3A_262, %swap3A_263] {strides = array<i32>} : memref<8x1024xf32, #tpu.memory_space<vmem>>, vector<1x16xf32>,
        %swap3A_265 = vector.shape_cast %swap3A_264 : vector<1x16xf32> to vector<16xf32>
        %swap3A_266 = vector.shape_cast %add3A_258 : vector<16xf32> to vector<1x16xf32>
        tpu.vector_store %arg11[%swap3A_262, %swap3A_263], %swap3A_266 {strides = array<i32>} : memref<8x1024xf32, #tpu.memory_space<vmem>>, vector<1x16xf32>,
        %mul3A_267 = arith.constant 16 : i32
        %mul3A_268 = arith.muli %add3A_149, %mul3A_267 : i32
        %get3A_269 = arith.constant 7 : i32
        %get3A_270 = arith.index_cast %get3A_269 : i32 to index
        %get3A_271 = arith.index_cast %mul3A_268 : i32 to index
        %get3A_272 = tpu.vector_load %arg9[%get3A_270, %get3A_271] {strides = array<i32>} : memref<8x1024xf32, #tpu.memory_space<vmem>>, vector<1x16xf32>,
        %get3A_273 = vector.shape_cast %get3A_272 : vector<1x16xf32> to vector<16xf32>
        %add3A_274 = arith.addf %get3A_273, %get3A_155 : vector<16xf32>
        %mul3A_275 = arith.constant 16 : i32
        %mul3A_276 = arith.muli %add3A_149, %mul3A_275 : i32
        %swap3A_277 = arith.constant 7 : i32
        %swap3A_278 = arith.index_cast %swap3A_277 : i32 to index
        %swap3A_279 = arith.index_cast %mul3A_276 : i32 to index
        %swap3A_280 = tpu.vector_load %arg11[%swap3A_278, %swap3A_279] {strides = array<i32>} : memref<8x1024xf32, #tpu.memory_space<vmem>>, vector<1x16xf32>,
        %swap3A_281 = vector.shape_cast %swap3A_280 : vector<1x16xf32> to vector<16xf32>
        %swap3A_282 = vector.shape_cast %add3A_274 : vector<16xf32> to vector<1x16xf32>
        tpu.vector_store %arg11[%swap3A_278, %swap3A_279], %swap3A_282 {strides = array<i32>} : memref<8x1024xf32, #tpu.memory_space<vmem>>, vector<1x16xf32>,
        %scan3A_283 = arith.constant 1 : i32
        %scan3A_284 = arith.addi %scan3A_145, %scan3A_283 : i32
        %mul3A_285 = arith.constant 1 : i32
        %mul3A_286 = arith.muli %scan3A_284, %mul3A_285 : i32
        %add3A_287 = arith.constant 0 : i32
        %add3A_288 = arith.addi %add3A_287, %mul3A_286 : i32
        %mul3A_289 = arith.constant 16 : i32
        %mul3A_290 = arith.muli %add3A_288, %mul3A_289 : i32
        %get3A_291 = arith.constant 0 : i32
        %get3A_292 = arith.index_cast %get3A_291 : i32 to index
        %get3A_293 = arith.index_cast %mul3A_290 : i32 to index
        %get3A_294 = tpu.vector_load %arg7[%get3A_292, %get3A_293] {strides = array<i32>} : memref<1x1024xf32, #tpu.memory_space<vmem>>, vector<1x16xf32>,
        %get3A_295 = vector.shape_cast %get3A_294 : vector<1x16xf32> to vector<16xf32>
        %mul3A_296 = arith.constant 16 : i32
        %mul3A_297 = arith.muli %add3A_288, %mul3A_296 : i32
        %get3A_298 = arith.constant 0 : i32
        %get3A_299 = arith.index_cast %get3A_298 : i32 to index
        %get3A_300 = arith.index_cast %mul3A_297 : i32 to index
        %get3A_301 = tpu.vector_load %arg9[%get3A_299, %get3A_300] {strides = array<i32>} : memref<8x1024xf32, #tpu.memory_space<vmem>>, vector<1x16xf32>,
        %get3A_302 = vector.shape_cast %get3A_301 : vector<1x16xf32> to vector<16xf32>
        %add3A_303 = arith.addf %get3A_302, %get3A_295 : vector<16xf32>
        %mul3A_304 = arith.constant 16 : i32
        %mul3A_305 = arith.muli %add3A_288, %mul3A_304 : i32
        %swap3A_306 = arith.constant 0 : i32
        %swap3A_307 = arith.index_cast %swap3A_306 : i32 to index
        %swap3A_308 = arith.index_cast %mul3A_305 : i32 to index
        %swap3A_309 = tpu.vector_load %arg11[%swap3A_307, %swap3A_308] {strides = array<i32>} : memref<8x1024xf32, #tpu.memory_space<vmem>>, vector<1x16xf32>,
        %swap3A_310 = vector.shape_cast %swap3A_309 : vector<1x16xf32> to vector<16xf32>
        %swap3A_311 = vector.shape_cast %add3A_303 : vector<16xf32> to vector<1x16xf32>
        tpu.vector_store %arg11[%swap3A_307, %swap3A_308], %swap3A_311 {strides = array<i32>} : memref<8x1024xf32, #tpu.memory_space<vmem>>, vector<1x16xf32>,
        %mul3A_312 = arith.constant 16 : i32
        %mul3A_313 = arith.muli %add3A_288, %mul3A_312 : i32
        %get3A_314 = arith.constant 1 : i32
        %get3A_315 = arith.index_cast %get3A_314 : i32 to index
        %get3A_316 = arith.index_cast %mul3A_313 : i32 to index
        %get3A_317 = tpu.vector_load %arg9[%get3A_315, %get3A_316] {strides = array<i32>} : memref<8x1024xf32, #tpu.memory_space<vmem>>, vector<1x16xf32>,
        %get3A_318 = vector.shape_cast %get3A_317 : vector<1x16xf32> to vector<16xf32>
        %add3A_319 = arith.addf %get3A_318, %get3A_295 : vector<16xf32>
        %mul3A_320 = arith.constant 16 : i32
        %mul3A_321 = arith.muli %add3A_288, %mul3A_320 : i32
        %swap3A_322 = arith.constant 1 : i32
        %swap3A_323 = arith.index_cast %swap3A_322 : i32 to index
        %swap3A_324 = arith.index_cast %mul3A_321 : i32 to index
        %swap3A_325 = tpu.vector_load %arg11[%swap3A_323, %swap3A_324] {strides = array<i32>} : memref<8x1024xf32, #tpu.memory_space<vmem>>, vector<1x16xf32>,
        %swap3A_326 = vector.shape_cast %swap3A_325 : vector<1x16xf32> to vector<16xf32>
        %swap3A_327 = vector.shape_cast %add3A_319 : vector<16xf32> to vector<1x16xf32>
        tpu.vector_store %arg11[%swap3A_323, %swap3A_324], %swap3A_327 {strides = array<i32>} : memref<8x1024xf32, #tpu.memory_space<vmem>>, vector<1x16xf32>,
        %mul3A_328 = arith.constant 16 : i32
        %mul3A_329 = arith.muli %add3A_288, %mul3A_328 : i32
        %get3A_330 = arith.constant 2 : i32
        %get3A_331 = arith.index_cast %get3A_330 : i32 to index
        %get3A_332 = arith.index_cast %mul3A_329 : i32 to index
        %get3A_333 = tpu.vector_load %arg9[%get3A_331, %get3A_332] {strides = array<i32>} : memref<8x1024xf32, #tpu.memory_space<vmem>>, vector<1x16xf32>,
        %get3A_334 = vector.shape_cast %get3A_333 : vector<1x16xf32> to vector<16xf32>
        %add3A_335 = arith.addf %get3A_334, %get3A_295 : vector<16xf32>
        %mul3A_336 = arith.constant 16 : i32
        %mul3A_337 = arith.muli %add3A_288, %mul3A_336 : i32
        %swap3A_338 = arith.constant 2 : i32
        %swap3A_339 = arith.index_cast %swap3A_338 : i32 to index
        %swap3A_340 = arith.index_cast %mul3A_337 : i32 to index
        %swap3A_341 = tpu.vector_load %arg11[%swap3A_339, %swap3A_340] {strides = array<i32>} : memref<8x1024xf32, #tpu.memory_space<vmem>>, vector<1x16xf32>,
        %swap3A_342 = vector.shape_cast %swap3A_341 : vector<1x16xf32> to vector<16xf32>
        %swap3A_343 = vector.shape_cast %add3A_335 : vector<16xf32> to vector<1x16xf32>
        tpu.vector_store %arg11[%swap3A_339, %swap3A_340], %swap3A_343 {strides = array<i32>} : memref<8x1024xf32, #tpu.memory_space<vmem>>, vector<1x16xf32>,
        %mul3A_344 = arith.constant 16 : i32
        %mul3A_345 = arith.muli %add3A_288, %mul3A_344 : i32
        %get3A_346 = arith.constant 3 : i32
        %get3A_347 = arith.index_cast %get3A_346 : i32 to index
        %get3A_348 = arith.index_cast %mul3A_345 : i32 to index
        %get3A_349 = tpu.vector_load %arg9[%get3A_347, %get3A_348] {strides = array<i32>} : memref<8x1024xf32, #tpu.memory_space<vmem>>, vector<1x16xf32>,
        %get3A_350 = vector.shape_cast %get3A_349 : vector<1x16xf32> to vector<16xf32>
        %add3A_351 = arith.addf %get3A_350, %get3A_295 : vector<16xf32>
        %mul3A_352 = arith.constant 16 : i32
        %mul3A_353 = arith.muli %add3A_288, %mul3A_352 : i32
        %swap3A_354 = arith.constant 3 : i32
        %swap3A_355 = arith.index_cast %swap3A_354 : i32 to index
        %swap3A_356 = arith.index_cast %mul3A_353 : i32 to index
        %swap3A_357 = tpu.vector_load %arg11[%swap3A_355, %swap3A_356] {strides = array<i32>} : memref<8x1024xf32, #tpu.memory_space<vmem>>, vector<1x16xf32>,
        %swap3A_358 = vector.shape_cast %swap3A_357 : vector<1x16xf32> to vector<16xf32>
        %swap3A_359 = vector.shape_cast %add3A_351 : vector<16xf32> to vector<1x16xf32>
        tpu.vector_store %arg11[%swap3A_355, %swap3A_356], %swap3A_359 {strides = array<i32>} : memref<8x1024xf32, #tpu.memory_space<vmem>>, vector<1x16xf32>,
        %mul3A_360 = arith.constant 16 : i32
        %mul3A_361 = arith.muli %add3A_288, %mul3A_360 : i32
        %get3A_362 = arith.constant 4 : i32
        %get3A_363 = arith.index_cast %get3A_362 : i32 to index
        %get3A_364 = arith.index_cast %mul3A_361 : i32 to index
        %get3A_365 = tpu.vector_load %arg9[%get3A_363, %get3A_364] {strides = array<i32>} : memref<8x1024xf32, #tpu.memory_space<vmem>>, vector<1x16xf32>,
        %get3A_366 = vector.shape_cast %get3A_365 : vector<1x16xf32> to vector<16xf32>
        %add3A_367 = arith.addf %get3A_366, %get3A_295 : vector<16xf32>
        %mul3A_368 = arith.constant 16 : i32
        %mul3A_369 = arith.muli %add3A_288, %mul3A_368 : i32
        %swap3A_370 = arith.constant 4 : i32
        %swap3A_371 = arith.index_cast %swap3A_370 : i32 to index
        %swap3A_372 = arith.index_cast %mul3A_369 : i32 to index
        %swap3A_373 = tpu.vector_load %arg11[%swap3A_371, %swap3A_372] {strides = array<i32>} : memref<8x1024xf32, #tpu.memory_space<vmem>>, vector<1x16xf32>,
        %swap3A_374 = vector.shape_cast %swap3A_373 : vector<1x16xf32> to vector<16xf32>
        %swap3A_375 = vector.shape_cast %add3A_367 : vector<16xf32> to vector<1x16xf32>
        tpu.vector_store %arg11[%swap3A_371, %swap3A_372], %swap3A_375 {strides = array<i32>} : memref<8x1024xf32, #tpu.memory_space<vmem>>, vector<1x16xf32>,
        %mul3A_376 = arith.constant 16 : i32
        %mul3A_377 = arith.muli %add3A_288, %mul3A_376 : i32
        %get3A_378 = arith.constant 5 : i32
        %get3A_379 = arith.index_cast %get3A_378 : i32 to index
        %get3A_380 = arith.index_cast %mul3A_377 : i32 to index
        %get3A_381 = tpu.vector_load %arg9[%get3A_379, %get3A_380] {strides = array<i32>} : memref<8x1024xf32, #tpu.memory_space<vmem>>, vector<1x16xf32>,
        %get3A_382 = vector.shape_cast %get3A_381 : vector<1x16xf32> to vector<16xf32>
        %add3A_383 = arith.addf %get3A_382, %get3A_295 : vector<16xf32>
        %mul3A_384 = arith.constant 16 : i32
        %mul3A_385 = arith.muli %add3A_288, %mul3A_384 : i32
        %swap3A_386 = arith.constant 5 : i32
        %swap3A_387 = arith.index_cast %swap3A_386 : i32 to index
        %swap3A_388 = arith.index_cast %mul3A_385 : i32 to index
        %swap3A_389 = tpu.vector_load %arg11[%swap3A_387, %swap3A_388] {strides = array<i32>} : memref<8x1024xf32, #tpu.memory_space<vmem>>, vector<1x16xf32>,
        %swap3A_390 = vector.shape_cast %swap3A_389 : vector<1x16xf32> to vector<16xf32>
        %swap3A_391 = vector.shape_cast %add3A_383 : vector<16xf32> to vector<1x16xf32>
        tpu.vector_store %arg11[%swap3A_387, %swap3A_388], %swap3A_391 {strides = array<i32>} : memref<8x1024xf32, #tpu.memory_space<vmem>>, vector<1x16xf32>,
        %mul3A_392 = arith.constant 16 : i32
        %mul3A_393 = arith.muli %add3A_288, %mul3A_392 : i32
        %get3A_394 = arith.constant 6 : i32
        %get3A_395 = arith.index_cast %get3A_394 : i32 to index
        %get3A_396 = arith.index_cast %mul3A_393 : i32 to index
        %get3A_397 = tpu.vector_load %arg9[%get3A_395, %get3A_396] {strides = array<i32>} : memref<8x1024xf32, #tpu.memory_space<vmem>>, vector<1x16xf32>,
        %get3A_398 = vector.shape_cast %get3A_397 : vector<1x16xf32> to vector<16xf32>
        %add3A_399 = arith.addf %get3A_398, %get3A_295 : vector<16xf32>
        %mul3A_400 = arith.constant 16 : i32
        %mul3A_401 = arith.muli %add3A_288, %mul3A_400 : i32
        %swap3A_402 = arith.constant 6 : i32
        %swap3A_403 = arith.index_cast %swap3A_402 : i32 to index
        %swap3A_404 = arith.index_cast %mul3A_401 : i32 to index
        %swap3A_405 = tpu.vector_load %arg11[%swap3A_403, %swap3A_404] {strides = array<i32>} : memref<8x1024xf32, #tpu.memory_space<vmem>>, vector<1x16xf32>,
        %swap3A_406 = vector.shape_cast %swap3A_405 : vector<1x16xf32> to vector<16xf32>
        %swap3A_407 = vector.shape_cast %add3A_399 : vector<16xf32> to vector<1x16xf32>
        tpu.vector_store %arg11[%swap3A_403, %swap3A_404], %swap3A_407 {strides = array<i32>} : memref<8x1024xf32, #tpu.memory_space<vmem>>, vector<1x16xf32>,
        %mul3A_408 = arith.constant 16 : i32
        %mul3A_409 = arith.muli %add3A_288, %mul3A_408 : i32
        %get3A_410 = arith.constant 7 : i32
        %get3A_411 = arith.index_cast %get3A_410 : i32 to index
        %get3A_412 = arith.index_cast %mul3A_409 : i32 to index
        %get3A_413 = tpu.vector_load %arg9[%get3A_411, %get3A_412] {strides = array<i32>} : memref<8x1024xf32, #tpu.memory_space<vmem>>, vector<1x16xf32>,
        %get3A_414 = vector.shape_cast %get3A_413 : vector<1x16xf32> to vector<16xf32>
        %add3A_415 = arith.addf %get3A_414, %get3A_295 : vector<16xf32>
        %mul3A_416 = arith.constant 16 : i32
        %mul3A_417 = arith.muli %add3A_288, %mul3A_416 : i32
        %swap3A_418 = arith.constant 7 : i32
        %swap3A_419 = arith.index_cast %swap3A_418 : i32 to index
        %swap3A_420 = arith.index_cast %mul3A_417 : i32 to index
        %swap3A_421 = tpu.vector_load %arg11[%swap3A_419, %swap3A_420] {strides = array<i32>} : memref<8x1024xf32, #tpu.memory_space<vmem>>, vector<1x16xf32>,
        %swap3A_422 = vector.shape_cast %swap3A_421 : vector<1x16xf32> to vector<16xf32>
        %swap3A_423 = vector.shape_cast %add3A_415 : vector<16xf32> to vector<1x16xf32>
        tpu.vector_store %arg11[%swap3A_419, %swap3A_420], %swap3A_423 {strides = array<i32>} : memref<8x1024xf32, #tpu.memory_space<vmem>>, vector<1x16xf32>,
        %scan3A_424 = arith.constant 2 : i32
        %scan3A_425 = arith.addi %scan3A_145, %scan3A_424 : i32
        %mul3A_426 = arith.constant 1 : i32
        %mul3A_427 = arith.muli %scan3A_425, %mul3A_426 : i32
        %add3A_428 = arith.constant 0 : i32
        %add3A_429 = arith.addi %add3A_428, %mul3A_427 : i32
        %mul3A_430 = arith.constant 16 : i32
        %mul3A_431 = arith.muli %add3A_429, %mul3A_430 : i32
        %get3A_432 = arith.constant 0 : i32
        %get3A_433 = arith.index_cast %get3A_432 : i32 to index
        %get3A_434 = arith.index_cast %mul3A_431 : i32 to index
        %get3A_435 = tpu.vector_load %arg7[%get3A_433, %get3A_434] {strides = array<i32>} : memref<1x1024xf32, #tpu.memory_space<vmem>>, vector<1x16xf32>,
        %get3A_436 = vector.shape_cast %get3A_435 : vector<1x16xf32> to vector<16xf32>
        %mul3A_437 = arith.constant 16 : i32
        %mul3A_438 = arith.muli %add3A_429, %mul3A_437 : i32
        %get3A_439 = arith.constant 0 : i32
        %get3A_440 = arith.index_cast %get3A_439 : i32 to index
        %get3A_441 = arith.index_cast %mul3A_438 : i32 to index
        %get3A_442 = tpu.vector_load %arg9[%get3A_440, %get3A_441] {strides = array<i32>} : memref<8x1024xf32, #tpu.memory_space<vmem>>, vector<1x16xf32>,
        %get3A_443 = vector.shape_cast %get3A_442 : vector<1x16xf32> to vector<16xf32>
        %add3A_444 = arith.addf %get3A_443, %get3A_436 : vector<16xf32>
        %mul3A_445 = arith.constant 16 : i32
        %mul3A_446 = arith.muli %add3A_429, %mul3A_445 : i32
        %swap3A_447 = arith.constant 0 : i32
        %swap3A_448 = arith.index_cast %swap3A_447 : i32 to index
        %swap3A_449 = arith.index_cast %mul3A_446 : i32 to index
        %swap3A_450 = tpu.vector_load %arg11[%swap3A_448, %swap3A_449] {strides = array<i32>} : memref<8x1024xf32, #tpu.memory_space<vmem>>, vector<1x16xf32>,
        %swap3A_451 = vector.shape_cast %swap3A_450 : vector<1x16xf32> to vector<16xf32>
        %swap3A_452 = vector.shape_cast %add3A_444 : vector<16xf32> to vector<1x16xf32>
        tpu.vector_store %arg11[%swap3A_448, %swap3A_449], %swap3A_452 {strides = array<i32>} : memref<8x1024xf32, #tpu.memory_space<vmem>>, vector<1x16xf32>,
        %mul3A_453 = arith.constant 16 : i32
        %mul3A_454 = arith.muli %add3A_429, %mul3A_453 : i32
        %get3A_455 = arith.constant 1 : i32
        %get3A_456 = arith.index_cast %get3A_455 : i32 to index
        %get3A_457 = arith.index_cast %mul3A_454 : i32 to index
        %get3A_458 = tpu.vector_load %arg9[%get3A_456, %get3A_457] {strides = array<i32>} : memref<8x1024xf32, #tpu.memory_space<vmem>>, vector<1x16xf32>,
        %get3A_459 = vector.shape_cast %get3A_458 : vector<1x16xf32> to vector<16xf32>
        %add3A_460 = arith.addf %get3A_459, %get3A_436 : vector<16xf32>
        %mul3A_461 = arith.constant 16 : i32
        %mul3A_462 = arith.muli %add3A_429, %mul3A_461 : i32
        %swap3A_463 = arith.constant 1 : i32
        %swap3A_464 = arith.index_cast %swap3A_463 : i32 to index
        %swap3A_465 = arith.index_cast %mul3A_462 : i32 to index
        %swap3A_466 = tpu.vector_load %arg11[%swap3A_464, %swap3A_465] {strides = array<i32>} : memref<8x1024xf32, #tpu.memory_space<vmem>>, vector<1x16xf32>,
        %swap3A_467 = vector.shape_cast %swap3A_466 : vector<1x16xf32> to vector<16xf32>
        %swap3A_468 = vector.shape_cast %add3A_460 : vector<16xf32> to vector<1x16xf32>
        tpu.vector_store %arg11[%swap3A_464, %swap3A_465], %swap3A_468 {strides = array<i32>} : memref<8x1024xf32, #tpu.memory_space<vmem>>, vector<1x16xf32>,
        %mul3A_469 = arith.constant 16 : i32
        %mul3A_470 = arith.muli %add3A_429, %mul3A_469 : i32
        %get3A_471 = arith.constant 2 : i32
        %get3A_472 = arith.index_cast %get3A_471 : i32 to index
        %get3A_473 = arith.index_cast %mul3A_470 : i32 to index
        %get3A_474 = tpu.vector_load %arg9[%get3A_472, %get3A_473] {strides = array<i32>} : memref<8x1024xf32, #tpu.memory_space<vmem>>, vector<1x16xf32>,
        %get3A_475 = vector.shape_cast %get3A_474 : vector<1x16xf32> to vector<16xf32>
        %add3A_476 = arith.addf %get3A_475, %get3A_436 : vector<16xf32>
        %mul3A_477 = arith.constant 16 : i32
        %mul3A_478 = arith.muli %add3A_429, %mul3A_477 : i32
        %swap3A_479 = arith.constant 2 : i32
        %swap3A_480 = arith.index_cast %swap3A_479 : i32 to index
        %swap3A_481 = arith.index_cast %mul3A_478 : i32 to index
        %swap3A_482 = tpu.vector_load %arg11[%swap3A_480, %swap3A_481] {strides = array<i32>} : memref<8x1024xf32, #tpu.memory_space<vmem>>, vector<1x16xf32>,
        %swap3A_483 = vector.shape_cast %swap3A_482 : vector<1x16xf32> to vector<16xf32>
        %swap3A_484 = vector.shape_cast %add3A_476 : vector<16xf32> to vector<1x16xf32>
        tpu.vector_store %arg11[%swap3A_480, %swap3A_481], %swap3A_484 {strides = array<i32>} : memref<8x1024xf32, #tpu.memory_space<vmem>>, vector<1x16xf32>,
        %mul3A_485 = arith.constant 16 : i32
        %mul3A_486 = arith.muli %add3A_429, %mul3A_485 : i32
        %get3A_487 = arith.constant 3 : i32
        %get3A_488 = arith.index_cast %get3A_487 : i32 to index
        %get3A_489 = arith.index_cast %mul3A_486 : i32 to index
        %get3A_490 = tpu.vector_load %arg9[%get3A_488, %get3A_489] {strides = array<i32>} : memref<8x1024xf32, #tpu.memory_space<vmem>>, vector<1x16xf32>,
        %get3A_491 = vector.shape_cast %get3A_490 : vector<1x16xf32> to vector<16xf32>
        %add3A_492 = arith.addf %get3A_491, %get3A_436 : vector<16xf32>
        %mul3A_493 = arith.constant 16 : i32
        %mul3A_494 = arith.muli %add3A_429, %mul3A_493 : i32
        %swap3A_495 = arith.constant 3 : i32
        %swap3A_496 = arith.index_cast %swap3A_495 : i32 to index
        %swap3A_497 = arith.index_cast %mul3A_494 : i32 to index
        %swap3A_498 = tpu.vector_load %arg11[%swap3A_496, %swap3A_497] {strides = array<i32>} : memref<8x1024xf32, #tpu.memory_space<vmem>>, vector<1x16xf32>,
        %swap3A_499 = vector.shape_cast %swap3A_498 : vector<1x16xf32> to vector<16xf32>
        %swap3A_500 = vector.shape_cast %add3A_492 : vector<16xf32> to vector<1x16xf32>
        tpu.vector_store %arg11[%swap3A_496, %swap3A_497], %swap3A_500 {strides = array<i32>} : memref<8x1024xf32, #tpu.memory_space<vmem>>, vector<1x16xf32>,
        %mul3A_501 = arith.constant 16 : i32
        %mul3A_502 = arith.muli %add3A_429, %mul3A_501 : i32
        %get3A_503 = arith.constant 4 : i32
        %get3A_504 = arith.index_cast %get3A_503 : i32 to index
        %get3A_505 = arith.index_cast %mul3A_502 : i32 to index
        %get3A_506 = tpu.vector_load %arg9[%get3A_504, %get3A_505] {strides = array<i32>} : memref<8x1024xf32, #tpu.memory_space<vmem>>, vector<1x16xf32>,
        %get3A_507 = vector.shape_cast %get3A_506 : vector<1x16xf32> to vector<16xf32>
        %add3A_508 = arith.addf %get3A_507, %get3A_436 : vector<16xf32>
        %mul3A_509 = arith.constant 16 : i32
        %mul3A_510 = arith.muli %add3A_429, %mul3A_509 : i32
        %swap3A_511 = arith.constant 4 : i32
        %swap3A_512 = arith.index_cast %swap3A_511 : i32 to index
        %swap3A_513 = arith.index_cast %mul3A_510 : i32 to index
        %swap3A_514 = tpu.vector_load %arg11[%swap3A_512, %swap3A_513] {strides = array<i32>} : memref<8x1024xf32, #tpu.memory_space<vmem>>, vector<1x16xf32>,
        %swap3A_515 = vector.shape_cast %swap3A_514 : vector<1x16xf32> to vector<16xf32>
        %swap3A_516 = vector.shape_cast %add3A_508 : vector<16xf32> to vector<1x16xf32>
        tpu.vector_store %arg11[%swap3A_512, %swap3A_513], %swap3A_516 {strides = array<i32>} : memref<8x1024xf32, #tpu.memory_space<vmem>>, vector<1x16xf32>,
        %mul3A_517 = arith.constant 16 : i32
        %mul3A_518 = arith.muli %add3A_429, %mul3A_517 : i32
        %get3A_519 = arith.constant 5 : i32
        %get3A_520 = arith.index_cast %get3A_519 : i32 to index
        %get3A_521 = arith.index_cast %mul3A_518 : i32 to index
        %get3A_522 = tpu.vector_load %arg9[%get3A_520, %get3A_521] {strides = array<i32>} : memref<8x1024xf32, #tpu.memory_space<vmem>>, vector<1x16xf32>,
        %get3A_523 = vector.shape_cast %get3A_522 : vector<1x16xf32> to vector<16xf32>
        %add3A_524 = arith.addf %get3A_523, %get3A_436 : vector<16xf32>
        %mul3A_525 = arith.constant 16 : i32
        %mul3A_526 = arith.muli %add3A_429, %mul3A_525 : i32
        %swap3A_527 = arith.constant 5 : i32
        %swap3A_528 = arith.index_cast %swap3A_527 : i32 to index
        %swap3A_529 = arith.index_cast %mul3A_526 : i32 to index
        %swap3A_530 = tpu.vector_load %arg11[%swap3A_528, %swap3A_529] {strides = array<i32>} : memref<8x1024xf32, #tpu.memory_space<vmem>>, vector<1x16xf32>,
        %swap3A_531 = vector.shape_cast %swap3A_530 : vector<1x16xf32> to vector<16xf32>
        %swap3A_532 = vector.shape_cast %add3A_524 : vector<16xf32> to vector<1x16xf32>
        tpu.vector_store %arg11[%swap3A_528, %swap3A_529], %swap3A_532 {strides = array<i32>} : memref<8x1024xf32, #tpu.memory_space<vmem>>, vector<1x16xf32>,
        %mul3A_533 = arith.constant 16 : i32
        %mul3A_534 = arith.muli %add3A_429, %mul3A_533 : i32
        %get3A_535 = arith.constant 6 : i32
        %get3A_536 = arith.index_cast %get3A_535 : i32 to index
        %get3A_537 = arith.index_cast %mul3A_534 : i32 to index
        %get3A_538 = tpu.vector_load %arg9[%get3A_536, %get3A_537] {strides = array<i32>} : memref<8x1024xf32, #tpu.memory_space<vmem>>, vector<1x16xf32>,
        %get3A_539 = vector.shape_cast %get3A_538 : vector<1x16xf32> to vector<16xf32>
        %add3A_540 = arith.addf %get3A_539, %get3A_436 : vector<16xf32>
        %mul3A_541 = arith.constant 16 : i32
        %mul3A_542 = arith.muli %add3A_429, %mul3A_541 : i32
        %swap3A_543 = arith.constant 6 : i32
        %swap3A_544 = arith.index_cast %swap3A_543 : i32 to index
        %swap3A_545 = arith.index_cast %mul3A_542 : i32 to index
        %swap3A_546 = tpu.vector_load %arg11[%swap3A_544, %swap3A_545] {strides = array<i32>} : memref<8x1024xf32, #tpu.memory_space<vmem>>, vector<1x16xf32>,
        %swap3A_547 = vector.shape_cast %swap3A_546 : vector<1x16xf32> to vector<16xf32>
        %swap3A_548 = vector.shape_cast %add3A_540 : vector<16xf32> to vector<1x16xf32>
        tpu.vector_store %arg11[%swap3A_544, %swap3A_545], %swap3A_548 {strides = array<i32>} : memref<8x1024xf32, #tpu.memory_space<vmem>>, vector<1x16xf32>,
        %mul3A_549 = arith.constant 16 : i32
        %mul3A_550 = arith.muli %add3A_429, %mul3A_549 : i32
        %get3A_551 = arith.constant 7 : i32
        %get3A_552 = arith.index_cast %get3A_551 : i32 to index
        %get3A_553 = arith.index_cast %mul3A_550 : i32 to index
        %get3A_554 = tpu.vector_load %arg9[%get3A_552, %get3A_553] {strides = array<i32>} : memref<8x1024xf32, #tpu.memory_space<vmem>>, vector<1x16xf32>,
        %get3A_555 = vector.shape_cast %get3A_554 : vector<1x16xf32> to vector<16xf32>
        %add3A_556 = arith.addf %get3A_555, %get3A_436 : vector<16xf32>
        %mul3A_557 = arith.constant 16 : i32
        %mul3A_558 = arith.muli %add3A_429, %mul3A_557 : i32
        %swap3A_559 = arith.constant 7 : i32
        %swap3A_560 = arith.index_cast %swap3A_559 : i32 to index
        %swap3A_561 = arith.index_cast %mul3A_558 : i32 to index
        %swap3A_562 = tpu.vector_load %arg11[%swap3A_560, %swap3A_561] {strides = array<i32>} : memref<8x1024xf32, #tpu.memory_space<vmem>>, vector<1x16xf32>,
        %swap3A_563 = vector.shape_cast %swap3A_562 : vector<1x16xf32> to vector<16xf32>
        %swap3A_564 = vector.shape_cast %add3A_556 : vector<16xf32> to vector<1x16xf32>
        tpu.vector_store %arg11[%swap3A_560, %swap3A_561], %swap3A_564 {strides = array<i32>} : memref<8x1024xf32, #tpu.memory_space<vmem>>, vector<1x16xf32>,
        %scan3A_565 = arith.constant 3 : i32
        %scan3A_566 = arith.addi %scan3A_145, %scan3A_565 : i32
        %mul3A_567 = arith.constant 1 : i32
        %mul3A_568 = arith.muli %scan3A_566, %mul3A_567 : i32
        %add3A_569 = arith.constant 0 : i32
        %add3A_570 = arith.addi %add3A_569, %mul3A_568 : i32
        %mul3A_571 = arith.constant 16 : i32
        %mul3A_572 = arith.muli %add3A_570, %mul3A_571 : i32
        %get3A_573 = arith.constant 0 : i32
        %get3A_574 = arith.index_cast %get3A_573 : i32 to index
        %get3A_575 = arith.index_cast %mul3A_572 : i32 to index
        %get3A_576 = tpu.vector_load %arg7[%get3A_574, %get3A_575] {strides = array<i32>} : memref<1x1024xf32, #tpu.memory_space<vmem>>, vector<1x16xf32>,
        %get3A_577 = vector.shape_cast %get3A_576 : vector<1x16xf32> to vector<16xf32>
        %mul3A_578 = arith.constant 16 : i32
        %mul3A_579 = arith.muli %add3A_570, %mul3A_578 : i32
        %get3A_580 = arith.constant 0 : i32
        %get3A_581 = arith.index_cast %get3A_580 : i32 to index
        %get3A_582 = arith.index_cast %mul3A_579 : i32 to index
        %get3A_583 = tpu.vector_load %arg9[%get3A_581, %get3A_582] {strides = array<i32>} : memref<8x1024xf32, #tpu.memory_space<vmem>>, vector<1x16xf32>,
        %get3A_584 = vector.shape_cast %get3A_583 : vector<1x16xf32> to vector<16xf32>
        %add3A_585 = arith.addf %get3A_584, %get3A_577 : vector<16xf32>
        %mul3A_586 = arith.constant 16 : i32
        %mul3A_587 = arith.muli %add3A_570, %mul3A_586 : i32
        %swap3A_588 = arith.constant 0 : i32
        %swap3A_589 = arith.index_cast %swap3A_588 : i32 to index
        %swap3A_590 = arith.index_cast %mul3A_587 : i32 to index
        %swap3A_591 = tpu.vector_load %arg11[%swap3A_589, %swap3A_590] {strides = array<i32>} : memref<8x1024xf32, #tpu.memory_space<vmem>>, vector<1x16xf32>,
        %swap3A_592 = vector.shape_cast %swap3A_591 : vector<1x16xf32> to vector<16xf32>
        %swap3A_593 = vector.shape_cast %add3A_585 : vector<16xf32> to vector<1x16xf32>
        tpu.vector_store %arg11[%swap3A_589, %swap3A_590], %swap3A_593 {strides = array<i32>} : memref<8x1024xf32, #tpu.memory_space<vmem>>, vector<1x16xf32>,
        %mul3A_594 = arith.constant 16 : i32
        %mul3A_595 = arith.muli %add3A_570, %mul3A_594 : i32
        %get3A_596 = arith.constant 1 : i32
        %get3A_597 = arith.index_cast %get3A_596 : i32 to index
        %get3A_598 = arith.index_cast %mul3A_595 : i32 to index
        %get3A_599 = tpu.vector_load %arg9[%get3A_597, %get3A_598] {strides = array<i32>} : memref<8x1024xf32, #tpu.memory_space<vmem>>, vector<1x16xf32>,
        %get3A_600 = vector.shape_cast %get3A_599 : vector<1x16xf32> to vector<16xf32>
        %add3A_601 = arith.addf %get3A_600, %get3A_577 : vector<16xf32>
        %mul3A_602 = arith.constant 16 : i32
        %mul3A_603 = arith.muli %add3A_570, %mul3A_602 : i32
        %swap3A_604 = arith.constant 1 : i32
        %swap3A_605 = arith.index_cast %swap3A_604 : i32 to index
        %swap3A_606 = arith.index_cast %mul3A_603 : i32 to index
        %swap3A_607 = tpu.vector_load %arg11[%swap3A_605, %swap3A_606] {strides = array<i32>} : memref<8x1024xf32, #tpu.memory_space<vmem>>, vector<1x16xf32>,
        %swap3A_608 = vector.shape_cast %swap3A_607 : vector<1x16xf32> to vector<16xf32>
        %swap3A_609 = vector.shape_cast %add3A_601 : vector<16xf32> to vector<1x16xf32>
        tpu.vector_store %arg11[%swap3A_605, %swap3A_606], %swap3A_609 {strides = array<i32>} : memref<8x1024xf32, #tpu.memory_space<vmem>>, vector<1x16xf32>,
        %mul3A_610 = arith.constant 16 : i32
        %mul3A_611 = arith.muli %add3A_570, %mul3A_610 : i32
        %get3A_612 = arith.constant 2 : i32
        %get3A_613 = arith.index_cast %get3A_612 : i32 to index
        %get3A_614 = arith.index_cast %mul3A_611 : i32 to index
        %get3A_615 = tpu.vector_load %arg9[%get3A_613, %get3A_614] {strides = array<i32>} : memref<8x1024xf32, #tpu.memory_space<vmem>>, vector<1x16xf32>,
        %get3A_616 = vector.shape_cast %get3A_615 : vector<1x16xf32> to vector<16xf32>
        %add3A_617 = arith.addf %get3A_616, %get3A_577 : vector<16xf32>
        %mul3A_618 = arith.constant 16 : i32
        %mul3A_619 = arith.muli %add3A_570, %mul3A_618 : i32
        %swap3A_620 = arith.constant 2 : i32
        %swap3A_621 = arith.index_cast %swap3A_620 : i32 to index
        %swap3A_622 = arith.index_cast %mul3A_619 : i32 to index
        %swap3A_623 = tpu.vector_load %arg11[%swap3A_621, %swap3A_622] {strides = array<i32>} : memref<8x1024xf32, #tpu.memory_space<vmem>>, vector<1x16xf32>,
        %swap3A_624 = vector.shape_cast %swap3A_623 : vector<1x16xf32> to vector<16xf32>
        %swap3A_625 = vector.shape_cast %add3A_617 : vector<16xf32> to vector<1x16xf32>
        tpu.vector_store %arg11[%swap3A_621, %swap3A_622], %swap3A_625 {strides = array<i32>} : memref<8x1024xf32, #tpu.memory_space<vmem>>, vector<1x16xf32>,
        %mul3A_626 = arith.constant 16 : i32
        %mul3A_627 = arith.muli %add3A_570, %mul3A_626 : i32
        %get3A_628 = arith.constant 3 : i32
        %get3A_629 = arith.index_cast %get3A_628 : i32 to index
        %get3A_630 = arith.index_cast %mul3A_627 : i32 to index
        %get3A_631 = tpu.vector_load %arg9[%get3A_629, %get3A_630] {strides = array<i32>} : memref<8x1024xf32, #tpu.memory_space<vmem>>, vector<1x16xf32>,
        %get3A_632 = vector.shape_cast %get3A_631 : vector<1x16xf32> to vector<16xf32>
        %add3A_633 = arith.addf %get3A_632, %get3A_577 : vector<16xf32>
        %mul3A_634 = arith.constant 16 : i32
        %mul3A_635 = arith.muli %add3A_570, %mul3A_634 : i32
        %swap3A_636 = arith.constant 3 : i32
        %swap3A_637 = arith.index_cast %swap3A_636 : i32 to index
        %swap3A_638 = arith.index_cast %mul3A_635 : i32 to index
        %swap3A_639 = tpu.vector_load %arg11[%swap3A_637, %swap3A_638] {strides = array<i32>} : memref<8x1024xf32, #tpu.memory_space<vmem>>, vector<1x16xf32>,
        %swap3A_640 = vector.shape_cast %swap3A_639 : vector<1x16xf32> to vector<16xf32>
        %swap3A_641 = vector.shape_cast %add3A_633 : vector<16xf32> to vector<1x16xf32>
        tpu.vector_store %arg11[%swap3A_637, %swap3A_638], %swap3A_641 {strides = array<i32>} : memref<8x1024xf32, #tpu.memory_space<vmem>>, vector<1x16xf32>,
        %mul3A_642 = arith.constant 16 : i32
        %mul3A_643 = arith.muli %add3A_570, %mul3A_642 : i32
        %get3A_644 = arith.constant 4 : i32
        %get3A_645 = arith.index_cast %get3A_644 : i32 to index
        %get3A_646 = arith.index_cast %mul3A_643 : i32 to index
        %get3A_647 = tpu.vector_load %arg9[%get3A_645, %get3A_646] {strides = array<i32>} : memref<8x1024xf32, #tpu.memory_space<vmem>>, vector<1x16xf32>,
        %get3A_648 = vector.shape_cast %get3A_647 : vector<1x16xf32> to vector<16xf32>
        %add3A_649 = arith.addf %get3A_648, %get3A_577 : vector<16xf32>
        %mul3A_650 = arith.constant 16 : i32
        %mul3A_651 = arith.muli %add3A_570, %mul3A_650 : i32
        %swap3A_652 = arith.constant 4 : i32
        %swap3A_653 = arith.index_cast %swap3A_652 : i32 to index
        %swap3A_654 = arith.index_cast %mul3A_651 : i32 to index
        %swap3A_655 = tpu.vector_load %arg11[%swap3A_653, %swap3A_654] {strides = array<i32>} : memref<8x1024xf32, #tpu.memory_space<vmem>>, vector<1x16xf32>,
        %swap3A_656 = vector.shape_cast %swap3A_655 : vector<1x16xf32> to vector<16xf32>
        %swap3A_657 = vector.shape_cast %add3A_649 : vector<16xf32> to vector<1x16xf32>
        tpu.vector_store %arg11[%swap3A_653, %swap3A_654], %swap3A_657 {strides = array<i32>} : memref<8x1024xf32, #tpu.memory_space<vmem>>, vector<1x16xf32>,
        %mul3A_658 = arith.constant 16 : i32
        %mul3A_659 = arith.muli %add3A_570, %mul3A_658 : i32
        %get3A_660 = arith.constant 5 : i32
        %get3A_661 = arith.index_cast %get3A_660 : i32 to index
        %get3A_662 = arith.index_cast %mul3A_659 : i32 to index
        %get3A_663 = tpu.vector_load %arg9[%get3A_661, %get3A_662] {strides = array<i32>} : memref<8x1024xf32, #tpu.memory_space<vmem>>, vector<1x16xf32>,
        %get3A_664 = vector.shape_cast %get3A_663 : vector<1x16xf32> to vector<16xf32>
        %add3A_665 = arith.addf %get3A_664, %get3A_577 : vector<16xf32>
        %mul3A_666 = arith.constant 16 : i32
        %mul3A_667 = arith.muli %add3A_570, %mul3A_666 : i32
        %swap3A_668 = arith.constant 5 : i32
        %swap3A_669 = arith.index_cast %swap3A_668 : i32 to index
        %swap3A_670 = arith.index_cast %mul3A_667 : i32 to index
        %swap3A_671 = tpu.vector_load %arg11[%swap3A_669, %swap3A_670] {strides = array<i32>} : memref<8x1024xf32, #tpu.memory_space<vmem>>, vector<1x16xf32>,
        %swap3A_672 = vector.shape_cast %swap3A_671 : vector<1x16xf32> to vector<16xf32>
        %swap3A_673 = vector.shape_cast %add3A_665 : vector<16xf32> to vector<1x16xf32>
        tpu.vector_store %arg11[%swap3A_669, %swap3A_670], %swap3A_673 {strides = array<i32>} : memref<8x1024xf32, #tpu.memory_space<vmem>>, vector<1x16xf32>,
        %mul3A_674 = arith.constant 16 : i32
        %mul3A_675 = arith.muli %add3A_570, %mul3A_674 : i32
        %get3A_676 = arith.constant 6 : i32
        %get3A_677 = arith.index_cast %get3A_676 : i32 to index
        %get3A_678 = arith.index_cast %mul3A_675 : i32 to index
        %get3A_679 = tpu.vector_load %arg9[%get3A_677, %get3A_678] {strides = array<i32>} : memref<8x1024xf32, #tpu.memory_space<vmem>>, vector<1x16xf32>,
        %get3A_680 = vector.shape_cast %get3A_679 : vector<1x16xf32> to vector<16xf32>
        %add3A_681 = arith.addf %get3A_680, %get3A_577 : vector<16xf32>
        %mul3A_682 = arith.constant 16 : i32
        %mul3A_683 = arith.muli %add3A_570, %mul3A_682 : i32
        %swap3A_684 = arith.constant 6 : i32
        %swap3A_685 = arith.index_cast %swap3A_684 : i32 to index
        %swap3A_686 = arith.index_cast %mul3A_683 : i32 to index
        %swap3A_687 = tpu.vector_load %arg11[%swap3A_685, %swap3A_686] {strides = array<i32>} : memref<8x1024xf32, #tpu.memory_space<vmem>>, vector<1x16xf32>,
        %swap3A_688 = vector.shape_cast %swap3A_687 : vector<1x16xf32> to vector<16xf32>
        %swap3A_689 = vector.shape_cast %add3A_681 : vector<16xf32> to vector<1x16xf32>
        tpu.vector_store %arg11[%swap3A_685, %swap3A_686], %swap3A_689 {strides = array<i32>} : memref<8x1024xf32, #tpu.memory_space<vmem>>, vector<1x16xf32>,
        %mul3A_690 = arith.constant 16 : i32
        %mul3A_691 = arith.muli %add3A_570, %mul3A_690 : i32
        %get3A_692 = arith.constant 7 : i32
        %get3A_693 = arith.index_cast %get3A_692 : i32 to index
        %get3A_694 = arith.index_cast %mul3A_691 : i32 to index
        %get3A_695 = tpu.vector_load %arg9[%get3A_693, %get3A_694] {strides = array<i32>} : memref<8x1024xf32, #tpu.memory_space<vmem>>, vector<1x16xf32>,
        %get3A_696 = vector.shape_cast %get3A_695 : vector<1x16xf32> to vector<16xf32>
        %add3A_697 = arith.addf %get3A_696, %get3A_577 : vector<16xf32>
        %mul3A_698 = arith.constant 16 : i32
        %mul3A_699 = arith.muli %add3A_570, %mul3A_698 : i32
        %swap3A_700 = arith.constant 7 : i32
        %swap3A_701 = arith.index_cast %swap3A_700 : i32 to index
        %swap3A_702 = arith.index_cast %mul3A_699 : i32 to index
        %swap3A_703 = tpu.vector_load %arg11[%swap3A_701, %swap3A_702] {strides = array<i32>} : memref<8x1024xf32, #tpu.memory_space<vmem>>, vector<1x16xf32>,
        %swap3A_704 = vector.shape_cast %swap3A_703 : vector<1x16xf32> to vector<16xf32>
        %swap3A_705 = vector.shape_cast %add3A_697 : vector<16xf32> to vector<1x16xf32>
        tpu.vector_store %arg11[%swap3A_701, %swap3A_702], %swap3A_705 {strides = array<i32>} : memref<8x1024xf32, #tpu.memory_space<vmem>>, vector<1x16xf32>,
        %scan3A_706 = arith.constant 4 : i32
        %scan3A_707 = arith.addi %scan3A_145, %scan3A_706 : i32
        %mul3A_708 = arith.constant 1 : i32
        %mul3A_709 = arith.muli %scan3A_707, %mul3A_708 : i32
        %add3A_710 = arith.constant 0 : i32
        %add3A_711 = arith.addi %add3A_710, %mul3A_709 : i32
        %mul3A_712 = arith.constant 16 : i32
        %mul3A_713 = arith.muli %add3A_711, %mul3A_712 : i32
        %get3A_714 = arith.constant 0 : i32
        %get3A_715 = arith.index_cast %get3A_714 : i32 to index
        %get3A_716 = arith.index_cast %mul3A_713 : i32 to index
        %get3A_717 = tpu.vector_load %arg7[%get3A_715, %get3A_716] {strides = array<i32>} : memref<1x1024xf32, #tpu.memory_space<vmem>>, vector<1x16xf32>,
        %get3A_718 = vector.shape_cast %get3A_717 : vector<1x16xf32> to vector<16xf32>
        %mul3A_719 = arith.constant 16 : i32
        %mul3A_720 = arith.muli %add3A_711, %mul3A_719 : i32
        %get3A_721 = arith.constant 0 : i32
        %get3A_722 = arith.index_cast %get3A_721 : i32 to index
        %get3A_723 = arith.index_cast %mul3A_720 : i32 to index
        %get3A_724 = tpu.vector_load %arg9[%get3A_722, %get3A_723] {strides = array<i32>} : memref<8x1024xf32, #tpu.memory_space<vmem>>, vector<1x16xf32>,
        %get3A_725 = vector.shape_cast %get3A_724 : vector<1x16xf32> to vector<16xf32>
        %add3A_726 = arith.addf %get3A_725, %get3A_718 : vector<16xf32>
        %mul3A_727 = arith.constant 16 : i32
        %mul3A_728 = arith.muli %add3A_711, %mul3A_727 : i32
        %swap3A_729 = arith.constant 0 : i32
        %swap3A_730 = arith.index_cast %swap3A_729 : i32 to index
        %swap3A_731 = arith.index_cast %mul3A_728 : i32 to index
        %swap3A_732 = tpu.vector_load %arg11[%swap3A_730, %swap3A_731] {strides = array<i32>} : memref<8x1024xf32, #tpu.memory_space<vmem>>, vector<1x16xf32>,
        %swap3A_733 = vector.shape_cast %swap3A_732 : vector<1x16xf32> to vector<16xf32>
        %swap3A_734 = vector.shape_cast %add3A_726 : vector<16xf32> to vector<1x16xf32>
        tpu.vector_store %arg11[%swap3A_730, %swap3A_731], %swap3A_734 {strides = array<i32>} : memref<8x1024xf32, #tpu.memory_space<vmem>>, vector<1x16xf32>,
        %mul3A_735 = arith.constant 16 : i32
        %mul3A_736 = arith.muli %add3A_711, %mul3A_735 : i32
        %get3A_737 = arith.constant 1 : i32
        %get3A_738 = arith.index_cast %get3A_737 : i32 to index
        %get3A_739 = arith.index_cast %mul3A_736 : i32 to index
        %get3A_740 = tpu.vector_load %arg9[%get3A_738, %get3A_739] {strides = array<i32>} : memref<8x1024xf32, #tpu.memory_space<vmem>>, vector<1x16xf32>,
        %get3A_741 = vector.shape_cast %get3A_740 : vector<1x16xf32> to vector<16xf32>
        %add3A_742 = arith.addf %get3A_741, %get3A_718 : vector<16xf32>
        %mul3A_743 = arith.constant 16 : i32
        %mul3A_744 = arith.muli %add3A_711, %mul3A_743 : i32
        %swap3A_745 = arith.constant 1 : i32
        %swap3A_746 = arith.index_cast %swap3A_745 : i32 to index
        %swap3A_747 = arith.index_cast %mul3A_744 : i32 to index
        %swap3A_748 = tpu.vector_load %arg11[%swap3A_746, %swap3A_747] {strides = array<i32>} : memref<8x1024xf32, #tpu.memory_space<vmem>>, vector<1x16xf32>,
        %swap3A_749 = vector.shape_cast %swap3A_748 : vector<1x16xf32> to vector<16xf32>
        %swap3A_750 = vector.shape_cast %add3A_742 : vector<16xf32> to vector<1x16xf32>
        tpu.vector_store %arg11[%swap3A_746, %swap3A_747], %swap3A_750 {strides = array<i32>} : memref<8x1024xf32, #tpu.memory_space<vmem>>, vector<1x16xf32>,
        %mul3A_751 = arith.constant 16 : i32
        %mul3A_752 = arith.muli %add3A_711, %mul3A_751 : i32
        %get3A_753 = arith.constant 2 : i32
        %get3A_754 = arith.index_cast %get3A_753 : i32 to index
        %get3A_755 = arith.index_cast %mul3A_752 : i32 to index
        %get3A_756 = tpu.vector_load %arg9[%get3A_754, %get3A_755] {strides = array<i32>} : memref<8x1024xf32, #tpu.memory_space<vmem>>, vector<1x16xf32>,
        %get3A_757 = vector.shape_cast %get3A_756 : vector<1x16xf32> to vector<16xf32>
        %add3A_758 = arith.addf %get3A_757, %get3A_718 : vector<16xf32>
        %mul3A_759 = arith.constant 16 : i32
        %mul3A_760 = arith.muli %add3A_711, %mul3A_759 : i32
        %swap3A_761 = arith.constant 2 : i32
        %swap3A_762 = arith.index_cast %swap3A_761 : i32 to index
        %swap3A_763 = arith.index_cast %mul3A_760 : i32 to index
        %swap3A_764 = tpu.vector_load %arg11[%swap3A_762, %swap3A_763] {strides = array<i32>} : memref<8x1024xf32, #tpu.memory_space<vmem>>, vector<1x16xf32>,
        %swap3A_765 = vector.shape_cast %swap3A_764 : vector<1x16xf32> to vector<16xf32>
        %swap3A_766 = vector.shape_cast %add3A_758 : vector<16xf32> to vector<1x16xf32>
        tpu.vector_store %arg11[%swap3A_762, %swap3A_763], %swap3A_766 {strides = array<i32>} : memref<8x1024xf32, #tpu.memory_space<vmem>>, vector<1x16xf32>,
        %mul3A_767 = arith.constant 16 : i32
        %mul3A_768 = arith.muli %add3A_711, %mul3A_767 : i32
        %get3A_769 = arith.constant 3 : i32
        %get3A_770 = arith.index_cast %get3A_769 : i32 to index
        %get3A_771 = arith.index_cast %mul3A_768 : i32 to index
        %get3A_772 = tpu.vector_load %arg9[%get3A_770, %get3A_771] {strides = array<i32>} : memref<8x1024xf32, #tpu.memory_space<vmem>>, vector<1x16xf32>,
        %get3A_773 = vector.shape_cast %get3A_772 : vector<1x16xf32> to vector<16xf32>
        %add3A_774 = arith.addf %get3A_773, %get3A_718 : vector<16xf32>
        %mul3A_775 = arith.constant 16 : i32
        %mul3A_776 = arith.muli %add3A_711, %mul3A_775 : i32
        %swap3A_777 = arith.constant 3 : i32
        %swap3A_778 = arith.index_cast %swap3A_777 : i32 to index
        %swap3A_779 = arith.index_cast %mul3A_776 : i32 to index
        %swap3A_780 = tpu.vector_load %arg11[%swap3A_778, %swap3A_779] {strides = array<i32>} : memref<8x1024xf32, #tpu.memory_space<vmem>>, vector<1x16xf32>,
        %swap3A_781 = vector.shape_cast %swap3A_780 : vector<1x16xf32> to vector<16xf32>
        %swap3A_782 = vector.shape_cast %add3A_774 : vector<16xf32> to vector<1x16xf32>
        tpu.vector_store %arg11[%swap3A_778, %swap3A_779], %swap3A_782 {strides = array<i32>} : memref<8x1024xf32, #tpu.memory_space<vmem>>, vector<1x16xf32>,
        %mul3A_783 = arith.constant 16 : i32
        %mul3A_784 = arith.muli %add3A_711, %mul3A_783 : i32
        %get3A_785 = arith.constant 4 : i32
        %get3A_786 = arith.index_cast %get3A_785 : i32 to index
        %get3A_787 = arith.index_cast %mul3A_784 : i32 to index
        %get3A_788 = tpu.vector_load %arg9[%get3A_786, %get3A_787] {strides = array<i32>} : memref<8x1024xf32, #tpu.memory_space<vmem>>, vector<1x16xf32>,
        %get3A_789 = vector.shape_cast %get3A_788 : vector<1x16xf32> to vector<16xf32>
        %add3A_790 = arith.addf %get3A_789, %get3A_718 : vector<16xf32>
        %mul3A_791 = arith.constant 16 : i32
        %mul3A_792 = arith.muli %add3A_711, %mul3A_791 : i32
        %swap3A_793 = arith.constant 4 : i32
        %swap3A_794 = arith.index_cast %swap3A_793 : i32 to index
        %swap3A_795 = arith.index_cast %mul3A_792 : i32 to index
        %swap3A_796 = tpu.vector_load %arg11[%swap3A_794, %swap3A_795] {strides = array<i32>} : memref<8x1024xf32, #tpu.memory_space<vmem>>, vector<1x16xf32>,
        %swap3A_797 = vector.shape_cast %swap3A_796 : vector<1x16xf32> to vector<16xf32>
        %swap3A_798 = vector.shape_cast %add3A_790 : vector<16xf32> to vector<1x16xf32>
        tpu.vector_store %arg11[%swap3A_794, %swap3A_795], %swap3A_798 {strides = array<i32>} : memref<8x1024xf32, #tpu.memory_space<vmem>>, vector<1x16xf32>,
        %mul3A_799 = arith.constant 16 : i32
        %mul3A_800 = arith.muli %add3A_711, %mul3A_799 : i32
        %get3A_801 = arith.constant 5 : i32
        %get3A_802 = arith.index_cast %get3A_801 : i32 to index
        %get3A_803 = arith.index_cast %mul3A_800 : i32 to index
        %get3A_804 = tpu.vector_load %arg9[%get3A_802, %get3A_803] {strides = array<i32>} : memref<8x1024xf32, #tpu.memory_space<vmem>>, vector<1x16xf32>,
        %get3A_805 = vector.shape_cast %get3A_804 : vector<1x16xf32> to vector<16xf32>
        %add3A_806 = arith.addf %get3A_805, %get3A_718 : vector<16xf32>
        %mul3A_807 = arith.constant 16 : i32
        %mul3A_808 = arith.muli %add3A_711, %mul3A_807 : i32
        %swap3A_809 = arith.constant 5 : i32
        %swap3A_810 = arith.index_cast %swap3A_809 : i32 to index
        %swap3A_811 = arith.index_cast %mul3A_808 : i32 to index
        %swap3A_812 = tpu.vector_load %arg11[%swap3A_810, %swap3A_811] {strides = array<i32>} : memref<8x1024xf32, #tpu.memory_space<vmem>>, vector<1x16xf32>,
        %swap3A_813 = vector.shape_cast %swap3A_812 : vector<1x16xf32> to vector<16xf32>
        %swap3A_814 = vector.shape_cast %add3A_806 : vector<16xf32> to vector<1x16xf32>
        tpu.vector_store %arg11[%swap3A_810, %swap3A_811], %swap3A_814 {strides = array<i32>} : memref<8x1024xf32, #tpu.memory_space<vmem>>, vector<1x16xf32>,
        %mul3A_815 = arith.constant 16 : i32
        %mul3A_816 = arith.muli %add3A_711, %mul3A_815 : i32
        %get3A_817 = arith.constant 6 : i32
        %get3A_818 = arith.index_cast %get3A_817 : i32 to index
        %get3A_819 = arith.index_cast %mul3A_816 : i32 to index
        %get3A_820 = tpu.vector_load %arg9[%get3A_818, %get3A_819] {strides = array<i32>} : memref<8x1024xf32, #tpu.memory_space<vmem>>, vector<1x16xf32>,
        %get3A_821 = vector.shape_cast %get3A_820 : vector<1x16xf32> to vector<16xf32>
        %add3A_822 = arith.addf %get3A_821, %get3A_718 : vector<16xf32>
        %mul3A_823 = arith.constant 16 : i32
        %mul3A_824 = arith.muli %add3A_711, %mul3A_823 : i32
        %swap3A_825 = arith.constant 6 : i32
        %swap3A_826 = arith.index_cast %swap3A_825 : i32 to index
        %swap3A_827 = arith.index_cast %mul3A_824 : i32 to index
        %swap3A_828 = tpu.vector_load %arg11[%swap3A_826, %swap3A_827] {strides = array<i32>} : memref<8x1024xf32, #tpu.memory_space<vmem>>, vector<1x16xf32>,
        %swap3A_829 = vector.shape_cast %swap3A_828 : vector<1x16xf32> to vector<16xf32>
        %swap3A_830 = vector.shape_cast %add3A_822 : vector<16xf32> to vector<1x16xf32>
        tpu.vector_store %arg11[%swap3A_826, %swap3A_827], %swap3A_830 {strides = array<i32>} : memref<8x1024xf32, #tpu.memory_space<vmem>>, vector<1x16xf32>,
        %mul3A_831 = arith.constant 16 : i32
        %mul3A_832 = arith.muli %add3A_711, %mul3A_831 : i32
        %get3A_833 = arith.constant 7 : i32
        %get3A_834 = arith.index_cast %get3A_833 : i32 to index
        %get3A_835 = arith.index_cast %mul3A_832 : i32 to index
        %get3A_836 = tpu.vector_load %arg9[%get3A_834, %get3A_835] {strides = array<i32>} : memref<8x1024xf32, #tpu.memory_space<vmem>>, vector<1x16xf32>,
        %get3A_837 = vector.shape_cast %get3A_836 : vector<1x16xf32> to vector<16xf32>
        %add3A_838 = arith.addf %get3A_837, %get3A_718 : vector<16xf32>
        %mul3A_839 = arith.constant 16 : i32
        %mul3A_840 = arith.muli %add3A_711, %mul3A_839 : i32
        %swap3A_841 = arith.constant 7 : i32
        %swap3A_842 = arith.index_cast %swap3A_841 : i32 to index
        %swap3A_843 = arith.index_cast %mul3A_840 : i32 to index
        %swap3A_844 = tpu.vector_load %arg11[%swap3A_842, %swap3A_843] {strides = array<i32>} : memref<8x1024xf32, #tpu.memory_space<vmem>>, vector<1x16xf32>,
        %swap3A_845 = vector.shape_cast %swap3A_844 : vector<1x16xf32> to vector<16xf32>
        %swap3A_846 = vector.shape_cast %add3A_838 : vector<16xf32> to vector<1x16xf32>
        tpu.vector_store %arg11[%swap3A_842, %swap3A_843], %swap3A_846 {strides = array<i32>} : memref<8x1024xf32, #tpu.memory_space<vmem>>, vector<1x16xf32>,
        %scan3A_847 = arith.constant 5 : i32
        %scan3A_848 = arith.addi %scan3A_145, %scan3A_847 : i32
        %mul3A_849 = arith.constant 1 : i32
        %mul3A_850 = arith.muli %scan3A_848, %mul3A_849 : i32
        %add3A_851 = arith.constant 0 : i32
        %add3A_852 = arith.addi %add3A_851, %mul3A_850 : i32
        %mul3A_853 = arith.constant 16 : i32
        %mul3A_854 = arith.muli %add3A_852, %mul3A_853 : i32
        %get3A_855 = arith.constant 0 : i32
        %get3A_856 = arith.index_cast %get3A_855 : i32 to index
        %get3A_857 = arith.index_cast %mul3A_854 : i32 to index
        %get3A_858 = tpu.vector_load %arg7[%get3A_856, %get3A_857] {strides = array<i32>} : memref<1x1024xf32, #tpu.memory_space<vmem>>, vector<1x16xf32>,
        %get3A_859 = vector.shape_cast %get3A_858 : vector<1x16xf32> to vector<16xf32>
        %mul3A_860 = arith.constant 16 : i32
        %mul3A_861 = arith.muli %add3A_852, %mul3A_860 : i32
        %get3A_862 = arith.constant 0 : i32
        %get3A_863 = arith.index_cast %get3A_862 : i32 to index
        %get3A_864 = arith.index_cast %mul3A_861 : i32 to index
        %get3A_865 = tpu.vector_load %arg9[%get3A_863, %get3A_864] {strides = array<i32>} : memref<8x1024xf32, #tpu.memory_space<vmem>>, vector<1x16xf32>,
        %get3A_866 = vector.shape_cast %get3A_865 : vector<1x16xf32> to vector<16xf32>
        %add3A_867 = arith.addf %get3A_866, %get3A_859 : vector<16xf32>
        %mul3A_868 = arith.constant 16 : i32
        %mul3A_869 = arith.muli %add3A_852, %mul3A_868 : i32
        %swap3A_870 = arith.constant 0 : i32
        %swap3A_871 = arith.index_cast %swap3A_870 : i32 to index
        %swap3A_872 = arith.index_cast %mul3A_869 : i32 to index
        %swap3A_873 = tpu.vector_load %arg11[%swap3A_871, %swap3A_872] {strides = array<i32>} : memref<8x1024xf32, #tpu.memory_space<vmem>>, vector<1x16xf32>,
        %swap3A_874 = vector.shape_cast %swap3A_873 : vector<1x16xf32> to vector<16xf32>
        %swap3A_875 = vector.shape_cast %add3A_867 : vector<16xf32> to vector<1x16xf32>
        tpu.vector_store %arg11[%swap3A_871, %swap3A_872], %swap3A_875 {strides = array<i32>} : memref<8x1024xf32, #tpu.memory_space<vmem>>, vector<1x16xf32>,
        %mul3A_876 = arith.constant 16 : i32
        %mul3A_877 = arith.muli %add3A_852, %mul3A_876 : i32
        %get3A_878 = arith.constant 1 : i32
        %get3A_879 = arith.index_cast %get3A_878 : i32 to index
        %get3A_880 = arith.index_cast %mul3A_877 : i32 to index
        %get3A_881 = tpu.vector_load %arg9[%get3A_879, %get3A_880] {strides = array<i32>} : memref<8x1024xf32, #tpu.memory_space<vmem>>, vector<1x16xf32>,
        %get3A_882 = vector.shape_cast %get3A_881 : vector<1x16xf32> to vector<16xf32>
        %add3A_883 = arith.addf %get3A_882, %get3A_859 : vector<16xf32>
        %mul3A_884 = arith.constant 16 : i32
        %mul3A_885 = arith.muli %add3A_852, %mul3A_884 : i32
        %swap3A_886 = arith.constant 1 : i32
        %swap3A_887 = arith.index_cast %swap3A_886 : i32 to index
        %swap3A_888 = arith.index_cast %mul3A_885 : i32 to index
        %swap3A_889 = tpu.vector_load %arg11[%swap3A_887, %swap3A_888] {strides = array<i32>} : memref<8x1024xf32, #tpu.memory_space<vmem>>, vector<1x16xf32>,
        %swap3A_890 = vector.shape_cast %swap3A_889 : vector<1x16xf32> to vector<16xf32>
        %swap3A_891 = vector.shape_cast %add3A_883 : vector<16xf32> to vector<1x16xf32>
        tpu.vector_store %arg11[%swap3A_887, %swap3A_888], %swap3A_891 {strides = array<i32>} : memref<8x1024xf32, #tpu.memory_space<vmem>>, vector<1x16xf32>,
        %mul3A_892 = arith.constant 16 : i32
        %mul3A_893 = arith.muli %add3A_852, %mul3A_892 : i32
        %get3A_894 = arith.constant 2 : i32
        %get3A_895 = arith.index_cast %get3A_894 : i32 to index
        %get3A_896 = arith.index_cast %mul3A_893 : i32 to index
        %get3A_897 = tpu.vector_load %arg9[%get3A_895, %get3A_896] {strides = array<i32>} : memref<8x1024xf32, #tpu.memory_space<vmem>>, vector<1x16xf32>,
        %get3A_898 = vector.shape_cast %get3A_897 : vector<1x16xf32> to vector<16xf32>
        %add3A_899 = arith.addf %get3A_898, %get3A_859 : vector<16xf32>
        %mul3A_900 = arith.constant 16 : i32
        %mul3A_901 = arith.muli %add3A_852, %mul3A_900 : i32
        %swap3A_902 = arith.constant 2 : i32
        %swap3A_903 = arith.index_cast %swap3A_902 : i32 to index
        %swap3A_904 = arith.index_cast %mul3A_901 : i32 to index
        %swap3A_905 = tpu.vector_load %arg11[%swap3A_903, %swap3A_904] {strides = array<i32>} : memref<8x1024xf32, #tpu.memory_space<vmem>>, vector<1x16xf32>,
        %swap3A_906 = vector.shape_cast %swap3A_905 : vector<1x16xf32> to vector<16xf32>
        %swap3A_907 = vector.shape_cast %add3A_899 : vector<16xf32> to vector<1x16xf32>
        tpu.vector_store %arg11[%swap3A_903, %swap3A_904], %swap3A_907 {strides = array<i32>} : memref<8x1024xf32, #tpu.memory_space<vmem>>, vector<1x16xf32>,
        %mul3A_908 = arith.constant 16 : i32
        %mul3A_909 = arith.muli %add3A_852, %mul3A_908 : i32
        %get3A_910 = arith.constant 3 : i32
        %get3A_911 = arith.index_cast %get3A_910 : i32 to index
        %get3A_912 = arith.index_cast %mul3A_909 : i32 to index
        %get3A_913 = tpu.vector_load %arg9[%get3A_911, %get3A_912] {strides = array<i32>} : memref<8x1024xf32, #tpu.memory_space<vmem>>, vector<1x16xf32>,
        %get3A_914 = vector.shape_cast %get3A_913 : vector<1x16xf32> to vector<16xf32>
        %add3A_915 = arith.addf %get3A_914, %get3A_859 : vector<16xf32>
        %mul3A_916 = arith.constant 16 : i32
        %mul3A_917 = arith.muli %add3A_852, %mul3A_916 : i32
        %swap3A_918 = arith.constant 3 : i32
        %swap3A_919 = arith.index_cast %swap3A_918 : i32 to index
        %swap3A_920 = arith.index_cast %mul3A_917 : i32 to index
        %swap3A_921 = tpu.vector_load %arg11[%swap3A_919, %swap3A_920] {strides = array<i32>} : memref<8x1024xf32, #tpu.memory_space<vmem>>, vector<1x16xf32>,
        %swap3A_922 = vector.shape_cast %swap3A_921 : vector<1x16xf32> to vector<16xf32>
        %swap3A_923 = vector.shape_cast %add3A_915 : vector<16xf32> to vector<1x16xf32>
        tpu.vector_store %arg11[%swap3A_919, %swap3A_920], %swap3A_923 {strides = array<i32>} : memref<8x1024xf32, #tpu.memory_space<vmem>>, vector<1x16xf32>,
        %mul3A_924 = arith.constant 16 : i32
        %mul3A_925 = arith.muli %add3A_852, %mul3A_924 : i32
        %get3A_926 = arith.constant 4 : i32
        %get3A_927 = arith.index_cast %get3A_926 : i32 to index
        %get3A_928 = arith.index_cast %mul3A_925 : i32 to index
        %get3A_929 = tpu.vector_load %arg9[%get3A_927, %get3A_928] {strides = array<i32>} : memref<8x1024xf32, #tpu.memory_space<vmem>>, vector<1x16xf32>,
        %get3A_930 = vector.shape_cast %get3A_929 : vector<1x16xf32> to vector<16xf32>
        %add3A_931 = arith.addf %get3A_930, %get3A_859 : vector<16xf32>
        %mul3A_932 = arith.constant 16 : i32
        %mul3A_933 = arith.muli %add3A_852, %mul3A_932 : i32
        %swap3A_934 = arith.constant 4 : i32
        %swap3A_935 = arith.index_cast %swap3A_934 : i32 to index
        %swap3A_936 = arith.index_cast %mul3A_933 : i32 to index
        %swap3A_937 = tpu.vector_load %arg11[%swap3A_935, %swap3A_936] {strides = array<i32>} : memref<8x1024xf32, #tpu.memory_space<vmem>>, vector<1x16xf32>,
        %swap3A_938 = vector.shape_cast %swap3A_937 : vector<1x16xf32> to vector<16xf32>
        %swap3A_939 = vector.shape_cast %add3A_931 : vector<16xf32> to vector<1x16xf32>
        tpu.vector_store %arg11[%swap3A_935, %swap3A_936], %swap3A_939 {strides = array<i32>} : memref<8x1024xf32, #tpu.memory_space<vmem>>, vector<1x16xf32>,
        %mul3A_940 = arith.constant 16 : i32
        %mul3A_941 = arith.muli %add3A_852, %mul3A_940 : i32
        %get3A_942 = arith.constant 5 : i32
        %get3A_943 = arith.index_cast %get3A_942 : i32 to index
        %get3A_944 = arith.index_cast %mul3A_941 : i32 to index
        %get3A_945 = tpu.vector_load %arg9[%get3A_943, %get3A_944] {strides = array<i32>} : memref<8x1024xf32, #tpu.memory_space<vmem>>, vector<1x16xf32>,
        %get3A_946 = vector.shape_cast %get3A_945 : vector<1x16xf32> to vector<16xf32>
        %add3A_947 = arith.addf %get3A_946, %get3A_859 : vector<16xf32>
        %mul3A_948 = arith.constant 16 : i32
        %mul3A_949 = arith.muli %add3A_852, %mul3A_948 : i32
        %swap3A_950 = arith.constant 5 : i32
        %swap3A_951 = arith.index_cast %swap3A_950 : i32 to index
        %swap3A_952 = arith.index_cast %mul3A_949 : i32 to index
        %swap3A_953 = tpu.vector_load %arg11[%swap3A_951, %swap3A_952] {strides = array<i32>} : memref<8x1024xf32, #tpu.memory_space<vmem>>, vector<1x16xf32>,
        %swap3A_954 = vector.shape_cast %swap3A_953 : vector<1x16xf32> to vector<16xf32>
        %swap3A_955 = vector.shape_cast %add3A_947 : vector<16xf32> to vector<1x16xf32>
        tpu.vector_store %arg11[%swap3A_951, %swap3A_952], %swap3A_955 {strides = array<i32>} : memref<8x1024xf32, #tpu.memory_space<vmem>>, vector<1x16xf32>,
        %mul3A_956 = arith.constant 16 : i32
        %mul3A_957 = arith.muli %add3A_852, %mul3A_956 : i32
        %get3A_958 = arith.constant 6 : i32
        %get3A_959 = arith.index_cast %get3A_958 : i32 to index
        %get3A_960 = arith.index_cast %mul3A_957 : i32 to index
        %get3A_961 = tpu.vector_load %arg9[%get3A_959, %get3A_960] {strides = array<i32>} : memref<8x1024xf32, #tpu.memory_space<vmem>>, vector<1x16xf32>,
        %get3A_962 = vector.shape_cast %get3A_961 : vector<1x16xf32> to vector<16xf32>
        %add3A_963 = arith.addf %get3A_962, %get3A_859 : vector<16xf32>
        %mul3A_964 = arith.constant 16 : i32
        %mul3A_965 = arith.muli %add3A_852, %mul3A_964 : i32
        %swap3A_966 = arith.constant 6 : i32
        %swap3A_967 = arith.index_cast %swap3A_966 : i32 to index
        %swap3A_968 = arith.index_cast %mul3A_965 : i32 to index
        %swap3A_969 = tpu.vector_load %arg11[%swap3A_967, %swap3A_968] {strides = array<i32>} : memref<8x1024xf32, #tpu.memory_space<vmem>>, vector<1x16xf32>,
        %swap3A_970 = vector.shape_cast %swap3A_969 : vector<1x16xf32> to vector<16xf32>
        %swap3A_971 = vector.shape_cast %add3A_963 : vector<16xf32> to vector<1x16xf32>
        tpu.vector_store %arg11[%swap3A_967, %swap3A_968], %swap3A_971 {strides = array<i32>} : memref<8x1024xf32, #tpu.memory_space<vmem>>, vector<1x16xf32>,
        %mul3A_972 = arith.constant 16 : i32
        %mul3A_973 = arith.muli %add3A_852, %mul3A_972 : i32
        %get3A_974 = arith.constant 7 : i32
        %get3A_975 = arith.index_cast %get3A_974 : i32 to index
        %get3A_976 = arith.index_cast %mul3A_973 : i32 to index
        %get3A_977 = tpu.vector_load %arg9[%get3A_975, %get3A_976] {strides = array<i32>} : memref<8x1024xf32, #tpu.memory_space<vmem>>, vector<1x16xf32>,
        %get3A_978 = vector.shape_cast %get3A_977 : vector<1x16xf32> to vector<16xf32>
        %add3A_979 = arith.addf %get3A_978, %get3A_859 : vector<16xf32>
        %mul3A_980 = arith.constant 16 : i32
        %mul3A_981 = arith.muli %add3A_852, %mul3A_980 : i32
        %swap3A_982 = arith.constant 7 : i32
        %swap3A_983 = arith.index_cast %swap3A_982 : i32 to index
        %swap3A_984 = arith.index_cast %mul3A_981 : i32 to index
        %swap3A_985 = tpu.vector_load %arg11[%swap3A_983, %swap3A_984] {strides = array<i32>} : memref<8x1024xf32, #tpu.memory_space<vmem>>, vector<1x16xf32>,
        %swap3A_986 = vector.shape_cast %swap3A_985 : vector<1x16xf32> to vector<16xf32>
        %swap3A_987 = vector.shape_cast %add3A_979 : vector<16xf32> to vector<1x16xf32>
        tpu.vector_store %arg11[%swap3A_983, %swap3A_984], %swap3A_987 {strides = array<i32>} : memref<8x1024xf32, #tpu.memory_space<vmem>>, vector<1x16xf32>,
        %scan3A_988 = arith.constant 6 : i32
        %scan3A_989 = arith.addi %scan3A_145, %scan3A_988 : i32
        %mul3A_990 = arith.constant 1 : i32
        %mul3A_991 = arith.muli %scan3A_989, %mul3A_990 : i32
        %add3A_992 = arith.constant 0 : i32
        %add3A_993 = arith.addi %add3A_992, %mul3A_991 : i32
        %mul3A_994 = arith.constant 16 : i32
        %mul3A_995 = arith.muli %add3A_993, %mul3A_994 : i32
        %get3A_996 = arith.constant 0 : i32
        %get3A_997 = arith.index_cast %get3A_996 : i32 to index
        %get3A_998 = arith.index_cast %mul3A_995 : i32 to index
        %get3A_999 = tpu.vector_load %arg7[%get3A_997, %get3A_998] {strides = array<i32>} : memref<1x1024xf32, #tpu.memory_space<vmem>>, vector<1x16xf32>,
        %get3A_1000 = vector.shape_cast %get3A_999 : vector<1x16xf32> to vector<16xf32>
        %mul3A_1001 = arith.constant 16 : i32
        %mul3A_1002 = arith.muli %add3A_993, %mul3A_1001 : i32
        %get3A_1003 = arith.constant 0 : i32
        %get3A_1004 = arith.index_cast %get3A_1003 : i32 to index
        %get3A_1005 = arith.index_cast %mul3A_1002 : i32 to index
        %get3A_1006 = tpu.vector_load %arg9[%get3A_1004, %get3A_1005] {strides = array<i32>} : memref<8x1024xf32, #tpu.memory_space<vmem>>, vector<1x16xf32>,
        %get3A_1007 = vector.shape_cast %get3A_1006 : vector<1x16xf32> to vector<16xf32>
        %add3A_1008 = arith.addf %get3A_1007, %get3A_1000 : vector<16xf32>
        %mul3A_1009 = arith.constant 16 : i32
        %mul3A_1010 = arith.muli %add3A_993, %mul3A_1009 : i32
        %swap3A_1011 = arith.constant 0 : i32
        %swap3A_1012 = arith.index_cast %swap3A_1011 : i32 to index
        %swap3A_1013 = arith.index_cast %mul3A_1010 : i32 to index
        %swap3A_1014 = tpu.vector_load %arg11[%swap3A_1012, %swap3A_1013] {strides = array<i32>} : memref<8x1024xf32, #tpu.memory_space<vmem>>, vector<1x16xf32>,
        %swap3A_1015 = vector.shape_cast %swap3A_1014 : vector<1x16xf32> to vector<16xf32>
        %swap3A_1016 = vector.shape_cast %add3A_1008 : vector<16xf32> to vector<1x16xf32>
        tpu.vector_store %arg11[%swap3A_1012, %swap3A_1013], %swap3A_1016 {strides = array<i32>} : memref<8x1024xf32, #tpu.memory_space<vmem>>, vector<1x16xf32>,
        %mul3A_1017 = arith.constant 16 : i32
        %mul3A_1018 = arith.muli %add3A_993, %mul3A_1017 : i32
        %get3A_1019 = arith.constant 1 : i32
        %get3A_1020 = arith.index_cast %get3A_1019 : i32 to index
        %get3A_1021 = arith.index_cast %mul3A_1018 : i32 to index
        %get3A_1022 = tpu.vector_load %arg9[%get3A_1020, %get3A_1021] {strides = array<i32>} : memref<8x1024xf32, #tpu.memory_space<vmem>>, vector<1x16xf32>,
        %get3A_1023 = vector.shape_cast %get3A_1022 : vector<1x16xf32> to vector<16xf32>
        %add3A_1024 = arith.addf %get3A_1023, %get3A_1000 : vector<16xf32>
        %mul3A_1025 = arith.constant 16 : i32
        %mul3A_1026 = arith.muli %add3A_993, %mul3A_1025 : i32
        %swap3A_1027 = arith.constant 1 : i32
        %swap3A_1028 = arith.index_cast %swap3A_1027 : i32 to index
        %swap3A_1029 = arith.index_cast %mul3A_1026 : i32 to index
        %swap3A_1030 = tpu.vector_load %arg11[%swap3A_1028, %swap3A_1029] {strides = array<i32>} : memref<8x1024xf32, #tpu.memory_space<vmem>>, vector<1x16xf32>,
        %swap3A_1031 = vector.shape_cast %swap3A_1030 : vector<1x16xf32> to vector<16xf32>
        %swap3A_1032 = vector.shape_cast %add3A_1024 : vector<16xf32> to vector<1x16xf32>
        tpu.vector_store %arg11[%swap3A_1028, %swap3A_1029], %swap3A_1032 {strides = array<i32>} : memref<8x1024xf32, #tpu.memory_space<vmem>>, vector<1x16xf32>,
        %mul3A_1033 = arith.constant 16 : i32
        %mul3A_1034 = arith.muli %add3A_993, %mul3A_1033 : i32
        %get3A_1035 = arith.constant 2 : i32
        %get3A_1036 = arith.index_cast %get3A_1035 : i32 to index
        %get3A_1037 = arith.index_cast %mul3A_1034 : i32 to index
        %get3A_1038 = tpu.vector_load %arg9[%get3A_1036, %get3A_1037] {strides = array<i32>} : memref<8x1024xf32, #tpu.memory_space<vmem>>, vector<1x16xf32>,
        %get3A_1039 = vector.shape_cast %get3A_1038 : vector<1x16xf32> to vector<16xf32>
        %add3A_1040 = arith.addf %get3A_1039, %get3A_1000 : vector<16xf32>
        %mul3A_1041 = arith.constant 16 : i32
        %mul3A_1042 = arith.muli %add3A_993, %mul3A_1041 : i32
        %swap3A_1043 = arith.constant 2 : i32
        %swap3A_1044 = arith.index_cast %swap3A_1043 : i32 to index
        %swap3A_1045 = arith.index_cast %mul3A_1042 : i32 to index
        %swap3A_1046 = tpu.vector_load %arg11[%swap3A_1044, %swap3A_1045] {strides = array<i32>} : memref<8x1024xf32, #tpu.memory_space<vmem>>, vector<1x16xf32>,
        %swap3A_1047 = vector.shape_cast %swap3A_1046 : vector<1x16xf32> to vector<16xf32>
        %swap3A_1048 = vector.shape_cast %add3A_1040 : vector<16xf32> to vector<1x16xf32>
        tpu.vector_store %arg11[%swap3A_1044, %swap3A_1045], %swap3A_1048 {strides = array<i32>} : memref<8x1024xf32, #tpu.memory_space<vmem>>, vector<1x16xf32>,
        %mul3A_1049 = arith.constant 16 : i32
        %mul3A_1050 = arith.muli %add3A_993, %mul3A_1049 : i32
        %get3A_1051 = arith.constant 3 : i32
        %get3A_1052 = arith.index_cast %get3A_1051 : i32 to index
        %get3A_1053 = arith.index_cast %mul3A_1050 : i32 to index
        %get3A_1054 = tpu.vector_load %arg9[%get3A_1052, %get3A_1053] {strides = array<i32>} : memref<8x1024xf32, #tpu.memory_space<vmem>>, vector<1x16xf32>,
        %get3A_1055 = vector.shape_cast %get3A_1054 : vector<1x16xf32> to vector<16xf32>
        %add3A_1056 = arith.addf %get3A_1055, %get3A_1000 : vector<16xf32>
        %mul3A_1057 = arith.constant 16 : i32
        %mul3A_1058 = arith.muli %add3A_993, %mul3A_1057 : i32
        %swap3A_1059 = arith.constant 3 : i32
        %swap3A_1060 = arith.index_cast %swap3A_1059 : i32 to index
        %swap3A_1061 = arith.index_cast %mul3A_1058 : i32 to index
        %swap3A_1062 = tpu.vector_load %arg11[%swap3A_1060, %swap3A_1061] {strides = array<i32>} : memref<8x1024xf32, #tpu.memory_space<vmem>>, vector<1x16xf32>,
        %swap3A_1063 = vector.shape_cast %swap3A_1062 : vector<1x16xf32> to vector<16xf32>
        %swap3A_1064 = vector.shape_cast %add3A_1056 : vector<16xf32> to vector<1x16xf32>
        tpu.vector_store %arg11[%swap3A_1060, %swap3A_1061], %swap3A_1064 {strides = array<i32>} : memref<8x1024xf32, #tpu.memory_space<vmem>>, vector<1x16xf32>,
        %mul3A_1065 = arith.constant 16 : i32
        %mul3A_1066 = arith.muli %add3A_993, %mul3A_1065 : i32
        %get3A_1067 = arith.constant 4 : i32
        %get3A_1068 = arith.index_cast %get3A_1067 : i32 to index
        %get3A_1069 = arith.index_cast %mul3A_1066 : i32 to index
        %get3A_1070 = tpu.vector_load %arg9[%get3A_1068, %get3A_1069] {strides = array<i32>} : memref<8x1024xf32, #tpu.memory_space<vmem>>, vector<1x16xf32>,
        %get3A_1071 = vector.shape_cast %get3A_1070 : vector<1x16xf32> to vector<16xf32>
        %add3A_1072 = arith.addf %get3A_1071, %get3A_1000 : vector<16xf32>
        %mul3A_1073 = arith.constant 16 : i32
        %mul3A_1074 = arith.muli %add3A_993, %mul3A_1073 : i32
        %swap3A_1075 = arith.constant 4 : i32
        %swap3A_1076 = arith.index_cast %swap3A_1075 : i32 to index
        %swap3A_1077 = arith.index_cast %mul3A_1074 : i32 to index
        %swap3A_1078 = tpu.vector_load %arg11[%swap3A_1076, %swap3A_1077] {strides = array<i32>} : memref<8x1024xf32, #tpu.memory_space<vmem>>, vector<1x16xf32>,
        %swap3A_1079 = vector.shape_cast %swap3A_1078 : vector<1x16xf32> to vector<16xf32>
        %swap3A_1080 = vector.shape_cast %add3A_1072 : vector<16xf32> to vector<1x16xf32>
        tpu.vector_store %arg11[%swap3A_1076, %swap3A_1077], %swap3A_1080 {strides = array<i32>} : memref<8x1024xf32, #tpu.memory_space<vmem>>, vector<1x16xf32>,
        %mul3A_1081 = arith.constant 16 : i32
        %mul3A_1082 = arith.muli %add3A_993, %mul3A_1081 : i32
        %get3A_1083 = arith.constant 5 : i32
        %get3A_1084 = arith.index_cast %get3A_1083 : i32 to index
        %get3A_1085 = arith.index_cast %mul3A_1082 : i32 to index
        %get3A_1086 = tpu.vector_load %arg9[%get3A_1084, %get3A_1085] {strides = array<i32>} : memref<8x1024xf32, #tpu.memory_space<vmem>>, vector<1x16xf32>,
        %get3A_1087 = vector.shape_cast %get3A_1086 : vector<1x16xf32> to vector<16xf32>
        %add3A_1088 = arith.addf %get3A_1087, %get3A_1000 : vector<16xf32>
        %mul3A_1089 = arith.constant 16 : i32
        %mul3A_1090 = arith.muli %add3A_993, %mul3A_1089 : i32
        %swap3A_1091 = arith.constant 5 : i32
        %swap3A_1092 = arith.index_cast %swap3A_1091 : i32 to index
        %swap3A_1093 = arith.index_cast %mul3A_1090 : i32 to index
        %swap3A_1094 = tpu.vector_load %arg11[%swap3A_1092, %swap3A_1093] {strides = array<i32>} : memref<8x1024xf32, #tpu.memory_space<vmem>>, vector<1x16xf32>,
        %swap3A_1095 = vector.shape_cast %swap3A_1094 : vector<1x16xf32> to vector<16xf32>
        %swap3A_1096 = vector.shape_cast %add3A_1088 : vector<16xf32> to vector<1x16xf32>
        tpu.vector_store %arg11[%swap3A_1092, %swap3A_1093], %swap3A_1096 {strides = array<i32>} : memref<8x1024xf32, #tpu.memory_space<vmem>>, vector<1x16xf32>,
        %mul3A_1097 = arith.constant 16 : i32
        %mul3A_1098 = arith.muli %add3A_993, %mul3A_1097 : i32
        %get3A_1099 = arith.constant 6 : i32
        %get3A_1100 = arith.index_cast %get3A_1099 : i32 to index
        %get3A_1101 = arith.index_cast %mul3A_1098 : i32 to index
        %get3A_1102 = tpu.vector_load %arg9[%get3A_1100, %get3A_1101] {strides = array<i32>} : memref<8x1024xf32, #tpu.memory_space<vmem>>, vector<1x16xf32>,
        %get3A_1103 = vector.shape_cast %get3A_1102 : vector<1x16xf32> to vector<16xf32>
        %add3A_1104 = arith.addf %get3A_1103, %get3A_1000 : vector<16xf32>
        %mul3A_1105 = arith.constant 16 : i32
        %mul3A_1106 = arith.muli %add3A_993, %mul3A_1105 : i32
        %swap3A_1107 = arith.constant 6 : i32
        %swap3A_1108 = arith.index_cast %swap3A_1107 : i32 to index
        %swap3A_1109 = arith.index_cast %mul3A_1106 : i32 to index
        %swap3A_1110 = tpu.vector_load %arg11[%swap3A_1108, %swap3A_1109] {strides = array<i32>} : memref<8x1024xf32, #tpu.memory_space<vmem>>, vector<1x16xf32>,
        %swap3A_1111 = vector.shape_cast %swap3A_1110 : vector<1x16xf32> to vector<16xf32>
        %swap3A_1112 = vector.shape_cast %add3A_1104 : vector<16xf32> to vector<1x16xf32>
        tpu.vector_store %arg11[%swap3A_1108, %swap3A_1109], %swap3A_1112 {strides = array<i32>} : memref<8x1024xf32, #tpu.memory_space<vmem>>, vector<1x16xf32>,
        %mul3A_1113 = arith.constant 16 : i32
        %mul3A_1114 = arith.muli %add3A_993, %mul3A_1113 : i32
        %get3A_1115 = arith.constant 7 : i32
        %get3A_1116 = arith.index_cast %get3A_1115 : i32 to index
        %get3A_1117 = arith.index_cast %mul3A_1114 : i32 to index
        %get3A_1118 = tpu.vector_load %arg9[%get3A_1116, %get3A_1117] {strides = array<i32>} : memref<8x1024xf32, #tpu.memory_space<vmem>>, vector<1x16xf32>,
        %get3A_1119 = vector.shape_cast %get3A_1118 : vector<1x16xf32> to vector<16xf32>
        %add3A_1120 = arith.addf %get3A_1119, %get3A_1000 : vector<16xf32>
        %mul3A_1121 = arith.constant 16 : i32
        %mul3A_1122 = arith.muli %add3A_993, %mul3A_1121 : i32
        %swap3A_1123 = arith.constant 7 : i32
        %swap3A_1124 = arith.index_cast %swap3A_1123 : i32 to index
        %swap3A_1125 = arith.index_cast %mul3A_1122 : i32 to index
        %swap3A_1126 = tpu.vector_load %arg11[%swap3A_1124, %swap3A_1125] {strides = array<i32>} : memref<8x1024xf32, #tpu.memory_space<vmem>>, vector<1x16xf32>,
        %swap3A_1127 = vector.shape_cast %swap3A_1126 : vector<1x16xf32> to vector<16xf32>
        %swap3A_1128 = vector.shape_cast %add3A_1120 : vector<16xf32> to vector<1x16xf32>
        tpu.vector_store %arg11[%swap3A_1124, %swap3A_1125], %swap3A_1128 {strides = array<i32>} : memref<8x1024xf32, #tpu.memory_space<vmem>>, vector<1x16xf32>,
        %scan3A_1129 = arith.constant 7 : i32
        %scan3A_1130 = arith.addi %scan3A_145, %scan3A_1129 : i32
        %mul3A_1131 = arith.constant 1 : i32
        %mul3A_1132 = arith.muli %scan3A_1130, %mul3A_1131 : i32
        %add3A_1133 = arith.constant 0 : i32
        %add3A_1134 = arith.addi %add3A_1133, %mul3A_1132 : i32
        %mul3A_1135 = arith.constant 16 : i32
        %mul3A_1136 = arith.muli %add3A_1134, %mul3A_1135 : i32
        %get3A_1137 = arith.constant 0 : i32
        %get3A_1138 = arith.index_cast %get3A_1137 : i32 to index
        %get3A_1139 = arith.index_cast %mul3A_1136 : i32 to index
        %get3A_1140 = tpu.vector_load %arg7[%get3A_1138, %get3A_1139] {strides = array<i32>} : memref<1x1024xf32, #tpu.memory_space<vmem>>, vector<1x16xf32>,
        %get3A_1141 = vector.shape_cast %get3A_1140 : vector<1x16xf32> to vector<16xf32>
        %mul3A_1142 = arith.constant 16 : i32
        %mul3A_1143 = arith.muli %add3A_1134, %mul3A_1142 : i32
        %get3A_1144 = arith.constant 0 : i32
        %get3A_1145 = arith.index_cast %get3A_1144 : i32 to index
        %get3A_1146 = arith.index_cast %mul3A_1143 : i32 to index
        %get3A_1147 = tpu.vector_load %arg9[%get3A_1145, %get3A_1146] {strides = array<i32>} : memref<8x1024xf32, #tpu.memory_space<vmem>>, vector<1x16xf32>,
        %get3A_1148 = vector.shape_cast %get3A_1147 : vector<1x16xf32> to vector<16xf32>
        %add3A_1149 = arith.addf %get3A_1148, %get3A_1141 : vector<16xf32>
        %mul3A_1150 = arith.constant 16 : i32
        %mul3A_1151 = arith.muli %add3A_1134, %mul3A_1150 : i32
        %swap3A_1152 = arith.constant 0 : i32
        %swap3A_1153 = arith.index_cast %swap3A_1152 : i32 to index
        %swap3A_1154 = arith.index_cast %mul3A_1151 : i32 to index
        %swap3A_1155 = tpu.vector_load %arg11[%swap3A_1153, %swap3A_1154] {strides = array<i32>} : memref<8x1024xf32, #tpu.memory_space<vmem>>, vector<1x16xf32>,
        %swap3A_1156 = vector.shape_cast %swap3A_1155 : vector<1x16xf32> to vector<16xf32>
        %swap3A_1157 = vector.shape_cast %add3A_1149 : vector<16xf32> to vector<1x16xf32>
        tpu.vector_store %arg11[%swap3A_1153, %swap3A_1154], %swap3A_1157 {strides = array<i32>} : memref<8x1024xf32, #tpu.memory_space<vmem>>, vector<1x16xf32>,
        %mul3A_1158 = arith.constant 16 : i32
        %mul3A_1159 = arith.muli %add3A_1134, %mul3A_1158 : i32
        %get3A_1160 = arith.constant 1 : i32
        %get3A_1161 = arith.index_cast %get3A_1160 : i32 to index
        %get3A_1162 = arith.index_cast %mul3A_1159 : i32 to index
        %get3A_1163 = tpu.vector_load %arg9[%get3A_1161, %get3A_1162] {strides = array<i32>} : memref<8x1024xf32, #tpu.memory_space<vmem>>, vector<1x16xf32>,
        %get3A_1164 = vector.shape_cast %get3A_1163 : vector<1x16xf32> to vector<16xf32>
        %add3A_1165 = arith.addf %get3A_1164, %get3A_1141 : vector<16xf32>
        %mul3A_1166 = arith.constant 16 : i32
        %mul3A_1167 = arith.muli %add3A_1134, %mul3A_1166 : i32
        %swap3A_1168 = arith.constant 1 : i32
        %swap3A_1169 = arith.index_cast %swap3A_1168 : i32 to index
        %swap3A_1170 = arith.index_cast %mul3A_1167 : i32 to index
        %swap3A_1171 = tpu.vector_load %arg11[%swap3A_1169, %swap3A_1170] {strides = array<i32>} : memref<8x1024xf32, #tpu.memory_space<vmem>>, vector<1x16xf32>,
        %swap3A_1172 = vector.shape_cast %swap3A_1171 : vector<1x16xf32> to vector<16xf32>
        %swap3A_1173 = vector.shape_cast %add3A_1165 : vector<16xf32> to vector<1x16xf32>
        tpu.vector_store %arg11[%swap3A_1169, %swap3A_1170], %swap3A_1173 {strides = array<i32>} : memref<8x1024xf32, #tpu.memory_space<vmem>>, vector<1x16xf32>,
        %mul3A_1174 = arith.constant 16 : i32
        %mul3A_1175 = arith.muli %add3A_1134, %mul3A_1174 : i32
        %get3A_1176 = arith.constant 2 : i32
        %get3A_1177 = arith.index_cast %get3A_1176 : i32 to index
        %get3A_1178 = arith.index_cast %mul3A_1175 : i32 to index
        %get3A_1179 = tpu.vector_load %arg9[%get3A_1177, %get3A_1178] {strides = array<i32>} : memref<8x1024xf32, #tpu.memory_space<vmem>>, vector<1x16xf32>,
        %get3A_1180 = vector.shape_cast %get3A_1179 : vector<1x16xf32> to vector<16xf32>
        %add3A_1181 = arith.addf %get3A_1180, %get3A_1141 : vector<16xf32>
        %mul3A_1182 = arith.constant 16 : i32
        %mul3A_1183 = arith.muli %add3A_1134, %mul3A_1182 : i32
        %swap3A_1184 = arith.constant 2 : i32
        %swap3A_1185 = arith.index_cast %swap3A_1184 : i32 to index
        %swap3A_1186 = arith.index_cast %mul3A_1183 : i32 to index
        %swap3A_1187 = tpu.vector_load %arg11[%swap3A_1185, %swap3A_1186] {strides = array<i32>} : memref<8x1024xf32, #tpu.memory_space<vmem>>, vector<1x16xf32>,
        %swap3A_1188 = vector.shape_cast %swap3A_1187 : vector<1x16xf32> to vector<16xf32>
        %swap3A_1189 = vector.shape_cast %add3A_1181 : vector<16xf32> to vector<1x16xf32>
        tpu.vector_store %arg11[%swap3A_1185, %swap3A_1186], %swap3A_1189 {strides = array<i32>} : memref<8x1024xf32, #tpu.memory_space<vmem>>, vector<1x16xf32>,
        %mul3A_1190 = arith.constant 16 : i32
        %mul3A_1191 = arith.muli %add3A_1134, %mul3A_1190 : i32
        %get3A_1192 = arith.constant 3 : i32
        %get3A_1193 = arith.index_cast %get3A_1192 : i32 to index
        %get3A_1194 = arith.index_cast %mul3A_1191 : i32 to index
        %get3A_1195 = tpu.vector_load %arg9[%get3A_1193, %get3A_1194] {strides = array<i32>} : memref<8x1024xf32, #tpu.memory_space<vmem>>, vector<1x16xf32>,
        %get3A_1196 = vector.shape_cast %get3A_1195 : vector<1x16xf32> to vector<16xf32>
        %add3A_1197 = arith.addf %get3A_1196, %get3A_1141 : vector<16xf32>
        %mul3A_1198 = arith.constant 16 : i32
        %mul3A_1199 = arith.muli %add3A_1134, %mul3A_1198 : i32
        %swap3A_1200 = arith.constant 3 : i32
        %swap3A_1201 = arith.index_cast %swap3A_1200 : i32 to index
        %swap3A_1202 = arith.index_cast %mul3A_1199 : i32 to index
        %swap3A_1203 = tpu.vector_load %arg11[%swap3A_1201, %swap3A_1202] {strides = array<i32>} : memref<8x1024xf32, #tpu.memory_space<vmem>>, vector<1x16xf32>,
        %swap3A_1204 = vector.shape_cast %swap3A_1203 : vector<1x16xf32> to vector<16xf32>
        %swap3A_1205 = vector.shape_cast %add3A_1197 : vector<16xf32> to vector<1x16xf32>
        tpu.vector_store %arg11[%swap3A_1201, %swap3A_1202], %swap3A_1205 {strides = array<i32>} : memref<8x1024xf32, #tpu.memory_space<vmem>>, vector<1x16xf32>,
        %mul3A_1206 = arith.constant 16 : i32
        %mul3A_1207 = arith.muli %add3A_1134, %mul3A_1206 : i32
        %get3A_1208 = arith.constant 4 : i32
        %get3A_1209 = arith.index_cast %get3A_1208 : i32 to index
        %get3A_1210 = arith.index_cast %mul3A_1207 : i32 to index
        %get3A_1211 = tpu.vector_load %arg9[%get3A_1209, %get3A_1210] {strides = array<i32>} : memref<8x1024xf32, #tpu.memory_space<vmem>>, vector<1x16xf32>,
        %get3A_1212 = vector.shape_cast %get3A_1211 : vector<1x16xf32> to vector<16xf32>
        %add3A_1213 = arith.addf %get3A_1212, %get3A_1141 : vector<16xf32>
        %mul3A_1214 = arith.constant 16 : i32
        %mul3A_1215 = arith.muli %add3A_1134, %mul3A_1214 : i32
        %swap3A_1216 = arith.constant 4 : i32
        %swap3A_1217 = arith.index_cast %swap3A_1216 : i32 to index
        %swap3A_1218 = arith.index_cast %mul3A_1215 : i32 to index
        %swap3A_1219 = tpu.vector_load %arg11[%swap3A_1217, %swap3A_1218] {strides = array<i32>} : memref<8x1024xf32, #tpu.memory_space<vmem>>, vector<1x16xf32>,
        %swap3A_1220 = vector.shape_cast %swap3A_1219 : vector<1x16xf32> to vector<16xf32>
        %swap3A_1221 = vector.shape_cast %add3A_1213 : vector<16xf32> to vector<1x16xf32>
        tpu.vector_store %arg11[%swap3A_1217, %swap3A_1218], %swap3A_1221 {strides = array<i32>} : memref<8x1024xf32, #tpu.memory_space<vmem>>, vector<1x16xf32>,
        %mul3A_1222 = arith.constant 16 : i32
        %mul3A_1223 = arith.muli %add3A_1134, %mul3A_1222 : i32
        %get3A_1224 = arith.constant 5 : i32
        %get3A_1225 = arith.index_cast %get3A_1224 : i32 to index
        %get3A_1226 = arith.index_cast %mul3A_1223 : i32 to index
        %get3A_1227 = tpu.vector_load %arg9[%get3A_1225, %get3A_1226] {strides = array<i32>} : memref<8x1024xf32, #tpu.memory_space<vmem>>, vector<1x16xf32>,
        %get3A_1228 = vector.shape_cast %get3A_1227 : vector<1x16xf32> to vector<16xf32>
        %add3A_1229 = arith.addf %get3A_1228, %get3A_1141 : vector<16xf32>
        %mul3A_1230 = arith.constant 16 : i32
        %mul3A_1231 = arith.muli %add3A_1134, %mul3A_1230 : i32
        %swap3A_1232 = arith.constant 5 : i32
        %swap3A_1233 = arith.index_cast %swap3A_1232 : i32 to index
        %swap3A_1234 = arith.index_cast %mul3A_1231 : i32 to index
        %swap3A_1235 = tpu.vector_load %arg11[%swap3A_1233, %swap3A_1234] {strides = array<i32>} : memref<8x1024xf32, #tpu.memory_space<vmem>>, vector<1x16xf32>,
        %swap3A_1236 = vector.shape_cast %swap3A_1235 : vector<1x16xf32> to vector<16xf32>
        %swap3A_1237 = vector.shape_cast %add3A_1229 : vector<16xf32> to vector<1x16xf32>
        tpu.vector_store %arg11[%swap3A_1233, %swap3A_1234], %swap3A_1237 {strides = array<i32>} : memref<8x1024xf32, #tpu.memory_space<vmem>>, vector<1x16xf32>,
        %mul3A_1238 = arith.constant 16 : i32
        %mul3A_1239 = arith.muli %add3A_1134, %mul3A_1238 : i32
        %get3A_1240 = arith.constant 6 : i32
        %get3A_1241 = arith.index_cast %get3A_1240 : i32 to index
        %get3A_1242 = arith.index_cast %mul3A_1239 : i32 to index
        %get3A_1243 = tpu.vector_load %arg9[%get3A_1241, %get3A_1242] {strides = array<i32>} : memref<8x1024xf32, #tpu.memory_space<vmem>>, vector<1x16xf32>,
        %get3A_1244 = vector.shape_cast %get3A_1243 : vector<1x16xf32> to vector<16xf32>
        %add3A_1245 = arith.addf %get3A_1244, %get3A_1141 : vector<16xf32>
        %mul3A_1246 = arith.constant 16 : i32
        %mul3A_1247 = arith.muli %add3A_1134, %mul3A_1246 : i32
        %swap3A_1248 = arith.constant 6 : i32
        %swap3A_1249 = arith.index_cast %swap3A_1248 : i32 to index
        %swap3A_1250 = arith.index_cast %mul3A_1247 : i32 to index
        %swap3A_1251 = tpu.vector_load %arg11[%swap3A_1249, %swap3A_1250] {strides = array<i32>} : memref<8x1024xf32, #tpu.memory_space<vmem>>, vector<1x16xf32>,
        %swap3A_1252 = vector.shape_cast %swap3A_1251 : vector<1x16xf32> to vector<16xf32>
        %swap3A_1253 = vector.shape_cast %add3A_1245 : vector<16xf32> to vector<1x16xf32>
        tpu.vector_store %arg11[%swap3A_1249, %swap3A_1250], %swap3A_1253 {strides = array<i32>} : memref<8x1024xf32, #tpu.memory_space<vmem>>, vector<1x16xf32>,
        %mul3A_1254 = arith.constant 16 : i32
        %mul3A_1255 = arith.muli %add3A_1134, %mul3A_1254 : i32
        %get3A_1256 = arith.constant 7 : i32
        %get3A_1257 = arith.index_cast %get3A_1256 : i32 to index
        %get3A_1258 = arith.index_cast %mul3A_1255 : i32 to index
        %get3A_1259 = tpu.vector_load %arg9[%get3A_1257, %get3A_1258] {strides = array<i32>} : memref<8x1024xf32, #tpu.memory_space<vmem>>, vector<1x16xf32>,
        %get3A_1260 = vector.shape_cast %get3A_1259 : vector<1x16xf32> to vector<16xf32>
        %add3A_1261 = arith.addf %get3A_1260, %get3A_1141 : vector<16xf32>
        %mul3A_1262 = arith.constant 16 : i32
        %mul3A_1263 = arith.muli %add3A_1134, %mul3A_1262 : i32
        %swap3A_1264 = arith.constant 7 : i32
        %swap3A_1265 = arith.index_cast %swap3A_1264 : i32 to index
        %swap3A_1266 = arith.index_cast %mul3A_1263 : i32 to index
        %swap3A_1267 = tpu.vector_load %arg11[%swap3A_1265, %swap3A_1266] {strides = array<i32>} : memref<8x1024xf32, #tpu.memory_space<vmem>>, vector<1x16xf32>,
        %swap3A_1268 = vector.shape_cast %swap3A_1267 : vector<1x16xf32> to vector<16xf32>
        %swap3A_1269 = vector.shape_cast %add3A_1261 : vector<16xf32> to vector<1x16xf32>
        tpu.vector_store %arg11[%swap3A_1265, %swap3A_1266], %swap3A_1269 {strides = array<i32>} : memref<8x1024xf32, #tpu.memory_space<vmem>>, vector<1x16xf32>,
      }
      %scan3A_128 = arith.constant 64 : i32
      %mul3A_129 = arith.constant 8 : i32
      %mul3A_130 = arith.muli %add3A_112, %mul3A_129 : i32
      %add3A_131 = arith.addi %mul3A_32, %mul3A_130 : i32
      %dma_start3A_132 = arith.constant 0 : i32
      %dma_start3A_133 = tpu.memref_slice %arg5[%select_n3A, %add3A_131, %dma_start3A_132] : memref<4x2048x1024xf32, #tpu.memory_space<hbm>> -> memref<1x8x1024xf32, #tpu.memory_space<hbm>>
      %dma_start3A_134 = tpu.memref_squeeze %dma_start3A_133 : memref<1x8x1024xf32, #tpu.memory_space<hbm>> -> memref<8x1024xf32, #tpu.memory_space<hbm>>
      %dma_start3A_135 = arith.constant 0 : i32
      %dma_start3A_136 = tpu.memref_slice %arg5[%select_n3A, %add3A_131, %dma_start3A_135] : memref<4x2048x1024xf32, #tpu.memory_space<hbm>> -> memref<1x8x1024xf32, #tpu.memory_space<hbm>>
      %dma_start3A_137 = tpu.memref_squeeze %dma_start3A_136 : memref<1x8x1024xf32, #tpu.memory_space<hbm>> -> memref<8x1024xf32, #tpu.memory_space<hbm>>
      tpu.enqueue_dma source(%arg11 : memref<8x1024xf32, #tpu.memory_space<vmem>>) target(%dma_start3A_137 : memref<8x1024xf32, #tpu.memory_space<hbm>>) target_semaphore(%arg16 : memref<!tpu.dma_semaphore, #tpu.memory_space<semaphore_mem>>)
      %add3A_138 = arith.constant 2 : i32
      %add3A_139 = arith.addi %add3A_112, %add3A_138 : i32
      %lt3A_140 = arith.constant 32 : i32
      %lt3A_141 = arith.cmpi slt, %add3A_139, %lt3A_140 : i32
      %convert_element_type3A_142 = arith.extui %lt3A_141 : i1 to i32
      %cond3A_143 = arith.constant 0 : i32
      %cond3A_144 = arith.cmpi ne, %convert_element_type3A_142, %cond3A_143 : i32
      scf.if %cond3A_144 {
        %add3A_145 = arith.constant 2 : i32
        %add3A_146 = arith.addi %add3A_112, %add3A_145 : i32
        %mul3A_147 = arith.constant 8 : i32
        %mul3A_148 = arith.muli %add3A_146, %mul3A_147 : i32
        %add3A_149 = arith.addi %mul3A_32, %mul3A_148 : i32
        %dma_start3A_150 = arith.constant 0 : i32
        %dma_start3A_151 = tpu.memref_slice %arg2[%add3A_34, %add3A_149, %dma_start3A_150] : memref<32x2048x1024xf32, #tpu.memory_space<hbm>> -> memref<1x8x1024xf32, #tpu.memory_space<hbm>>
        %dma_start3A_152 = tpu.memref_squeeze %dma_start3A_151 : memref<1x8x1024xf32, #tpu.memory_space<hbm>> -> memref<8x1024xf32, #tpu.memory_space<hbm>>
        %dma_start3A_153 = arith.constant 0 : i32
        %dma_start3A_154 = tpu.memref_slice %arg2[%add3A_34, %add3A_149, %dma_start3A_153] : memref<32x2048x1024xf32, #tpu.memory_space<hbm>> -> memref<1x8x1024xf32, #tpu.memory_space<hbm>>
        %dma_start3A_155 = tpu.memref_squeeze %dma_start3A_154 : memref<1x8x1024xf32, #tpu.memory_space<hbm>> -> memref<8x1024xf32, #tpu.memory_space<hbm>>
        tpu.enqueue_dma source(%dma_start3A_155 : memref<8x1024xf32, #tpu.memory_space<hbm>>) target(%arg9 : memref<8x1024xf32, #tpu.memory_space<vmem>>) target_semaphore(%arg14 : memref<!tpu.dma_semaphore, #tpu.memory_space<semaphore_mem>>)
      } else {
      }
    }
    %scan3A_62 = arith.constant 16 : i32
    %dma_wait3A_63 = arith.constant 0 : i32
    %dma_wait3A_64 = tpu.memref_slice %arg5[%select_n3A, %mul3A_32, %dma_wait3A_63] : memref<4x2048x1024xf32, #tpu.memory_space<hbm>> -> memref<1x8x1024xf32, #tpu.memory_space<hbm>>
    %dma_wait3A_65 = tpu.memref_squeeze %dma_wait3A_64 : memref<1x8x1024xf32, #tpu.memory_space<hbm>> -> memref<8x1024xf32, #tpu.memory_space<hbm>>
    %dma_wait3A_66 = arith.constant 0 : i32
    %dma_wait3A_67 = tpu.memref_slice %arg5[%select_n3A, %mul3A_32, %dma_wait3A_66] : memref<4x2048x1024xf32, #tpu.memory_space<hbm>> -> memref<1x8x1024xf32, #tpu.memory_space<hbm>>
    %dma_wait3A_68 = tpu.memref_squeeze %dma_wait3A_67 : memref<1x8x1024xf32, #tpu.memory_space<hbm>> -> memref<8x1024xf32, #tpu.memory_space<hbm>>
    tpu.wait_dma2 semaphore(%arg15 : memref<!tpu.dma_semaphore, #tpu.memory_space<semaphore_mem>>) src(%arg10 : memref<8x1024xf32, #tpu.memory_space<vmem>>) dst(%dma_wait3A_68 : memref<8x1024xf32, #tpu.memory_space<hbm>>)
    %dma_wait3A_69 = arith.constant 0 : i32
    %dma_wait3A_70 = tpu.memref_slice %arg5[%select_n3A, %mul3A_32, %dma_wait3A_69] : memref<4x2048x1024xf32, #tpu.memory_space<hbm>> -> memref<1x8x1024xf32, #tpu.memory_space<hbm>>
    %dma_wait3A_71 = tpu.memref_squeeze %dma_wait3A_70 : memref<1x8x1024xf32, #tpu.memory_space<hbm>> -> memref<8x1024xf32, #tpu.memory_space<hbm>>
    %dma_wait3A_72 = arith.constant 0 : i32
    %dma_wait3A_73 = tpu.memref_slice %arg5[%select_n3A, %mul3A_32, %dma_wait3A_72] : memref<4x2048x1024xf32, #tpu.memory_space<hbm>> -> memref<1x8x1024xf32, #tpu.memory_space<hbm>>
    %dma_wait3A_74 = tpu.memref_squeeze %dma_wait3A_73 : memref<1x8x1024xf32, #tpu.memory_space<hbm>> -> memref<8x1024xf32, #tpu.memory_space<hbm>>
    tpu.wait_dma2 semaphore(%arg16 : memref<!tpu.dma_semaphore, #tpu.memory_space<semaphore_mem>>) src(%arg11 : memref<8x1024xf32, #tpu.memory_space<vmem>>) dst(%dma_wait3A_74 : memref<8x1024xf32, #tpu.memory_space<hbm>>)
    return
  }
}

module attributes {stable_mosaic.version = 14 : i64} {
  func.func @_tc_body(%arg0: i32, %arg1: i32, %arg2: memref<32xi32, #tpu.memory_space<smem>>, %arg3: memref<1x2048x1024xf32, #tpu.memory_space<vmem>>, %arg4: memref<1x1x1024xf32, #tpu.memory_space<vmem>>, %arg5: memref<1x2048x1024xf32, #tpu.memory_space<vmem>>) attributes {dimension_semantics = [#tpu.dimension_semantics<arbitrary>, #tpu.dimension_semantics<arbitrary>], iteration_bounds = array<i64: 28, 1>, scalar_prefetch = 1 : i64, scratch_operands = 0 : i64, tpu.core_type = #tpu.core_type<tc>, window_params = [{transform_indices = @transform_0, window_bounds = array<i64: 1, 2048, 1024>}, {transform_indices = @transform_1, window_bounds = array<i64: 1, 1, 1024>}, {transform_indices = @transform_2, window_bounds = array<i64: 1, 2048, 1024>}]} {
    %get3A = arith.constant 0 : index
    %get3A_0 = arith.constant 0 : index
    %get3A_1 = arith.constant 0 : index
    %get3A_2 = vector.load %arg3[%get3A, %get3A_0, %get3A_1] : memref<1x2048x1024xf32, #tpu.memory_space<vmem>>, vector<1x2048x1024xf32>
    %get3A_3 = arith.constant 0 : index
    %get3A_4 = arith.constant 0 : index
    %get3A_5 = arith.constant 0 : index
    %get3A_6 = vector.load %arg4[%get3A_3, %get3A_4, %get3A_5] : memref<1x1x1024xf32, #tpu.memory_space<vmem>>, vector<1x1x1024xf32>
    %get3A_7 = vector.shape_cast %get3A_6 : vector<1x1x1024xf32> to vector<1x1024xf32>
    %broadcast_in_dim3A = vector.shape_cast %get3A_7 : vector<1x1024xf32> to vector<1x1x1024xf32>
    %add3A = vector.broadcast %broadcast_in_dim3A : vector<1x1x1024xf32> to vector<1x2048x1024xf32>
    %add3A_8 = arith.addf %get3A_2, %add3A : vector<1x2048x1024xf32>
    %swap3A = arith.constant 0 : index
    %swap3A_9 = arith.constant 0 : index
    %swap3A_10 = arith.constant 0 : index
    %swap3A_11 = vector.load %arg5[%swap3A, %swap3A_9, %swap3A_10] : memref<1x2048x1024xf32, #tpu.memory_space<vmem>>, vector<1x2048x1024xf32>
    tpu.vector_store %arg5[%swap3A, %swap3A_9, %swap3A_10], %add3A_8 {strides = array<i32>} : memref<1x2048x1024xf32, #tpu.memory_space<vmem>>, vector<1x2048x1024xf32>,
    return
  }
  func.func @transform_0(%arg0: i32, %arg1: i32, %arg2: memref<32xi32, #tpu.memory_space<smem>>) -> (i32, i32, i32) {
    %c0_i32 = arith.constant 0 : i32
    %c0_i32_0 = arith.constant 0 : i32
    return %arg0, %arg1, %c0_i32 : i32, i32, i32
  }
  func.func @transform_1(%arg0: i32, %arg1: i32, %arg2: memref<32xi32, #tpu.memory_space<smem>>) -> (i32, i32, i32) {
    %get3A = arith.index_cast %arg0 : i32 to index
    %get3A_0 = memref.load %arg2[%get3A] : memref<32xi32, #tpu.memory_space<smem>>
    %jit3A = arith.constant 0 : i32
    %jit3A_1 = arith.constant 63 : i32
    %max3A = arith.maxsi %jit3A, %get3A_0 : i32
    %min3A = arith.minsi %jit3A_1, %max3A : i32
    %c0_i32 = arith.constant 0 : i32
    %c0_i32_2 = arith.constant 0 : i32
    %c0_i32_3 = arith.constant 0 : i32
    return %min3A, %c0_i32, %c0_i32_2 : i32, i32, i32
  }
  func.func @transform_2(%arg0: i32, %arg1: i32, %arg2: memref<32xi32, #tpu.memory_space<smem>>) -> (i32, i32, i32) {
    %c0_i32 = arith.constant 0 : i32
    %c0_i32_0 = arith.constant 0 : i32
    return %arg0, %arg1, %c0_i32 : i32, i32, i32
  }
}

</mosaic_0001>

<sc_bundles>
// kernel: kernel.4.cloned.1.call-start
scs
__scs_entry_jumppad:
0x0: {  	(pc) =	sbr.rel $0x88, $3  }
0x1: {  	(tag) =	ssettag $0x0;
	lr =	simm.s32 $0x1  }
0x2: {  	[smem:$0x3F9E] =	sst lr;
	_ =	strace $0xD0000000  }
0x3: {  	_ = 	snop  }
0x4: {  	_ = 	snop  }
0x5: {  	_ = 	snop  }
0x6: {  	_ = 	snop  }
0x7: {  	_ = 	snop  }
__scs_overlays_trampoline_lowered:
0x8: {  	[smem:$0x3FAD] =	sst s0  }
0x9: {  	[smem:$0x3FAE] =	sst s1  }
0xa: {  	[smem:$0x3FAF] =	sst s2  }
0xb: {  	[smem:$0x3FB0] =	sst s3  }
0xc: {  	[smem:$0x3FB1] =	sst s4  }
0xd: {  	[smem:$0x3FB2] =	sst s5  }
0xe: {  	[smem:$0x3FB3] =	sst s6  }
0xf: {  	[smem:$0x3FB4] =	sst s7  }
0x10: {  	[smem:$0x3FB5] =	sst s8  }
0x11: {  	[smem:$0x3FB6] =	sst s9;
	s0 =	simm.s32 @!p0 $0x0  }
0x12: {  	s1 =	sld [smem:$0x3F9C];
	s0 =	simm.s32 @p0 $0x1  }
0x13: {  	[smem:$0x3FB7] =	sst s0;
	s0 =	simm.s32 @!p1 $0x0  }
0x14: {  	s2 =	sld [smem:$0x3F9B];
	s0 =	simm.s32 @p1 $0x1  }
0x15: {  	[smem:$0x3FB8] =	sst s0;
	s0 =	simm.s32 @!p2 $0x0  }
0x16: {  	s3 =	sld [smem:$0x3FDB];
	s0 =	simm.s32 @p2 $0x1  }
0x17: {  	s4 =	simm.s32 $0x1BF5;
	[smem:$0x3FBA] =	sst s0  }
0x18: {  	s0 =	sld [smem:$0x3F9D];
	_ =	swait.ge [sflag:s4], $0x0  }
0x19: {  	s7 =	sld [smem:$0x3F9E]  }
0x1a: {  	s8 =	sadd.s32 $0xFFFFE003, lr  }
0x1b: {  	s9 =	sadd.s32 $0xFFFFFEF7, lr;
	s5 =	simm.s32 $0xFFFFFFFF;
	p2 =	slt.u32 s8, $0xFFFFF086  }
0x1c: {  	p1 =	slt.u32 s9, $0xF7A;
	s5 =	simm.s32 @!p2 $0x0  }
0x1d: {  	s5 =	simm.s32 @p1 $0x1;
	p0 =	seq.s32 s7, s2  }
0x1e: {  	s7 =	smul.u32 @!p0 $0xF7A, s2;
	p2 =	seq.s32 @!p0 s5, $0x0  }
0x1f: {  	s9 =	smul.u32 $0xF7A, s1;
	s8 =	simm.s32 @!p0 $0x1BF5;
	p2 =	por !p2, p0  }
0x20: {  	[sflag:s8] =	ssyncset.s32 @!p0 $0xFFFFF086;
	s6 =	sadd.s32 @!p0 s3, s7;
	s7 =	simm.s32 @!p0 $0x108  }
0x21: {  	s3 =	sadd.s32 s3, s9;
	s6 =	sadd.s32 @!p0 $0x88, s6;
	s7 =	simm.s32 @p2 $0x1082  }
0x22: {  	[simem:s7], [sflag:s8] =	dma.local @!p0 [hbm:s6], $0xF7A  }
0x23: {  	s9 =	sor.u32 $0xD0000000, s2;
	s6 =	simm.s32 $0x108;
	_ =	swait.ge @!p0 [sflag:s8], $0x0  }
0x24: {  	s3 =	sadd.s32 $0x88, s3;
	s6 =	simm.s32 @!p1 $0x1082;
	[sflag:s4] =	ssyncset.s32 $0xFFFFF086  }
0x25: {  	[simem:s6], [sflag:s4] =	dma.local [hbm:s3], $0xF7A  }
0x26: {  	[smem:$0x3F9E] =	sst s1;
	(tag) =	ssettag s2;
	_ =	strace s9  }
0x27: {  	s1 =	sld [smem:$0x3FAE]  }
0x28: {  	s2 =	sld [smem:$0x3FAF]  }
0x29: {  	s4 =	sld [smem:$0x3FB1]  }
0x2a: {  	p0 =	seq.s32 s5, $0x0;
	s5 =	sld [smem:$0x3FB2]  }
0x2b: {  	s6 =	sld [smem:$0x3FB3]  }
0x2c: {  	s7 =	sld [smem:$0x3FB4]  }
0x2d: {  	s3 =	simm.s32 $0x108;
	s8 =	sld [smem:$0x3FB5]  }
0x2e: {  	s3 =	simm.s32 @!p0 $0x1082;
	s9 =	sld [smem:$0x3FB6]  }
0x2f: {  	lr =	sadd.s32 s0, s3;
	s0 =	sld [smem:$0x3FAD]  }
0x30: {  	s3 =	sld [smem:$0x3FB0]  }
0x31: {  	[smem:$0x3FB9] =	sst s10  }
0x32: {  	s10 =	sld [smem:$0x3FB7];
	_ =	sdelay $0x3  }
0x33: {  	p0 =	seq.s32 s10, $0x1;
	s10 =	sld [smem:$0x3FB9];
	_ =	sdelay $0x3  }
0x34: {  	[smem:$0x3FB9] =	sst s10  }
0x35: {  	s10 =	sld [smem:$0x3FB8];
	_ =	sdelay $0x3  }
0x36: {  	p1 =	seq.s32 s10, $0x1;
	s10 =	sld [smem:$0x3FB9];
	_ =	sdelay $0x3  }
0x37: {  	[smem:$0x3FB9] =	sst s10  }
0x38: {  	s10 =	sld [smem:$0x3FBA]  }
0x39: {  	_ = 	snop;
	(pc) =	sbr.ind lr, $3  }
0x3a: {  	_ = 	snop  }
0x3b: {  	_ = 	snop  }
0x3c: {  	p2 =	seq.s32 s10, $0x1;
	s10 =	sld [smem:$0x3FB9]  }
0x3d: {  	_ =	shalt  }
0x3e: {  	_ =	shalt  }
0x3f: {  	_ =	shalt  }
0x40: {  	_ =	shalt  }
0x41: {  	_ =	shalt  }
0x42: {  	_ =	shalt  }
0x43: {  	_ =	shalt  }
0x44: {  	_ =	shalt  }
0x45: {  	_ =	shalt  }
0x46: {  	_ =	shalt  }
0x47: {  	_ =	shalt  }
0x48: {  	_ =	shalt  }
0x49: {  	_ =	shalt  }
0x4a: {  	_ =	shalt  }
0x4b: {  	_ =	shalt  }
0x4c: {  	_ =	shalt  }
0x4d: {  	_ =	shalt  }
0x4e: {  	_ =	shalt  }
0x4f: {  	_ =	shalt  }
0x50: {  	_ =	shalt  }
0x51: {  	_ =	shalt  }
0x52: {  	_ =	shalt  }
0x53: {  	_ =	shalt  }
0x54: {  	_ =	shalt  }
0x55: {  	_ =	shalt  }
0x56: {  	_ =	shalt  }
0x57: {  	_ =	shalt  }
0x58: {  	_ =	shalt  }
0x59: {  	_ =	shalt  }
0x5a: {  	_ =	shalt  }
0x5b: {  	_ =	shalt  }
0x5c: {  	_ =	shalt  }
0x5d: {  	_ =	shalt  }
0x5e: {  	_ =	shalt  }
0x5f: {  	_ =	shalt  }
0x60: {  	_ =	shalt  }
0x61: {  	_ =	shalt  }
0x62: {  	_ =	shalt  }
0x63: {  	_ =	shalt  }
0x64: {  	_ =	shalt  }
0x65: {  	_ =	shalt  }
0x66: {  	_ =	shalt  }
0x67: {  	_ =	shalt  }
0x68: {  	_ =	shalt  }
0x69: {  	_ =	shalt  }
0x6a: {  	_ =	shalt  }
0x6b: {  	_ =	shalt  }
0x6c: {  	_ =	shalt  }
0x6d: {  	_ =	shalt  }
0x6e: {  	_ =	shalt  }
0x6f: {  	_ =	shalt  }
0x70: {  	_ =	shalt  }
0x71: {  	_ =	shalt  }
0x72: {  	_ =	shalt  }
0x73: {  	_ =	shalt  }
0x74: {  	_ =	shalt  }
0x75: {  	_ =	shalt  }
0x76: {  	_ =	shalt  }
0x77: {  	_ =	shalt  }
0x78: {  	_ =	shalt  }
0x79: {  	_ =	shalt  }
0x7a: {  	_ =	shalt  }
0x7b: {  	_ =	shalt  }
0x7c: {  	_ =	shalt  }
0x7d: {  	_ =	shalt  }
0x7e: {  	_ =	shalt  }
0x7f: {  	_ =	shalt  }
0x80: {  	_ =	shalt  }
0x81: {  	_ =	shalt  }
0x82: {  	_ =	shalt  }
0x83: {  	_ =	shalt  }
0x84: {  	_ =	shalt  }
0x85: {  	_ =	shalt  }
0x86: {  	_ =	shalt  }
0x87: {  	_ =	shalt  }
.Lfunc_end0:
.L_simem_size_0:
called_computation_lowered:
.L_overlay_start_0:
0x88: {  	s2 =	sld [smem:$0x3FD9]  }
0x89: {  	s3 =	sld [smem:$0x3FFE];
	_ =	sdelay $0x1  }
0x8a: {  	s1 =	srdreg.scid  }
0x8b: {  	s0 =	sand.u32 $0x1, s1  }
0x8c: {  	s17 =	sshll.u32 s0, $0xA;
	s2 =	sadd.s32 s3, s2  }
0x8d: {  	s2 =	sadd.s32 s2, s17  }
0x8e: {  	[smem:$0x3FC5] =	sst s2  }
0x8f: {  	_ = 	snop  }
0x90: {  	s2 =	sld [smem:$0x3FC9]  }
0x91: {  	s18 =	sld [smem:$0x3FC7]  }
0x92: {  	s4 =	sld [smem:$0x3FD0];
	(tm) =	ssettm $0x1  }
0x93: {  	s5 =	sld [smem:$0x3FFB];
	_ =	sdelay $0x3  }
0x94: {  	_ =	strace s5  }
0x95: {  	s5 =	sld [smem:$0x3FFC];
	_ =	sdelay $0x3  }
0x96: {  	_ =	strace s5  }
0x97: {  	s5 =	sld [smem:$0x3FFD];
	_ =	sdelay $0x3  }
0x98: {  	_ =	strace s5  }
0x99: {  	_ =	strace $0x8FFFFFFF  }
0x9a: {  	s19 =	sld [smem:$0x3FDB];
	_ =	sdelay $0x1  }
0x9b: {  	s6 =	simm.s32 $_scs_section_size  }
0x9c: {  	s7 =	simm.s32 $_size__tile_overlayer_lowered;
	s8 =	simm.s32 $_tile_overlayer_lowered  }
0x9d: {  	s22 =	simm.s32 $0x1BFF;
	s21 =	sshll.u32 s8, $0x1;
	s5 =	sadd.s32 s6, s19  }
0x9e: {  	s9 =	simm.s32 $0x0;
	s20 =	sshll.u32 s7, $0x1;
	s7 =	sadd.s32 s21, s5  }
0x9f: {  	[timem:s9], [sflag:s22] =	dma.local [hbm:s7], s20  }
0xa0: {  	_ =	swait.ge [sflag:s22], s20  }
0xa1: {  	s6 =	ssub.s32 $0x0, s20;
	[sflag:s22] =	ssyncset.done $0x0  }
0xa2: {  	[sflag:s22] =	ssyncadd.s32 s6;
	_ =	sdelay $0x1  }
0xa3: {  	s23 =	simm.s32 $0x1B8B  }
0xa4: {  	_ =	swait.ge [sflag:s23], $0x1  }
0xa5: {  	[sflag:s23] =	ssyncset.done $0x0  }
0xa6: {  	s25 =	simm.s32 $0x1B8E;
	s24 =	sld [smem:$0x3FFE];
	[sflag:s23] =	ssyncadd.s32 $0xFFFFFFFF  }
0xa7: {  	s26 =	simm.s32 $execute0_lowered;
	[smem:$0x3FD2] =	sst s25  }
0xa8: {  	s7 =	sshll.u32 s26, $0x1;
	_ =	strace $0x80000046;
	[dreg:$0x1] =	wrdreg $0xFFFFFFFF  }
0xa9: {  	s28 =	simm.s32 $_size_execute0_lowered;
	s5 =	sadd.s32 s5, s7;
	[dreg:$0x0] =	wrdreg $0x0  }
0xaa: {  	s7 =	sshll.u32 s28, $0x1;
	[dreg:$0x2] =	wrdreg s5  }
0xab: {  	[dreg:$0x3] =	wrdreg s7  }
0xac: {  	[dreg:$0x4] =	wrdreg $0xC0  }
0xad: {  	_ =	task [dreg:s9], $0x5FFFF  }
0xae: {  	[dreg:$0x1] =	wrdreg $0xFFFFFFFF  }
0xaf: {  	[dreg:$0x0] =	wrdreg $0x60  }
0xb0: {  	[dreg:$0x2] =	wrdreg s2  }
0xb1: {  	[dreg:$0x3] =	wrdreg s4  }
0xb2: {  	[dreg:$0x4] =	wrdreg s18  }
0xb3: {  	[dreg:$0x5] =	wrdreg s24  }
0xb4: {  	[dreg:$0x6] =	wrdreg $0x9  }
0xb5: {  	_ =	task.clear_ibuf [dreg:s9], $0x7FFFF;
	_ =	strace $0x90000046  }
0xb6: {  	s29 =	simm.s32 $0x9;
	_ =	strace $0x80000048  }
0xb7: {  	_ =	swait.ge [sflag:s29], $0x1  }
0xb8: {  	[sflag:s29] =	ssyncadd.s32 $0xFFFFFFFF  }
0xb9: {  	_ =	strace $0x90000048  }
0xba: {  	_ =	sfence  }
0xbb: {  	s30 =	sld [smem:$0x0];
	_ =	sdelay $0x2  }
0xbc: {  	s31 =	sshll.u32 s1, $0xD;
	s1 =	sshrl.u32 s1, $0x2  }
0xbd: {  	s3 =	sand.u32 $0x4000, s31;
	s1 =	sadd.s32 s1, s30  }
0xbe: {  	s0 =	sor.u32 s3, s0;
	s1 =	sshll.u32 s1, $0x11  }
0xbf: {  	s0 =	sor.u32 s1, s0  }
0xc0: {  	s0 =	sadd.s32 $0x8F2B, s0  }
0xc1: {  	[sflag:s0] =	ssyncadd.remote.s32 $0x1  }
0xc2: {  	_ =	sfence.sel $0xFFFF  }
0xc3: {  	[dreg:$0x0] =	wrdreg $0xFFFFFFFF;
	(pc) =	sbr.abs _section_cstart, $3  }
0xc4: {  	[dreg:$0x1] =	wrdreg $0xFFFFFFFF  }
0xc5: {  	_ =	task.clear_ibuf [dreg:s9], $0x2FFFF;
	_ =	strace $0x9FFFFFFF  }
0xc6: {  	(tm) =	ssettm $0x7FFFFFFF  }
0xc7: {  	_ =	shalt  }
tec
execute0_lowered:
.L_overlay_start_1:
0x0: {  	(tag) =	ssettag $0x1  }
0x1: {  	s1 =	rddreg [dreg:$0x0]  }
0x2: {  	s0 =	rddreg [dreg:$0x1]  }
0x3: {  	s3 =	rddreg [dreg:$0x2]  }
0x4: {  	s5 =	rddreg [dreg:$0x3]  }
0x5: {  	s4 =	simm.s32 $0x0;
	s2 =	stileid.u32;
	s6 =	srdreg.scid  }
0x6: {  	s14 =	simm.s32 $0x6;
	s15 =	simm.s32 $0x80;
	s16 =	simm.s32 $0x1  }
0x7: {  	s17 =	simm.s32 $0x480;
	s18 =	simm.s32 $0x2480;
	s19 =	simm.s32 $0x2  }
0x8: {  	s20 =	simm.s32 $0x4480;
	s21 =	simm.s32 $0x3;
	s22 =	simm.s32 $0x5  }
0x9: {  	s23 =	simm.s32 $0x6480;
	s24 =	simm.s32 $0x4;
	s25 =	simm.s32 $0x0  }
0xa: {  	[smem:$0x7FF] =	sst s4;
	s7 =	sshll.u32 s2, $0x1;
	s6 =	sand.u32 $0x1, s6  }
0xb: {  	s8 =	sshrl.u32 s2, $0x2;
	s5 =	sadd.s32 $0xC00, s5;
	s7 =	sand.u32 $0x6, s7  }
0xc: {  	_ =	strace $0x80000047;
	s9 =	sor.u32 $0x1C, s8;
	s31 =	sshll.u32 s8, $0x15  }
0xd: {  	s7 =	sor.u32 s6, s7;
	s6 =	ssub.s32 $0x2, s6;
	s29 =	sshll.u32 s9, $0x15  }
.Ltmp0:
0xe: {  	s10 =	sshll.u32 s7, $0x12;
	s11 =	sshrl.u32 s6, $0x1;
	(pc) =	sbr.rel .LBB2_1-.Ltmp0, $4  }
0xf: {  	s30 =	sshll.u32 s9, $0x4;
	s12 =	sor.u32 s29, s10;
	s13 =	ssub.s32 s6, s11  }
0x10: {  	s6 =	sadd.s32 s0, s30;
	s9 =	sor.u32 s31, s10;
	s7 =	sshrl.u32 s12, $0x3  }
0x11: {  	v1 =	vlaneseq.u32;
	s10 =	sor.u32 $0x4000, s12;
	s11 =	sor.u32 $0x2000, s9;
	s7 =	sadd.s32 s1, s7  }
0x12: {  	v0 =	vimm.s32 $0x0;
	vm0 =	vmmov $0xff;
	v1 =	vmul.u32 $0x8, v1;
	s12 =	sor.u32 $0x6000, s12;
	s13 =	smax.u32 s13, $0x1;
	s8 =	sadd.s32 $0x400, s7  }
.LBB2_12:
0x13: {  	s25 =	sadd.s32 $0x1, s25  }
0x14: {  	_ =	swait.ge [sflag:s24], $0x2000;
	p0 =	sne.s32 s25, s13  }
.Ltmp1:
0x15: {  	[sflag:s24] =	ssyncset.done $0x0;
	(pc) =	sbr.rel @!p0 .LBB2_13-.Ltmp1, $4  }
0x16: {  	[sflag:s24] =	ssyncadd.s32 $0xFFFFE000  }
0x17: {  	_ =	swait.ge [sflag:s22], $0x2000  }
0x18: {  	[sflag:s22] =	ssyncset.done $0x0  }
0x19: {  	[sflag:s22] =	ssyncadd.s32 $0xFFFFE000  }
.LBB2_1:
0x1a: {  	[tilespmem:s4], [sflag:$0x6] =	stream.linear.gather [hbm4b:s6+s4], $0x80, $0x38;
	[tilespmem:$0x8480] =	vst v63  }
0x1b: {  	_ =	swait.ge [sflag:s14], $0x80  }
0x1c: {  	[sflag:s14] =	ssyncset.done $0x0  }
0x1d: {  	[sflag:s14] =	ssyncadd.s32 $0xFFFFFF80  }
0x1e: {  	v2 =	vld.msk [tilespmem:$0x0], $0x1;
	_ =	sdelay $0x4  }
0x1f: {  	v3 =	vshll.u32 v2, $0x3  }
0x20: {  	v2 =	vand.u32 $0x7, v2;
	v3 =	vand.u32 $0xFFFFFFC0, v3  }
0x21: {  	v2 =	vor.u32 v2, v3  }
0x22: {  	v2 =	vperm.xlane v2, v0;
	_ =	sdelay $0x1  }
0x23: {  	v2 =	vadd.s32 v1, v2;
	_ =	sdelay $0x4  }
0x24: {  	[tilespmem:s15], [sflag:$0x1] =	stream.indirect_vreg.gather [hbm4b:s3+s4], $0x80, v2, vm0, $0xb8;
	[tilespmem:$0x8480] =	vst v63  }
0x25: {  	_ =	swait.ge [sflag:s16], $0x400  }
0x26: {  	[sflag:s16] =	ssyncset.done $0x0  }
0x27: {  	[sflag:s16] =	ssyncadd.s32 $0xFFFFFC00  }
0x28: {  	[tilespmem:s17], [sflag:$0x2] =	stream.linear.gather [hbm4b:s7+s4], $0x2000, $0x38;
	[tilespmem:$0x8480] =	vst v63  }
0x29: {  	s26 =	simm.s32 $0x0  }
0x2a: {  	[tilespmem:s18], [sflag:$0x3] =	stream.linear.gather [hbm4b:s8+s4], $0x2000, $0x38;
	[tilespmem:$0x8480] =	vst v63  }
.LBB2_2:
0x2b: {  	_ =	swait.ge [sflag:s19], $0x2000  }
0x2c: {  	p0 =	seq.s32 s26, $0x0;
	[sflag:s19] =	ssyncset.done $0x0  }
0x2d: {  	s0 =	simm.s32 @!p0 $0x4;
	[sflag:s19] =	ssyncadd.s32 $0xFFFFE000  }
0x2e: {  	s28 =	sshll.u32 s26, $0xE;
	_ =	swait.ge @!p0 [sflag:s0], $0x2000  }
0x2f: {  	s29 =	simm.s32 $0xFFFFFFF8;
	s30 =	simm.s32 $0xC0;
	[sflag:s0] =	ssyncset.done @!p0 $0x0  }
0x30: {  	s31 =	simm.s32 $0x680;
	[sflag:s0] =	ssyncadd.s32 @!p0 $0xFFFFE000;
	s0 =	simm.s32 $0x4680  }
.LBB2_3:
0x31: {  	v2 =	vld [tilespmem:s30+$0xFFFFFFC0]  }
0x32: {  	v3 =	vld [tilespmem:s31+$0xFFFFFE00];
	_ =	sdelay $0x4  }
0x33: {  	v3 =	vadd.f32 v3, v2;
	_ =	sdelay $0x1  }
0x34: {  	[tilespmem:s0+$0xFFFFFE00] =	vst v3  }
0x35: {  	v3 =	vld [tilespmem:s31+$0xFFFFFE80];
	_ =	sdelay $0x4  }
0x36: {  	v3 =	vadd.f32 v3, v2;
	_ =	sdelay $0x1  }
0x37: {  	[tilespmem:s0+$0xFFFFFE80] =	vst v3  }
0x38: {  	v3 =	vld [tilespmem:s31+$0xFFFFFF00];
	_ =	sdelay $0x4  }
0x39: {  	v3 =	vadd.f32 v3, v2;
	_ =	sdelay $0x1  }
0x3a: {  	[tilespmem:s0+$0xFFFFFF00] =	vst v3  }
0x3b: {  	v3 =	vld [tilespmem:s31+$0xFFFFFF80];
	_ =	sdelay $0x4  }
0x3c: {  	v3 =	vadd.f32 v3, v2;
	_ =	sdelay $0x1  }
0x3d: {  	[tilespmem:s0+$0xFFFFFF80] =	vst v3  }
0x3e: {  	v3 =	vld [tilespmem:s31+$0x0];
	_ =	sdelay $0x4  }
0x3f: {  	v3 =	vadd.f32 v3, v2;
	_ =	sdelay $0x1  }
0x40: {  	[tilespmem:s0+$0x0] =	vst v3  }
0x41: {  	v3 =	vld [tilespmem:s31+$0x80];
	_ =	sdelay $0x4  }
0x42: {  	v3 =	vadd.f32 v3, v2;
	_ =	sdelay $0x1  }
0x43: {  	[tilespmem:s0+$0x80] =	vst v3  }
0x44: {  	v3 =	vld [tilespmem:s31+$0x100];
	_ =	sdelay $0x4  }
0x45: {  	v3 =	vadd.f32 v3, v2;
	_ =	sdelay $0x1  }
0x46: {  	[tilespmem:s0+$0x100] =	vst v3  }
0x47: {  	v3 =	vld [tilespmem:s31+$0x180];
	_ =	sdelay $0x4  }
0x48: {  	v2 =	vadd.f32 v3, v2;
	_ =	sdelay $0x1  }
0x49: {  	[tilespmem:s0+$0x180] =	vst v2  }
0x4a: {  	v2 =	vld [tilespmem:s30+$0xFFFFFFD0]  }
0x4b: {  	v3 =	vld [tilespmem:s31+$0xFFFFFE10];
	_ =	sdelay $0x4  }
0x4c: {  	v3 =	vadd.f32 v3, v2;
	_ =	sdelay $0x1  }
0x4d: {  	[tilespmem:s0+$0xFFFFFE10] =	vst v3  }
0x4e: {  	v3 =	vld [tilespmem:s31+$0xFFFFFE90];
	_ =	sdelay $0x4  }
0x4f: {  	v3 =	vadd.f32 v3, v2;
	_ =	sdelay $0x1  }
0x50: {  	[tilespmem:s0+$0xFFFFFE90] =	vst v3  }
0x51: {  	v3 =	vld [tilespmem:s31+$0xFFFFFF10];
	_ =	sdelay $0x4  }
0x52: {  	v3 =	vadd.f32 v3, v2;
	_ =	sdelay $0x1  }
0x53: {  	[tilespmem:s0+$0xFFFFFF10] =	vst v3  }
0x54: {  	v3 =	vld [tilespmem:s31+$0xFFFFFF90];
	_ =	sdelay $0x4  }
0x55: {  	v3 =	vadd.f32 v3, v2;
	_ =	sdelay $0x1  }
0x56: {  	[tilespmem:s0+$0xFFFFFF90] =	vst v3  }
0x57: {  	v3 =	vld [tilespmem:s31+$0x10];
	_ =	sdelay $0x4  }
0x58: {  	v3 =	vadd.f32 v3, v2;
	_ =	sdelay $0x1  }
0x59: {  	[tilespmem:s0+$0x10] =	vst v3  }
0x5a: {  	v3 =	vld [tilespmem:s31+$0x90];
	_ =	sdelay $0x4  }
0x5b: {  	v3 =	vadd.f32 v3, v2;
	_ =	sdelay $0x1  }
0x5c: {  	[tilespmem:s0+$0x90] =	vst v3  }
0x5d: {  	v3 =	vld [tilespmem:s31+$0x110];
	_ =	sdelay $0x4  }
0x5e: {  	v3 =	vadd.f32 v3, v2;
	_ =	sdelay $0x1  }
0x5f: {  	[tilespmem:s0+$0x110] =	vst v3  }
0x60: {  	v3 =	vld [tilespmem:s31+$0x190];
	_ =	sdelay $0x4  }
0x61: {  	v2 =	vadd.f32 v3, v2;
	_ =	sdelay $0x1  }
0x62: {  	[tilespmem:s0+$0x190] =	vst v2  }
0x63: {  	v2 =	vld [tilespmem:s30+$0xFFFFFFE0]  }
0x64: {  	v3 =	vld [tilespmem:s31+$0xFFFFFE20];
	_ =	sdelay $0x4  }
0x65: {  	v3 =	vadd.f32 v3, v2;
	_ =	sdelay $0x1  }
0x66: {  	[tilespmem:s0+$0xFFFFFE20] =	vst v3  }
0x67: {  	v3 =	vld [tilespmem:s31+$0xFFFFFEA0];
	_ =	sdelay $0x4  }
0x68: {  	v3 =	vadd.f32 v3, v2;
	_ =	sdelay $0x1  }
0x69: {  	[tilespmem:s0+$0xFFFFFEA0] =	vst v3  }
0x6a: {  	v3 =	vld [tilespmem:s31+$0xFFFFFF20];
	_ =	sdelay $0x4  }
0x6b: {  	v3 =	vadd.f32 v3, v2;
	_ =	sdelay $0x1  }
0x6c: {  	[tilespmem:s0+$0xFFFFFF20] =	vst v3  }
0x6d: {  	v3 =	vld [tilespmem:s31+$0xFFFFFFA0];
	_ =	sdelay $0x4  }
0x6e: {  	v3 =	vadd.f32 v3, v2;
	_ =	sdelay $0x1  }
0x6f: {  	[tilespmem:s0+$0xFFFFFFA0] =	vst v3  }
0x70: {  	v3 =	vld [tilespmem:s31+$0x20];
	_ =	sdelay $0x4  }
0x71: {  	v3 =	vadd.f32 v3, v2;
	_ =	sdelay $0x1  }
0x72: {  	[tilespmem:s0+$0x20] =	vst v3  }
0x73: {  	v3 =	vld [tilespmem:s31+$0xA0];
	_ =	sdelay $0x4  }
0x74: {  	v3 =	vadd.f32 v3, v2;
	_ =	sdelay $0x1  }
0x75: {  	[tilespmem:s0+$0xA0] =	vst v3  }
0x76: {  	v3 =	vld [tilespmem:s31+$0x120];
	_ =	sdelay $0x4  }
0x77: {  	v3 =	vadd.f32 v3, v2;
	_ =	sdelay $0x1  }
0x78: {  	[tilespmem:s0+$0x120] =	vst v3  }
0x79: {  	v3 =	vld [tilespmem:s31+$0x1A0];
	_ =	sdelay $0x4  }
0x7a: {  	v2 =	vadd.f32 v3, v2;
	_ =	sdelay $0x1  }
0x7b: {  	[tilespmem:s0+$0x1A0] =	vst v2  }
0x7c: {  	v2 =	vld [tilespmem:s30+$0xFFFFFFF0]  }
0x7d: {  	v3 =	vld [tilespmem:s31+$0xFFFFFE30];
	_ =	sdelay $0x4  }
0x7e: {  	v3 =	vadd.f32 v3, v2;
	_ =	sdelay $0x1  }
0x7f: {  	[tilespmem:s0+$0xFFFFFE30] =	vst v3  }
0x80: {  	v3 =	vld [tilespmem:s31+$0xFFFFFEB0];
	_ =	sdelay $0x4  }
0x81: {  	v3 =	vadd.f32 v3, v2;
	_ =	sdelay $0x1  }
0x82: {  	[tilespmem:s0+$0xFFFFFEB0] =	vst v3  }
0x83: {  	v3 =	vld [tilespmem:s31+$0xFFFFFF30];
	_ =	sdelay $0x4  }
0x84: {  	v3 =	vadd.f32 v3, v2;
	_ =	sdelay $0x1  }
0x85: {  	[tilespmem:s0+$0xFFFFFF30] =	vst v3  }
0x86: {  	v3 =	vld [tilespmem:s31+$0xFFFFFFB0];
	_ =	sdelay $0x4  }
0x87: {  	v3 =	vadd.f32 v3, v2;
	_ =	sdelay $0x1  }
0x88: {  	[tilespmem:s0+$0xFFFFFFB0] =	vst v3  }
0x89: {  	v3 =	vld [tilespmem:s31+$0x30];
	_ =	sdelay $0x4  }
0x8a: {  	v3 =	vadd.f32 v3, v2;
	_ =	sdelay $0x1  }
0x8b: {  	[tilespmem:s0+$0x30] =	vst v3  }
0x8c: {  	v3 =	vld [tilespmem:s31+$0xB0];
	_ =	sdelay $0x4  }
0x8d: {  	v3 =	vadd.f32 v3, v2;
	_ =	sdelay $0x1  }
0x8e: {  	[tilespmem:s0+$0xB0] =	vst v3  }
0x8f: {  	v3 =	vld [tilespmem:s31+$0x130];
	_ =	sdelay $0x4  }
0x90: {  	v3 =	vadd.f32 v3, v2;
	_ =	sdelay $0x1  }
0x91: {  	[tilespmem:s0+$0x130] =	vst v3  }
0x92: {  	v3 =	vld [tilespmem:s31+$0x1B0];
	_ =	sdelay $0x4  }
0x93: {  	v2 =	vadd.f32 v3, v2;
	_ =	sdelay $0x1  }
0x94: {  	[tilespmem:s0+$0x1B0] =	vst v2  }
0x95: {  	v2 =	vld [tilespmem:s30+$0x0]  }
0x96: {  	v3 =	vld [tilespmem:s31+$0xFFFFFE40];
	_ =	sdelay $0x4  }
0x97: {  	v3 =	vadd.f32 v3, v2;
	_ =	sdelay $0x1  }
0x98: {  	[tilespmem:s0+$0xFFFFFE40] =	vst v3  }
0x99: {  	v3 =	vld [tilespmem:s31+$0xFFFFFEC0];
	_ =	sdelay $0x4  }
0x9a: {  	v3 =	vadd.f32 v3, v2;
	_ =	sdelay $0x1  }
0x9b: {  	[tilespmem:s0+$0xFFFFFEC0] =	vst v3  }
0x9c: {  	v3 =	vld [tilespmem:s31+$0xFFFFFF40];
	_ =	sdelay $0x4  }
0x9d: {  	v3 =	vadd.f32 v3, v2;
	_ =	sdelay $0x1  }
0x9e: {  	[tilespmem:s0+$0xFFFFFF40] =	vst v3  }
0x9f: {  	v3 =	vld [tilespmem:s31+$0xFFFFFFC0];
	_ =	sdelay $0x4  }
0xa0: {  	v3 =	vadd.f32 v3, v2;
	_ =	sdelay $0x1  }
0xa1: {  	[tilespmem:s0+$0xFFFFFFC0] =	vst v3  }
0xa2: {  	v3 =	vld [tilespmem:s31+$0x40];
	_ =	sdelay $0x4  }
0xa3: {  	v3 =	vadd.f32 v3, v2;
	_ =	sdelay $0x1  }
0xa4: {  	[tilespmem:s0+$0x40] =	vst v3  }
0xa5: {  	v3 =	vld [tilespmem:s31+$0xC0];
	_ =	sdelay $0x4  }
0xa6: {  	v3 =	vadd.f32 v3, v2;
	_ =	sdelay $0x1  }
0xa7: {  	[tilespmem:s0+$0xC0] =	vst v3  }
0xa8: {  	v3 =	vld [tilespmem:s31+$0x140];
	_ =	sdelay $0x4  }
0xa9: {  	v3 =	vadd.f32 v3, v2;
	_ =	sdelay $0x1  }
0xaa: {  	[tilespmem:s0+$0x140] =	vst v3  }
0xab: {  	v3 =	vld [tilespmem:s31+$0x1C0];
	_ =	sdelay $0x4  }
0xac: {  	v2 =	vadd.f32 v3, v2;
	_ =	sdelay $0x1  }
0xad: {  	[tilespmem:s0+$0x1C0] =	vst v2  }
0xae: {  	v2 =	vld [tilespmem:s30+$0x10]  }
0xaf: {  	v3 =	vld [tilespmem:s31+$0xFFFFFE50];
	_ =	sdelay $0x4  }
0xb0: {  	v3 =	vadd.f32 v3, v2;
	_ =	sdelay $0x1  }
0xb1: {  	[tilespmem:s0+$0xFFFFFE50] =	vst v3  }
0xb2: {  	v3 =	vld [tilespmem:s31+$0xFFFFFED0];
	_ =	sdelay $0x4  }
0xb3: {  	v3 =	vadd.f32 v3, v2;
	_ =	sdelay $0x1  }
0xb4: {  	[tilespmem:s0+$0xFFFFFED0] =	vst v3  }
0xb5: {  	v3 =	vld [tilespmem:s31+$0xFFFFFF50];
	_ =	sdelay $0x4  }
0xb6: {  	v3 =	vadd.f32 v3, v2;
	_ =	sdelay $0x1  }
0xb7: {  	[tilespmem:s0+$0xFFFFFF50] =	vst v3  }
0xb8: {  	v3 =	vld [tilespmem:s31+$0xFFFFFFD0];
	_ =	sdelay $0x4  }
0xb9: {  	v3 =	vadd.f32 v3, v2;
	_ =	sdelay $0x1  }
0xba: {  	[tilespmem:s0+$0xFFFFFFD0] =	vst v3  }
0xbb: {  	v3 =	vld [tilespmem:s31+$0x50];
	_ =	sdelay $0x4  }
0xbc: {  	v3 =	vadd.f32 v3, v2;
	_ =	sdelay $0x1  }
0xbd: {  	[tilespmem:s0+$0x50] =	vst v3  }
0xbe: {  	v3 =	vld [tilespmem:s31+$0xD0];
	_ =	sdelay $0x4  }
0xbf: {  	v3 =	vadd.f32 v3, v2;
	_ =	sdelay $0x1  }
0xc0: {  	[tilespmem:s0+$0xD0] =	vst v3  }
0xc1: {  	v3 =	vld [tilespmem:s31+$0x150];
	_ =	sdelay $0x4  }
0xc2: {  	v3 =	vadd.f32 v3, v2;
	_ =	sdelay $0x1  }
0xc3: {  	[tilespmem:s0+$0x150] =	vst v3  }
0xc4: {  	v3 =	vld [tilespmem:s31+$0x1D0];
	_ =	sdelay $0x4  }
0xc5: {  	v2 =	vadd.f32 v3, v2;
	_ =	sdelay $0x1  }
0xc6: {  	[tilespmem:s0+$0x1D0] =	vst v2  }
0xc7: {  	v2 =	vld [tilespmem:s30+$0x20]  }
0xc8: {  	v3 =	vld [tilespmem:s31+$0xFFFFFE60];
	_ =	sdelay $0x4  }
0xc9: {  	v3 =	vadd.f32 v3, v2;
	_ =	sdelay $0x1  }
0xca: {  	[tilespmem:s0+$0xFFFFFE60] =	vst v3  }
0xcb: {  	v3 =	vld [tilespmem:s31+$0xFFFFFEE0];
	_ =	sdelay $0x4  }
0xcc: {  	v3 =	vadd.f32 v3, v2;
	_ =	sdelay $0x1  }
0xcd: {  	[tilespmem:s0+$0xFFFFFEE0] =	vst v3  }
0xce: {  	v3 =	vld [tilespmem:s31+$0xFFFFFF60];
	_ =	sdelay $0x4  }
0xcf: {  	v3 =	vadd.f32 v3, v2;
	_ =	sdelay $0x1  }
0xd0: {  	[tilespmem:s0+$0xFFFFFF60] =	vst v3  }
0xd1: {  	v3 =	vld [tilespmem:s31+$0xFFFFFFE0];
	_ =	sdelay $0x4  }
0xd2: {  	v3 =	vadd.f32 v3, v2;
	_ =	sdelay $0x1  }
0xd3: {  	[tilespmem:s0+$0xFFFFFFE0] =	vst v3  }
0xd4: {  	v3 =	vld [tilespmem:s31+$0x60];
	_ =	sdelay $0x4  }
0xd5: {  	v3 =	vadd.f32 v3, v2;
	_ =	sdelay $0x1  }
0xd6: {  	[tilespmem:s0+$0x60] =	vst v3  }
0xd7: {  	v3 =	vld [tilespmem:s31+$0xE0];
	_ =	sdelay $0x4  }
0xd8: {  	v3 =	vadd.f32 v3, v2;
	_ =	sdelay $0x1  }
0xd9: {  	[tilespmem:s0+$0xE0] =	vst v3  }
0xda: {  	v3 =	vld [tilespmem:s31+$0x160];
	_ =	sdelay $0x4  }
0xdb: {  	v3 =	vadd.f32 v3, v2;
	_ =	sdelay $0x1  }
0xdc: {  	[tilespmem:s0+$0x160] =	vst v3  }
0xdd: {  	v3 =	vld [tilespmem:s31+$0x1E0];
	_ =	sdelay $0x4  }
0xde: {  	v2 =	vadd.f32 v3, v2;
	_ =	sdelay $0x1  }
0xdf: {  	[tilespmem:s0+$0x1E0] =	vst v2  }
0xe0: {  	v2 =	vld [tilespmem:s30+$0x30]  }
0xe1: {  	v3 =	vld [tilespmem:s31+$0xFFFFFE70];
	_ =	sdelay $0x4  }
0xe2: {  	v3 =	vadd.f32 v3, v2;
	_ =	sdelay $0x1  }
0xe3: {  	[tilespmem:s0+$0xFFFFFE70] =	vst v3  }
0xe4: {  	v3 =	vld [tilespmem:s31+$0xFFFFFEF0];
	_ =	sdelay $0x4  }
0xe5: {  	v3 =	vadd.f32 v3, v2;
	_ =	sdelay $0x1  }
0xe6: {  	[tilespmem:s0+$0xFFFFFEF0] =	vst v3  }
0xe7: {  	v3 =	vld [tilespmem:s31+$0xFFFFFF70];
	_ =	sdelay $0x4  }
0xe8: {  	v3 =	vadd.f32 v3, v2;
	_ =	sdelay $0x1  }
0xe9: {  	[tilespmem:s0+$0xFFFFFF70] =	vst v3  }
0xea: {  	v3 =	vld [tilespmem:s31+$0xFFFFFFF0];
	_ =	sdelay $0x4  }
0xeb: {  	v3 =	vadd.f32 v3, v2;
	_ =	sdelay $0x1  }
0xec: {  	[tilespmem:s0+$0xFFFFFFF0] =	vst v3  }
0xed: {  	v3 =	vld [tilespmem:s31+$0x70];
	_ =	sdelay $0x4  }
0xee: {  	v3 =	vadd.f32 v3, v2;
	_ =	sdelay $0x1  }
0xef: {  	[tilespmem:s0+$0x70] =	vst v3  }
0xf0: {  	v3 =	vld [tilespmem:s31+$0xF0];
	_ =	sdelay $0x4  }
0xf1: {  	v3 =	vadd.f32 v3, v2;
	_ =	sdelay $0x1  }
0xf2: {  	[tilespmem:s0+$0xF0] =	vst v3  }
0xf3: {  	v3 =	vld [tilespmem:s31+$0x170];
	_ =	sdelay $0x4  }
0xf4: {  	v3 =	vadd.f32 v3, v2;
	_ =	sdelay $0x1  }
0xf5: {  	[tilespmem:s0+$0x170] =	vst v3  }
0xf6: {  	v3 =	vld [tilespmem:s31+$0x1F0]  }
0xf7: {  	s29 =	sadd.s32 $0x8, s29  }
0xf8: {  	p1 =	slt.u32 s29, $0x38  }
.Ltmp2:
0xf9: {  	_ = 	snop;
	(pc) =	sbr.rel @p1 .LBB2_3-.Ltmp2, $3  }
0xfa: {  	_ = 	snop  }
0xfb: {  	v2 =	vadd.f32 v3, v2;
	_ =	sdelay $0x1  }
0xfc: {  	s30 =	sadd.s32 $0x80, s30;
	s31 =	sadd.s32 $0x400, s31;
	[tilespmem:s0+$0x1F0] =	vst v2;
	s0 =	sadd.s32 $0x400, s0  }
0xfd: {  	p1 =	sne.s32 s26, $0xF  }
.Ltmp3:
0xfe: {  	_ = 	snop;
	(pc) =	sbr.rel @p1 .LBB2_6-.Ltmp3, $4  }
0xff: {  	s0 =	sor.u32 s28, s9  }
0x100: {  	s0 =	sshrl.u32 s0, $0x3  }
0x101: {  	s0 =	sadd.s32 s5, s0  }
0x102: {  	[hbm4b:s0+s4] =	stream.linear.scatter [tilespmem:s20], [sflag:$0x4], $0x2000, $0x38;
	[tilespmem:$0x8480] =	vst v63  }
.Ltmp4:
0x103: {  	(pc) =	sbr.rel .LBB2_7-.Ltmp4, $4  }
0x104: {  	_ = 	snop  }
0x105: {  	_ =	swait.ge [sflag:s21], $0x2000  }
0x106: {  	[sflag:s21] =	ssyncset.done $0x0  }
0x107: {  	[sflag:s21] =	ssyncadd.s32 $0xFFFFE000  }
.LBB2_6:
0x108: {  	s0 =	sadd.s32 s28, s10  }
0x109: {  	s0 =	sshrl.u32 s0, $0x3  }
.Ltmp5:
0x10a: {  	s0 =	sadd.s32 s1, s0;
	(pc) =	sbr.rel @p0 .LBB2_8-.Ltmp5, $4  }
0x10b: {  	[tilespmem:s17], [sflag:$0x2] =	stream.linear.gather [hbm4b:s0+s4], $0x2000, $0x38;
	[tilespmem:$0x8480] =	vst v63  }
0x10c: {  	_ =	swait.ge [sflag:s21], $0x2000  }
0x10d: {  	[sflag:s21] =	ssyncset.done $0x0  }
0x10e: {  	[sflag:s21] =	ssyncadd.s32 $0xFFFFE000  }
.LBB2_7:
0x10f: {  	_ =	swait.ge [sflag:s22], $0x2000  }
0x110: {  	[sflag:s22] =	ssyncset.done $0x0  }
0x111: {  	[sflag:s22] =	ssyncadd.s32 $0xFFFFE000  }
.LBB2_8:
0x112: {  	s29 =	simm.s32 $0xFFFFFFF8  }
0x113: {  	s30 =	simm.s32 $0xC0;
	s31 =	simm.s32 $0x2680;
	s0 =	simm.s32 $0x6680  }
.LBB2_9:
0x114: {  	v2 =	vld [tilespmem:s30+$0xFFFFFFC0]  }
0x115: {  	v3 =	vld [tilespmem:s31+$0xFFFFFE00];
	_ =	sdelay $0x4  }
0x116: {  	v3 =	vadd.f32 v3, v2;
	_ =	sdelay $0x1  }
0x117: {  	[tilespmem:s0+$0xFFFFFE00] =	vst v3  }
0x118: {  	v3 =	vld [tilespmem:s31+$0xFFFFFE80];
	_ =	sdelay $0x4  }
0x119: {  	v3 =	vadd.f32 v3, v2;
	_ =	sdelay $0x1  }
0x11a: {  	[tilespmem:s0+$0xFFFFFE80] =	vst v3  }
0x11b: {  	v3 =	vld [tilespmem:s31+$0xFFFFFF00];
	_ =	sdelay $0x4  }
0x11c: {  	v3 =	vadd.f32 v3, v2;
	_ =	sdelay $0x1  }
0x11d: {  	[tilespmem:s0+$0xFFFFFF00] =	vst v3  }
0x11e: {  	v3 =	vld [tilespmem:s31+$0xFFFFFF80];
	_ =	sdelay $0x4  }
0x11f: {  	v3 =	vadd.f32 v3, v2;
	_ =	sdelay $0x1  }
0x120: {  	[tilespmem:s0+$0xFFFFFF80] =	vst v3  }
0x121: {  	v3 =	vld [tilespmem:s31+$0x0];
	_ =	sdelay $0x4  }
0x122: {  	v3 =	vadd.f32 v3, v2;
	_ =	sdelay $0x1  }
0x123: {  	[tilespmem:s0+$0x0] =	vst v3  }
0x124: {  	v3 =	vld [tilespmem:s31+$0x80];
	_ =	sdelay $0x4  }
0x125: {  	v3 =	vadd.f32 v3, v2;
	_ =	sdelay $0x1  }
0x126: {  	[tilespmem:s0+$0x80] =	vst v3  }
0x127: {  	v3 =	vld [tilespmem:s31+$0x100];
	_ =	sdelay $0x4  }
0x128: {  	v3 =	vadd.f32 v3, v2;
	_ =	sdelay $0x1  }
0x129: {  	[tilespmem:s0+$0x100] =	vst v3  }
0x12a: {  	v3 =	vld [tilespmem:s31+$0x180];
	_ =	sdelay $0x4  }
0x12b: {  	v2 =	vadd.f32 v3, v2;
	_ =	sdelay $0x1  }
0x12c: {  	[tilespmem:s0+$0x180] =	vst v2  }
0x12d: {  	v2 =	vld [tilespmem:s30+$0xFFFFFFD0]  }
0x12e: {  	v3 =	vld [tilespmem:s31+$0xFFFFFE10];
	_ =	sdelay $0x4  }
0x12f: {  	v3 =	vadd.f32 v3, v2;
	_ =	sdelay $0x1  }
0x130: {  	[tilespmem:s0+$0xFFFFFE10] =	vst v3  }
0x131: {  	v3 =	vld [tilespmem:s31+$0xFFFFFE90];
	_ =	sdelay $0x4  }
0x132: {  	v3 =	vadd.f32 v3, v2;
	_ =	sdelay $0x1  }
0x133: {  	[tilespmem:s0+$0xFFFFFE90] =	vst v3  }
0x134: {  	v3 =	vld [tilespmem:s31+$0xFFFFFF10];
	_ =	sdelay $0x4  }
0x135: {  	v3 =	vadd.f32 v3, v2;
	_ =	sdelay $0x1  }
0x136: {  	[tilespmem:s0+$0xFFFFFF10] =	vst v3  }
0x137: {  	v3 =	vld [tilespmem:s31+$0xFFFFFF90];
	_ =	sdelay $0x4  }
0x138: {  	v3 =	vadd.f32 v3, v2;
	_ =	sdelay $0x1  }
0x139: {  	[tilespmem:s0+$0xFFFFFF90] =	vst v3  }
0x13a: {  	v3 =	vld [tilespmem:s31+$0x10];
	_ =	sdelay $0x4  }
0x13b: {  	v3 =	vadd.f32 v3, v2;
	_ =	sdelay $0x1  }
0x13c: {  	[tilespmem:s0+$0x10] =	vst v3  }
0x13d: {  	v3 =	vld [tilespmem:s31+$0x90];
	_ =	sdelay $0x4  }
0x13e: {  	v3 =	vadd.f32 v3, v2;
	_ =	sdelay $0x1  }
0x13f: {  	[tilespmem:s0+$0x90] =	vst v3  }
0x140: {  	v3 =	vld [tilespmem:s31+$0x110];
	_ =	sdelay $0x4  }
0x141: {  	v3 =	vadd.f32 v3, v2;
	_ =	sdelay $0x1  }
0x142: {  	[tilespmem:s0+$0x110] =	vst v3  }
0x143: {  	v3 =	vld [tilespmem:s31+$0x190];
	_ =	sdelay $0x4  }
0x144: {  	v2 =	vadd.f32 v3, v2;
	_ =	sdelay $0x1  }
0x145: {  	[tilespmem:s0+$0x190] =	vst v2  }
0x146: {  	v2 =	vld [tilespmem:s30+$0xFFFFFFE0]  }
0x147: {  	v3 =	vld [tilespmem:s31+$0xFFFFFE20];
	_ =	sdelay $0x4  }
0x148: {  	v3 =	vadd.f32 v3, v2;
	_ =	sdelay $0x1  }
0x149: {  	[tilespmem:s0+$0xFFFFFE20] =	vst v3  }
0x14a: {  	v3 =	vld [tilespmem:s31+$0xFFFFFEA0];
	_ =	sdelay $0x4  }
0x14b: {  	v3 =	vadd.f32 v3, v2;
	_ =	sdelay $0x1  }
0x14c: {  	[tilespmem:s0+$0xFFFFFEA0] =	vst v3  }
0x14d: {  	v3 =	vld [tilespmem:s31+$0xFFFFFF20];
	_ =	sdelay $0x4  }
0x14e: {  	v3 =	vadd.f32 v3, v2;
	_ =	sdelay $0x1  }
0x14f: {  	[tilespmem:s0+$0xFFFFFF20] =	vst v3  }
0x150: {  	v3 =	vld [tilespmem:s31+$0xFFFFFFA0];
	_ =	sdelay $0x4  }
0x151: {  	v3 =	vadd.f32 v3, v2;
	_ =	sdelay $0x1  }
0x152: {  	[tilespmem:s0+$0xFFFFFFA0] =	vst v3  }
0x153: {  	v3 =	vld [tilespmem:s31+$0x20];
	_ =	sdelay $0x4  }
0x154: {  	v3 =	vadd.f32 v3, v2;
	_ =	sdelay $0x1  }
0x155: {  	[tilespmem:s0+$0x20] =	vst v3  }
0x156: {  	v3 =	vld [tilespmem:s31+$0xA0];
	_ =	sdelay $0x4  }
0x157: {  	v3 =	vadd.f32 v3, v2;
	_ =	sdelay $0x1  }
0x158: {  	[tilespmem:s0+$0xA0] =	vst v3  }
0x159: {  	v3 =	vld [tilespmem:s31+$0x120];
	_ =	sdelay $0x4  }
0x15a: {  	v3 =	vadd.f32 v3, v2;
	_ =	sdelay $0x1  }
0x15b: {  	[tilespmem:s0+$0x120] =	vst v3  }
0x15c: {  	v3 =	vld [tilespmem:s31+$0x1A0];
	_ =	sdelay $0x4  }
0x15d: {  	v2 =	vadd.f32 v3, v2;
	_ =	sdelay $0x1  }
0x15e: {  	[tilespmem:s0+$0x1A0] =	vst v2  }
0x15f: {  	v2 =	vld [tilespmem:s30+$0xFFFFFFF0]  }
0x160: {  	v3 =	vld [tilespmem:s31+$0xFFFFFE30];
	_ =	sdelay $0x4  }
0x161: {  	v3 =	vadd.f32 v3, v2;
	_ =	sdelay $0x1  }
0x162: {  	[tilespmem:s0+$0xFFFFFE30] =	vst v3  }
0x163: {  	v3 =	vld [tilespmem:s31+$0xFFFFFEB0];
	_ =	sdelay $0x4  }
0x164: {  	v3 =	vadd.f32 v3, v2;
	_ =	sdelay $0x1  }
0x165: {  	[tilespmem:s0+$0xFFFFFEB0] =	vst v3  }
0x166: {  	v3 =	vld [tilespmem:s31+$0xFFFFFF30];
	_ =	sdelay $0x4  }
0x167: {  	v3 =	vadd.f32 v3, v2;
	_ =	sdelay $0x1  }
0x168: {  	[tilespmem:s0+$0xFFFFFF30] =	vst v3  }
0x169: {  	v3 =	vld [tilespmem:s31+$0xFFFFFFB0];
	_ =	sdelay $0x4  }
0x16a: {  	v3 =	vadd.f32 v3, v2;
	_ =	sdelay $0x1  }
0x16b: {  	[tilespmem:s0+$0xFFFFFFB0] =	vst v3  }
0x16c: {  	v3 =	vld [tilespmem:s31+$0x30];
	_ =	sdelay $0x4  }
0x16d: {  	v3 =	vadd.f32 v3, v2;
	_ =	sdelay $0x1  }
0x16e: {  	[tilespmem:s0+$0x30] =	vst v3  }
0x16f: {  	v3 =	vld [tilespmem:s31+$0xB0];
	_ =	sdelay $0x4  }
0x170: {  	v3 =	vadd.f32 v3, v2;
	_ =	sdelay $0x1  }
0x171: {  	[tilespmem:s0+$0xB0] =	vst v3  }
0x172: {  	v3 =	vld [tilespmem:s31+$0x130];
	_ =	sdelay $0x4  }
0x173: {  	v3 =	vadd.f32 v3, v2;
	_ =	sdelay $0x1  }
0x174: {  	[tilespmem:s0+$0x130] =	vst v3  }
0x175: {  	v3 =	vld [tilespmem:s31+$0x1B0];
	_ =	sdelay $0x4  }
0x176: {  	v2 =	vadd.f32 v3, v2;
	_ =	sdelay $0x1  }
0x177: {  	[tilespmem:s0+$0x1B0] =	vst v2  }
0x178: {  	v2 =	vld [tilespmem:s30+$0x0]  }
0x179: {  	v3 =	vld [tilespmem:s31+$0xFFFFFE40];
	_ =	sdelay $0x4  }
0x17a: {  	v3 =	vadd.f32 v3, v2;
	_ =	sdelay $0x1  }
0x17b: {  	[tilespmem:s0+$0xFFFFFE40] =	vst v3  }
0x17c: {  	v3 =	vld [tilespmem:s31+$0xFFFFFEC0];
	_ =	sdelay $0x4  }
0x17d: {  	v3 =	vadd.f32 v3, v2;
	_ =	sdelay $0x1  }
0x17e: {  	[tilespmem:s0+$0xFFFFFEC0] =	vst v3  }
0x17f: {  	v3 =	vld [tilespmem:s31+$0xFFFFFF40];
	_ =	sdelay $0x4  }
0x180: {  	v3 =	vadd.f32 v3, v2;
	_ =	sdelay $0x1  }
0x181: {  	[tilespmem:s0+$0xFFFFFF40] =	vst v3  }
0x182: {  	v3 =	vld [tilespmem:s31+$0xFFFFFFC0];
	_ =	sdelay $0x4  }
0x183: {  	v3 =	vadd.f32 v3, v2;
	_ =	sdelay $0x1  }
0x184: {  	[tilespmem:s0+$0xFFFFFFC0] =	vst v3  }
0x185: {  	v3 =	vld [tilespmem:s31+$0x40];
	_ =	sdelay $0x4  }
0x186: {  	v3 =	vadd.f32 v3, v2;
	_ =	sdelay $0x1  }
0x187: {  	[tilespmem:s0+$0x40] =	vst v3  }
0x188: {  	v3 =	vld [tilespmem:s31+$0xC0];
	_ =	sdelay $0x4  }
0x189: {  	v3 =	vadd.f32 v3, v2;
	_ =	sdelay $0x1  }
0x18a: {  	[tilespmem:s0+$0xC0] =	vst v3  }
0x18b: {  	v3 =	vld [tilespmem:s31+$0x140];
	_ =	sdelay $0x4  }
0x18c: {  	v3 =	vadd.f32 v3, v2;
	_ =	sdelay $0x1  }
0x18d: {  	[tilespmem:s0+$0x140] =	vst v3  }
0x18e: {  	v3 =	vld [tilespmem:s31+$0x1C0];
	_ =	sdelay $0x4  }
0x18f: {  	v2 =	vadd.f32 v3, v2;
	_ =	sdelay $0x1  }
0x190: {  	[tilespmem:s0+$0x1C0] =	vst v2  }
0x191: {  	v2 =	vld [tilespmem:s30+$0x10]  }
0x192: {  	v3 =	vld [tilespmem:s31+$0xFFFFFE50];
	_ =	sdelay $0x4  }
0x193: {  	v3 =	vadd.f32 v3, v2;
	_ =	sdelay $0x1  }
0x194: {  	[tilespmem:s0+$0xFFFFFE50] =	vst v3  }
0x195: {  	v3 =	vld [tilespmem:s31+$0xFFFFFED0];
	_ =	sdelay $0x4  }
0x196: {  	v3 =	vadd.f32 v3, v2;
	_ =	sdelay $0x1  }
0x197: {  	[tilespmem:s0+$0xFFFFFED0] =	vst v3  }
0x198: {  	v3 =	vld [tilespmem:s31+$0xFFFFFF50];
	_ =	sdelay $0x4  }
0x199: {  	v3 =	vadd.f32 v3, v2;
	_ =	sdelay $0x1  }
0x19a: {  	[tilespmem:s0+$0xFFFFFF50] =	vst v3  }
0x19b: {  	v3 =	vld [tilespmem:s31+$0xFFFFFFD0];
	_ =	sdelay $0x4  }
0x19c: {  	v3 =	vadd.f32 v3, v2;
	_ =	sdelay $0x1  }
0x19d: {  	[tilespmem:s0+$0xFFFFFFD0] =	vst v3  }
0x19e: {  	v3 =	vld [tilespmem:s31+$0x50];
	_ =	sdelay $0x4  }
0x19f: {  	v3 =	vadd.f32 v3, v2;
	_ =	sdelay $0x1  }
0x1a0: {  	[tilespmem:s0+$0x50] =	vst v3  }
0x1a1: {  	v3 =	vld [tilespmem:s31+$0xD0];
	_ =	sdelay $0x4  }
0x1a2: {  	v3 =	vadd.f32 v3, v2;
	_ =	sdelay $0x1  }
0x1a3: {  	[tilespmem:s0+$0xD0] =	vst v3  }
0x1a4: {  	v3 =	vld [tilespmem:s31+$0x150];
	_ =	sdelay $0x4  }
0x1a5: {  	v3 =	vadd.f32 v3, v2;
	_ =	sdelay $0x1  }
0x1a6: {  	[tilespmem:s0+$0x150] =	vst v3  }
0x1a7: {  	v3 =	vld [tilespmem:s31+$0x1D0];
	_ =	sdelay $0x4  }
0x1a8: {  	v2 =	vadd.f32 v3, v2;
	_ =	sdelay $0x1  }
0x1a9: {  	[tilespmem:s0+$0x1D0] =	vst v2  }
0x1aa: {  	v2 =	vld [tilespmem:s30+$0x20]  }
0x1ab: {  	v3 =	vld [tilespmem:s31+$0xFFFFFE60];
	_ =	sdelay $0x4  }
0x1ac: {  	v3 =	vadd.f32 v3, v2;
	_ =	sdelay $0x1  }
0x1ad: {  	[tilespmem:s0+$0xFFFFFE60] =	vst v3  }
0x1ae: {  	v3 =	vld [tilespmem:s31+$0xFFFFFEE0];
	_ =	sdelay $0x4  }
0x1af: {  	v3 =	vadd.f32 v3, v2;
	_ =	sdelay $0x1  }
0x1b0: {  	[tilespmem:s0+$0xFFFFFEE0] =	vst v3  }
0x1b1: {  	v3 =	vld [tilespmem:s31+$0xFFFFFF60];
	_ =	sdelay $0x4  }
0x1b2: {  	v3 =	vadd.f32 v3, v2;
	_ =	sdelay $0x1  }
0x1b3: {  	[tilespmem:s0+$0xFFFFFF60] =	vst v3  }
0x1b4: {  	v3 =	vld [tilespmem:s31+$0xFFFFFFE0];
	_ =	sdelay $0x4  }
0x1b5: {  	v3 =	vadd.f32 v3, v2;
	_ =	sdelay $0x1  }
0x1b6: {  	[tilespmem:s0+$0xFFFFFFE0] =	vst v3  }
0x1b7: {  	v3 =	vld [tilespmem:s31+$0x60];
	_ =	sdelay $0x4  }
0x1b8: {  	v3 =	vadd.f32 v3, v2;
	_ =	sdelay $0x1  }
0x1b9: {  	[tilespmem:s0+$0x60] =	vst v3  }
0x1ba: {  	v3 =	vld [tilespmem:s31+$0xE0];
	_ =	sdelay $0x4  }
0x1bb: {  	v3 =	vadd.f32 v3, v2;
	_ =	sdelay $0x1  }
0x1bc: {  	[tilespmem:s0+$0xE0] =	vst v3  }
0x1bd: {  	v3 =	vld [tilespmem:s31+$0x160];
	_ =	sdelay $0x4  }
0x1be: {  	v3 =	vadd.f32 v3, v2;
	_ =	sdelay $0x1  }
0x1bf: {  	[tilespmem:s0+$0x160] =	vst v3  }
0x1c0: {  	v3 =	vld [tilespmem:s31+$0x1E0];
	_ =	sdelay $0x4  }
0x1c1: {  	v2 =	vadd.f32 v3, v2;
	_ =	sdelay $0x1  }
0x1c2: {  	[tilespmem:s0+$0x1E0] =	vst v2  }
0x1c3: {  	v2 =	vld [tilespmem:s30+$0x30]  }
0x1c4: {  	v3 =	vld [tilespmem:s31+$0xFFFFFE70];
	_ =	sdelay $0x4  }
0x1c5: {  	v3 =	vadd.f32 v3, v2;
	_ =	sdelay $0x1  }
0x1c6: {  	[tilespmem:s0+$0xFFFFFE70] =	vst v3  }
0x1c7: {  	v3 =	vld [tilespmem:s31+$0xFFFFFEF0];
	_ =	sdelay $0x4  }
0x1c8: {  	v3 =	vadd.f32 v3, v2;
	_ =	sdelay $0x1  }
0x1c9: {  	[tilespmem:s0+$0xFFFFFEF0] =	vst v3  }
0x1ca: {  	v3 =	vld [tilespmem:s31+$0xFFFFFF70];
	_ =	sdelay $0x4  }
0x1cb: {  	v3 =	vadd.f32 v3, v2;
	_ =	sdelay $0x1  }
0x1cc: {  	[tilespmem:s0+$0xFFFFFF70] =	vst v3  }
0x1cd: {  	v3 =	vld [tilespmem:s31+$0xFFFFFFF0];
	_ =	sdelay $0x4  }
0x1ce: {  	v3 =	vadd.f32 v3, v2;
	_ =	sdelay $0x1  }
0x1cf: {  	[tilespmem:s0+$0xFFFFFFF0] =	vst v3  }
0x1d0: {  	v3 =	vld [tilespmem:s31+$0x70];
	_ =	sdelay $0x4  }
0x1d1: {  	v3 =	vadd.f32 v3, v2;
	_ =	sdelay $0x1  }
0x1d2: {  	[tilespmem:s0+$0x70] =	vst v3  }
0x1d3: {  	v3 =	vld [tilespmem:s31+$0xF0];
	_ =	sdelay $0x4  }
0x1d4: {  	v3 =	vadd.f32 v3, v2;
	_ =	sdelay $0x1  }
0x1d5: {  	[tilespmem:s0+$0xF0] =	vst v3  }
0x1d6: {  	v3 =	vld [tilespmem:s31+$0x170];
	_ =	sdelay $0x4  }
0x1d7: {  	v3 =	vadd.f32 v3, v2;
	_ =	sdelay $0x1  }
0x1d8: {  	[tilespmem:s0+$0x170] =	vst v3  }
0x1d9: {  	v3 =	vld [tilespmem:s31+$0x1F0]  }
0x1da: {  	s29 =	sadd.s32 $0x8, s29  }
0x1db: {  	p0 =	slt.u32 s29, $0x38  }
.Ltmp6:
0x1dc: {  	_ = 	snop;
	(pc) =	sbr.rel @p0 .LBB2_9-.Ltmp6, $3  }
0x1dd: {  	_ = 	snop  }
0x1de: {  	v2 =	vadd.f32 v3, v2;
	_ =	sdelay $0x1  }
0x1df: {  	s30 =	sadd.s32 $0x80, s30;
	s31 =	sadd.s32 $0x400, s31;
	[tilespmem:s0+$0x1F0] =	vst v2;
	s0 =	sadd.s32 $0x400, s0  }
0x1e0: {  	p0 =	seq.s32 s26, $0xF  }
.Ltmp7:
0x1e1: {  	_ = 	snop;
	(pc) =	sbr.rel @p0 .LBB2_12-.Ltmp7, $4  }
0x1e2: {  	s0 =	sadd.s32 s11, s28  }
0x1e3: {  	s0 =	sshrl.u32 s0, $0x3  }
0x1e4: {  	s0 =	sadd.s32 s5, s0  }
0x1e5: {  	[hbm4b:s0+s4] =	stream.linear.scatter [tilespmem:s23], [sflag:$0x5], $0x2000, $0x38;
	[tilespmem:$0x8480] =	vst v63  }
.Ltmp8:
0x1e6: {  	(pc) =	sbr.rel .LBB2_2-.Ltmp8, $4  }
0x1e7: {  	s0 =	sadd.s32 s28, s12  }
0x1e8: {  	s0 =	sshrl.u32 s0, $0x3  }
0x1e9: {  	s26 =	sadd.s32 $0x1, s26;
	s0 =	sadd.s32 s1, s0  }
0x1ea: {  	[tilespmem:s18], [sflag:$0x3] =	stream.linear.gather [hbm4b:s0+s4], $0x2000, $0x38;
	[tilespmem:$0x8480] =	vst v63  }
.LBB2_13:
0x1eb: {  	_ =	sfence.sel $0x180000  }
0x1ec: {  	[bflag:$0x0] =	sbarrier.arrive $0xFFFF  }
0x1ed: {  	_ =	strace $0x90000047  }
0x1ee: {  	[bflag:$0x2] =	sbarrier.arrive $0xFFFF  }
0x1ef: {  	p0 =	sne.s32 s2, $0x0;
	s0 =	rddreg [dreg:$0x4]  }
0x1f0: {  	s0 =	sadd.s32 @!p0 $0x100000, s0  }
0x1f1: {  	[sflag:s0] =	ssyncadd.tile.s32 @!p0 $0x1;
	_ =	shalt  }
.Lfunc_end2:
_tile_overlayer_lowered:
.L_overlay_start_2:
0x1f2: {  	(tag) =	ssettag $0x2  }
0x1f3: {  	s0 =	rddreg [dreg:$0x0];
	s2 =	stileid.u32  }
0x1f4: {  	s1 =	rddreg [dreg:$0x1];
	p0 =	sne.s32 s2, $0x0  }
0x1f5: {  	s3 =	rddreg [dreg:$0x2];
	[bflag:$0x3] =	sbarrier.arrive $0xFFFF;
	s2 =	simm.s32 @!p0 $0x1C06  }
0x1f6: {  	[timem:s3], [sflag:s2] =	dma.local @!p0 [hbm:s0], s1  }
0x1f7: {  	s0 =	simm.s32 @!p0 $0x6  }
0x1f8: {  	_ =	swait.ge @!p0 [sflag:s0], s1  }
0x1f9: {  	s1 =	ssub.s32 @!p0 $0x0, s1;
	[sflag:s0] =	ssyncset.done @!p0 $0x0  }
0x1fa: {  	[sflag:s0] =	ssyncadd.s32 @!p0 s1  }
0x1fb: {  	[bflag:$0x3] =	sbarrier.arrive $0xFFFF  }
0x1fc: {  	_ =	shalt  }

</sc_bundles>
